<compile_context>
chip_gen: v7x
topology: tpu7x:2x2x1
jax: 0.10.2.dev20260603
libtpu: 0.0.44.dev20260713+nightly
codegen_flags: <defaults>
</compile_context>

<pallas_src>
import functools

import jax
import jax.numpy as jnp
from jax import lax
from jax.experimental import pallas as pl
from jax.experimental.pallas import tpu as pltpu
from jax.experimental.pallas import tpu_sc as plsc

N_DOCS = 16384
VOCAB = 16384
ROW = 164
QN = 128
TOP_K = 10

NC = 2
NS = 16
NW = NC * NS
DOCS_PER_TILE = N_DOCS // NW
CHUNK_DOCS = 128
CHUNK_NNZ = CHUNK_DOCS * ROW
N_CHUNKS = DOCS_PER_TILE // CHUNK_DOCS
GROUPS = CHUNK_DOCS // 16


def _sc_scores_body(qidx_h, qval_h, col_h, cval_h, scores_h,
                    qd, qidx_v, qval_v, colb0, colb1,
                    cvalb0, cvalb1, outb, sem0, sem1):
    colb = (colb0, colb1)
    cvalb = (cvalb0, cvalb1)
    sems = (sem0, sem1)
    c = lax.axis_index("c")
    s = lax.axis_index("s")
    wid = s * NC + c
    doc0 = wid * DOCS_PER_TILE
    nnz0 = doc0 * ROW

    lane = lax.iota(jnp.int32, 16)
    zero16 = jnp.zeros((16,), jnp.float32)

    def start_fetch(chunk, slot):
        nb = nnz0 + chunk * CHUNK_NNZ
        pltpu.async_copy(col_h.at[pl.ds(nb, CHUNK_NNZ)], colb[slot],
                         sems[slot])
        pltpu.async_copy(cval_h.at[pl.ds(nb, CHUNK_NNZ)], cvalb[slot],
                         sems[slot])

    def wait_fetch(chunk, slot):
        nb = nnz0 + chunk * CHUNK_NNZ
        pltpu.make_async_copy(col_h.at[pl.ds(nb, CHUNK_NNZ)], colb[slot],
                              sems[slot]).wait()
        pltpu.make_async_copy(cval_h.at[pl.ds(nb, CHUNK_NNZ)], cvalb[slot],
                              sems[slot]).wait()

    start_fetch(0, 0)
    start_fetch(1, 1)
    pltpu.sync_copy(qidx_h, qidx_v)
    pltpu.sync_copy(qval_h, qval_v)

    def zbody(i, _):
        qd[pl.ds(i * 16, 16)] = zero16
        return ()
    lax.fori_loop(0, VOCAB // 16, zbody, (), unroll=4)

    def dbody(i, _):
        idx = qidx_v[pl.ds(i * 16, 16)]
        val = qval_v[pl.ds(i * 16, 16)]
        for l in range(16):
            plsc.addupdate_scatter(qd, [idx], val, mask=lane == l)
        return ()
    lax.fori_loop(0, QN // 16, dbody, ())

    iota_row = lane * ROW

    for chunk in range(N_CHUNKS):
        slot = chunk % 2
        wait_fetch(chunk, slot)

        def group_body(g, _, slot=slot, chunk=chunk):
            pos0 = iota_row + g * (16 * ROW) + lane

            def inner(k, carry):
                a0, a1, a2, a3, a4, a5, pos, off = carry
                cols = plsc.load_gather(colb[slot], [pos])
                vals = plsc.load_gather(cvalb[slot], [pos])
                q = plsc.load_gather(qd, [cols])
                off1 = off + 1
                wrap = off1 == ROW
                off2 = jnp.where(wrap, 0, off1)
                pos2 = jnp.where(wrap, pos + 1 - ROW, pos + 1)
                return a1, a2, a3, a4, a5, a0 + vals * q, pos2, off2

            a0, a1, a2, a3, a4, a5, _pos, _off = lax.fori_loop(
                0, ROW, inner,
                (zero16, zero16, zero16, zero16, zero16, zero16,
                 pos0, lane),
                unroll=8)
            acc = ((a0 + a1) + (a2 + a3)) + (a4 + a5)
            outb[pl.ds(chunk * CHUNK_DOCS + g * 16, 16)] = acc
            return ()
        lax.fori_loop(0, GROUPS, group_body, ())
        if chunk + 2 < N_CHUNKS:
            start_fetch(chunk + 2, slot)

    pltpu.sync_copy(outb, scores_h.at[pl.ds(doc0, DOCS_PER_TILE)])


_sc_scores = pl.kernel(
    _sc_scores_body,
    out_type=jax.ShapeDtypeStruct((N_DOCS,), jnp.float32),
    mesh=plsc.VectorSubcoreMesh(
        core_axis_name="c", subcore_axis_name="s",
        num_cores=NC, num_subcores=NS),
    compiler_params=pltpu.CompilerParams(
        needs_layout_passes=False, skip_device_barrier=True),
    scratch_types=[
        pltpu.VMEM((VOCAB,), jnp.float32),
        pltpu.VMEM((QN,), jnp.int32),
        pltpu.VMEM((QN,), jnp.float32),
        pltpu.VMEM((CHUNK_NNZ,), jnp.int32),
        pltpu.VMEM((CHUNK_NNZ,), jnp.int32),
        pltpu.VMEM((CHUNK_NNZ,), jnp.float32),
        pltpu.VMEM((CHUNK_NNZ,), jnp.float32),
        pltpu.VMEM((DOCS_PER_TILE,), jnp.float32),
        pltpu.SemaphoreType.DMA,
        pltpu.SemaphoreType.DMA,
    ],
)


def _topk_body(s_ref, vout_ref, iout_ref):
    s = s_ref[...]
    row = lax.broadcasted_iota(jnp.int32, (128, 128), 0)
    neg = jnp.float32(-jnp.inf)
    big = jnp.int32(2 ** 30)
    cms, rms = [], []
    for _ in range(TOP_K):
        cm = jnp.max(s, axis=0, keepdims=True)
        rm = jnp.min(jnp.where(s == cm, row, 128), axis=0, keepdims=True)
        cms.append(cm)
        rms.append(rm)
        s = jnp.where(row == rm, neg, s)
    r16 = lax.broadcasted_iota(jnp.int32, (16, 128), 0)
    c16 = lax.broadcasted_iota(jnp.int32, (16, 128), 1)
    cand = jnp.full((16, 128), neg, jnp.float32)
    flat = jnp.full((16, 128), big, jnp.int32)
    for i in range(TOP_K):
        cand = jnp.where(r16 == i, cms[i], cand)
        flat = jnp.where(r16 == i, rms[i] * 128 + c16, flat)
    lane = lax.broadcasted_iota(jnp.int32, (1, 128), 1)
    vacc = jnp.zeros((1, 128), jnp.float32)
    iacc = jnp.zeros((1, 128), jnp.int32)
    for i in range(TOP_K):
        m = jnp.max(cand, axis=(0, 1), keepdims=True)
        idx = jnp.min(jnp.where(cand == m, flat, big), axis=(0, 1),
                      keepdims=True)
        vacc = jnp.where(lane == i, m, vacc)
        iacc = jnp.where(lane == i, idx, iacc)
        cand = jnp.where(flat == idx, neg, cand)
    vout_ref[...] = lax.squeeze(lax.slice(vacc, (0, 0), (1, TOP_K)), (0,))
    iout_ref[...] = lax.squeeze(lax.slice(iacc, (0, 0), (1, TOP_K)), (0,))


_tc_topk = pl.pallas_call(
    _topk_body,
    out_shape=(
        jax.ShapeDtypeStruct((TOP_K,), jnp.float32),
        jax.ShapeDtypeStruct((TOP_K,), jnp.int32),
    ),
    compiler_params=pltpu.CompilerParams(skip_device_barrier=True),
)


@jax.jit
def kernel(indices, values, crow, col, coll_vals):
    qidx = indices[0].astype(jnp.int32)
    qval = values[0].astype(jnp.float32)
    scores = _sc_scores(qidx, qval, col.astype(jnp.int32), coll_vals)
    return _tc_topk(scores.reshape(128, 128))

# --- scband reference (transcript-rebuilt; emitter-appended) ---
"""Pipeline reference for scband-csrsparse-retrieval-model-48928267436211 (READ-ONLY COPY).

The authoritative reference and input builder live on the scoring server;
editing this copy changes nothing except your own understanding.
"""

import jax, jax.numpy as jnp
import numpy as np

N_DOCS = 16384
VOCAB = 16384
NNZ_PER_ROW = 164
Q_NNZ = 128
TOP_K = 10


def setup_inputs(seed: int = 0) -> dict:
    key = jax.random.key(seed)
    k1, k2, k3, k4 = jax.random.split(key, 4)
    # query sparse-COO representation: indices [1, Q_NNZ], values [1, Q_NNZ]
    indices = jax.random.randint(k1, (1, Q_NNZ), 0, VOCAB)
    values = jax.random.normal(k2, (1, Q_NNZ), dtype=jnp.float32)
    # collection CSR parameters (non-trainable buffers in the torch module)
    nnz = N_DOCS * NNZ_PER_ROW
    crow = jnp.arange(0, nnz + 1, NNZ_PER_ROW, dtype=jnp.int32)
    col = jax.random.randint(k3, (nnz,), 0, VOCAB)
    coll_vals = jax.random.normal(k4, (nnz,), dtype=jnp.float32) * 0.1
    return {"indices": indices, "values": values, "crow": crow, "col": col, "coll_vals": coll_vals}


def reference(indices, values, crow, col, coll_vals):
    # 1) densify sparse COO query: duplicates sum (torch coalesce semantics)
    q_dense = jnp.zeros((VOCAB,), dtype=coll_vals.dtype).at[indices[0]].add(values[0])
    # 2) CSR matvec: scores = A @ q_dense  (A is [N_DOCS, VOCAB] in CSR)
    nnz = col.shape[0]
    # row id of nonzero j: number of crow boundaries <= j, minus 1
    row_ids = jnp.searchsorted(crow, jnp.arange(nnz), side='right') - 1
    contrib = coll_vals * jnp.take(q_dense, col)
    scores = jax.ops.segment_sum(contrib, row_ids, num_segments=N_DOCS)
    # 3) top-k over docs (dim 0)
    top_vals, top_idx = jax.lax.top_k(scores, TOP_K)
    return top_vals, top_idx

if __name__ == "__main__":
    import jax
    _d = setup_inputs()
    print(jax.jit(kernel)(*tuple(_d.values())))

</pallas_src>

<mosaic_0001>
#map = affine_map<(d0, d1) -> (0)>
module attributes {stable_mosaic.version = 14 : i64} {
  func.func @_sc_scores_body(%arg0: i32, %arg1: i32, %arg2: memref<128xi32, #tpu.memory_space<hbm>>, %arg3: memref<128xf32, #tpu.memory_space<hbm>>, %arg4: memref<2686976xi32, #tpu.memory_space<hbm>>, %arg5: memref<2686976xf32, #tpu.memory_space<hbm>>, %arg6: memref<16384xf32, #tpu.memory_space<hbm>>, %arg7: memref<16384xf32, #tpu.memory_space<vmem>>, %arg8: memref<128xi32, #tpu.memory_space<vmem>>, %arg9: memref<128xf32, #tpu.memory_space<vmem>>, %arg10: memref<20992xi32, #tpu.memory_space<vmem>>, %arg11: memref<20992xi32, #tpu.memory_space<vmem>>, %arg12: memref<20992xf32, #tpu.memory_space<vmem>>, %arg13: memref<20992xf32, #tpu.memory_space<vmem>>, %arg14: memref<512xf32, #tpu.memory_space<vmem>>, %arg15: memref<!tpu.dma_semaphore, #tpu.memory_space<semaphore_mem>>, %arg16: memref<!tpu.dma_semaphore, #tpu.memory_space<semaphore_mem>>) attributes {dimension_semantics = [#tpu.dimension_semantics<core_parallel>, #tpu.dimension_semantics<subcore_parallel>], iteration_bounds = array<i64: 2, 16>, scalar_prefetch = 0 : i64, scratch_operands = 10 : i64, tpu.core_type = #tpu.core_type<sc_vector_subcore>, window_params = [{transform_indices = #map}, {transform_indices = #map}, {transform_indices = #map}, {transform_indices = #map}, {transform_indices = #map}]} {
    %mul3A = arith.constant 2 : i32
    %mul3A_0 = arith.muli %arg1, %mul3A : i32
    %add3A = arith.addi %mul3A_0, %arg0 : i32
    %mul3A_1 = arith.constant 512 : i32
    %mul3A_2 = arith.muli %add3A, %mul3A_1 : i32
    %mul3A_3 = arith.constant 164 : i32
    %mul3A_4 = arith.muli %mul3A_2, %mul3A_3 : i32
    %iota3A = tpu.iota {dimensions = array<i32: 0>} : vector<16xi32>
    %broadcast_in_dim3A = arith.constant 0.000000e+00 : f32
    %broadcast_in_dim3A_5 = vector.broadcast %broadcast_in_dim3A : f32 to vector<16xf32>
    %add3A_6 = arith.constant 0 : i32
    %add3A_7 = arith.addi %mul3A_4, %add3A_6 : i32
    %dma_start3A = tpu.memref_slice %arg4[%add3A_7] : memref<2686976xi32, #tpu.memory_space<hbm>> -> memref<20992xi32, #tpu.memory_space<hbm>>
    %dma_start3A_8 = tpu.memref_slice %arg4[%add3A_7] : memref<2686976xi32, #tpu.memory_space<hbm>> -> memref<20992xi32, #tpu.memory_space<hbm>>
    tpu.enqueue_dma source(%dma_start3A_8 : memref<20992xi32, #tpu.memory_space<hbm>>) target(%arg10 : memref<20992xi32, #tpu.memory_space<vmem>>) target_semaphore(%arg15 : memref<!tpu.dma_semaphore, #tpu.memory_space<semaphore_mem>>)
    %dma_start3A_9 = tpu.memref_slice %arg5[%add3A_7] : memref<2686976xf32, #tpu.memory_space<hbm>> -> memref<20992xf32, #tpu.memory_space<hbm>>
    %dma_start3A_10 = tpu.memref_slice %arg5[%add3A_7] : memref<2686976xf32, #tpu.memory_space<hbm>> -> memref<20992xf32, #tpu.memory_space<hbm>>
    tpu.enqueue_dma source(%dma_start3A_10 : memref<20992xf32, #tpu.memory_space<hbm>>) target(%arg12 : memref<20992xf32, #tpu.memory_space<vmem>>) target_semaphore(%arg15 : memref<!tpu.dma_semaphore, #tpu.memory_space<semaphore_mem>>)
    %add3A_11 = arith.constant 20992 : i32
    %add3A_12 = arith.addi %mul3A_4, %add3A_11 : i32
    %dma_start3A_13 = tpu.memref_slice %arg4[%add3A_12] : memref<2686976xi32, #tpu.memory_space<hbm>> -> memref<20992xi32, #tpu.memory_space<hbm>>
    %dma_start3A_14 = tpu.memref_slice %arg4[%add3A_12] : memref<2686976xi32, #tpu.memory_space<hbm>> -> memref<20992xi32, #tpu.memory_space<hbm>>
    tpu.enqueue_dma source(%dma_start3A_14 : memref<20992xi32, #tpu.memory_space<hbm>>) target(%arg11 : memref<20992xi32, #tpu.memory_space<vmem>>) target_semaphore(%arg16 : memref<!tpu.dma_semaphore, #tpu.memory_space<semaphore_mem>>)
    %dma_start3A_15 = tpu.memref_slice %arg5[%add3A_12] : memref<2686976xf32, #tpu.memory_space<hbm>> -> memref<20992xf32, #tpu.memory_space<hbm>>
    %dma_start3A_16 = tpu.memref_slice %arg5[%add3A_12] : memref<2686976xf32, #tpu.memory_space<hbm>> -> memref<20992xf32, #tpu.memory_space<hbm>>
    tpu.enqueue_dma source(%dma_start3A_16 : memref<20992xf32, #tpu.memory_space<hbm>>) target(%arg13 : memref<20992xf32, #tpu.memory_space<vmem>>) target_semaphore(%arg16 : memref<!tpu.dma_semaphore, #tpu.memory_space<semaphore_mem>>)
    "tpu.region"() ({
      %run_scoped3A = tpu.sem_alloc : memref<!tpu.dma_semaphore, #tpu.memory_space<semaphore_mem>>
      tpu.enqueue_dma source(%arg2 : memref<128xi32, #tpu.memory_space<hbm>>) target(%arg8 : memref<128xi32, #tpu.memory_space<vmem>>) target_semaphore(%run_scoped3A : memref<!tpu.dma_semaphore, #tpu.memory_space<semaphore_mem>>)
      tpu.wait_dma2 semaphore(%run_scoped3A : memref<!tpu.dma_semaphore, #tpu.memory_space<semaphore_mem>>) src(%arg2 : memref<128xi32, #tpu.memory_space<hbm>>) dst(%arg8 : memref<128xi32, #tpu.memory_space<vmem>>)
      tpu.yield
    }) : () -> ()
    "tpu.region"() ({
      %run_scoped3A = tpu.sem_alloc : memref<!tpu.dma_semaphore, #tpu.memory_space<semaphore_mem>>
      tpu.enqueue_dma source(%arg3 : memref<128xf32, #tpu.memory_space<hbm>>) target(%arg9 : memref<128xf32, #tpu.memory_space<vmem>>) target_semaphore(%run_scoped3A : memref<!tpu.dma_semaphore, #tpu.memory_space<semaphore_mem>>)
      tpu.wait_dma2 semaphore(%run_scoped3A : memref<!tpu.dma_semaphore, #tpu.memory_space<semaphore_mem>>) src(%arg3 : memref<128xf32, #tpu.memory_space<hbm>>) dst(%arg9 : memref<128xf32, #tpu.memory_space<vmem>>)
      tpu.yield
    }) : () -> ()
    %scan3A = arith.constant 0 : i32
    %scan3A_17 = arith.constant 1024 : i32
    %scan3A_18 = arith.addi %scan3A, %scan3A_17 : i32
    %scan3A_19 = arith.constant 4 : i32
    scf.for %scan3A_84 = %scan3A to %scan3A_18 step %scan3A_19  : i32 {
      %mul3A_85 = arith.constant 16 : i32
      %mul3A_86 = arith.muli %scan3A_84, %mul3A_85 : i32
      %swap3A = arith.index_cast %mul3A_86 : i32 to index
      %swap3A_87 = tpu.vector_load %arg7[%swap3A] {strides = array<i32>} : memref<16384xf32, #tpu.memory_space<vmem>>, vector<16xf32>,
      tpu.vector_store %arg7[%swap3A], %broadcast_in_dim3A_5 {strides = array<i32>} : memref<16384xf32, #tpu.memory_space<vmem>>, vector<16xf32>,
      %scan3A_88 = arith.constant 1 : i32
      %scan3A_89 = arith.addi %scan3A_84, %scan3A_88 : i32
      %mul3A_90 = arith.constant 16 : i32
      %mul3A_91 = arith.muli %scan3A_89, %mul3A_90 : i32
      %swap3A_92 = arith.index_cast %mul3A_91 : i32 to index
      %swap3A_93 = tpu.vector_load %arg7[%swap3A_92] {strides = array<i32>} : memref<16384xf32, #tpu.memory_space<vmem>>, vector<16xf32>,
      tpu.vector_store %arg7[%swap3A_92], %broadcast_in_dim3A_5 {strides = array<i32>} : memref<16384xf32, #tpu.memory_space<vmem>>, vector<16xf32>,
      %scan3A_94 = arith.constant 2 : i32
      %scan3A_95 = arith.addi %scan3A_84, %scan3A_94 : i32
      %mul3A_96 = arith.constant 16 : i32
      %mul3A_97 = arith.muli %scan3A_95, %mul3A_96 : i32
      %swap3A_98 = arith.index_cast %mul3A_97 : i32 to index
      %swap3A_99 = tpu.vector_load %arg7[%swap3A_98] {strides = array<i32>} : memref<16384xf32, #tpu.memory_space<vmem>>, vector<16xf32>,
      tpu.vector_store %arg7[%swap3A_98], %broadcast_in_dim3A_5 {strides = array<i32>} : memref<16384xf32, #tpu.memory_space<vmem>>, vector<16xf32>,
      %scan3A_100 = arith.constant 3 : i32
      %scan3A_101 = arith.addi %scan3A_84, %scan3A_100 : i32
      %mul3A_102 = arith.constant 16 : i32
      %mul3A_103 = arith.muli %scan3A_101, %mul3A_102 : i32
      %swap3A_104 = arith.index_cast %mul3A_103 : i32 to index
      %swap3A_105 = tpu.vector_load %arg7[%swap3A_104] {strides = array<i32>} : memref<16384xf32, #tpu.memory_space<vmem>>, vector<16xf32>,
      tpu.vector_store %arg7[%swap3A_104], %broadcast_in_dim3A_5 {strides = array<i32>} : memref<16384xf32, #tpu.memory_space<vmem>>, vector<16xf32>,
    }
    %scan3A_20 = arith.constant 1024 : i32
    %scan3A_21 = arith.constant 0 : i32
    %scan3A_22 = arith.constant 8 : i32
    %scan3A_23 = arith.addi %scan3A_21, %scan3A_22 : i32
    %scan3A_24 = arith.constant 1 : i32
    scf.for %scan3A_84 = %scan3A_21 to %scan3A_23 step %scan3A_24  : i32 {
      %mul3A_85 = arith.constant 16 : i32
      %mul3A_86 = arith.muli %scan3A_84, %mul3A_85 : i32
      %get3A = arith.index_cast %mul3A_86 : i32 to index
      %get3A_87 = tpu.vector_load %arg8[%get3A] {strides = array<i32>} : memref<128xi32, #tpu.memory_space<vmem>>, vector<16xi32>,
      %mul3A_88 = arith.constant 16 : i32
      %mul3A_89 = arith.muli %scan3A_84, %mul3A_88 : i32
      %get3A_90 = arith.index_cast %mul3A_89 : i32 to index
      %get3A_91 = tpu.vector_load %arg9[%get3A_90] {strides = array<i32>} : memref<128xf32, #tpu.memory_space<vmem>>, vector<16xf32>,
      %eq3A = arith.constant 0 : i32
      %eq3A_92 = vector.broadcast %eq3A : i32 to vector<16xi32>
      %eq3A_93 = arith.cmpi eq, %iota3A, %eq3A_92 : vector<16xi32>
      tpu.vector_store_idx %arg7[%get3A_87], %get3A_91 masked %eq3A_93 {add = true} : memref<16384xf32, #tpu.memory_space<vmem>>[vector<16xi32>], vector<16xf32>, vector<16xi1>
      %eq3A_94 = arith.constant 1 : i32
      %eq3A_95 = vector.broadcast %eq3A_94 : i32 to vector<16xi32>
      %eq3A_96 = arith.cmpi eq, %iota3A, %eq3A_95 : vector<16xi32>
      tpu.vector_store_idx %arg7[%get3A_87], %get3A_91 masked %eq3A_96 {add = true} : memref<16384xf32, #tpu.memory_space<vmem>>[vector<16xi32>], vector<16xf32>, vector<16xi1>
      %eq3A_97 = arith.constant 2 : i32
      %eq3A_98 = vector.broadcast %eq3A_97 : i32 to vector<16xi32>
      %eq3A_99 = arith.cmpi eq, %iota3A, %eq3A_98 : vector<16xi32>
      tpu.vector_store_idx %arg7[%get3A_87], %get3A_91 masked %eq3A_99 {add = true} : memref<16384xf32, #tpu.memory_space<vmem>>[vector<16xi32>], vector<16xf32>, vector<16xi1>
      %eq3A_100 = arith.constant 3 : i32
      %eq3A_101 = vector.broadcast %eq3A_100 : i32 to vector<16xi32>
      %eq3A_102 = arith.cmpi eq, %iota3A, %eq3A_101 : vector<16xi32>
      tpu.vector_store_idx %arg7[%get3A_87], %get3A_91 masked %eq3A_102 {add = true} : memref<16384xf32, #tpu.memory_space<vmem>>[vector<16xi32>], vector<16xf32>, vector<16xi1>
      %eq3A_103 = arith.constant 4 : i32
      %eq3A_104 = vector.broadcast %eq3A_103 : i32 to vector<16xi32>
      %eq3A_105 = arith.cmpi eq, %iota3A, %eq3A_104 : vector<16xi32>
      tpu.vector_store_idx %arg7[%get3A_87], %get3A_91 masked %eq3A_105 {add = true} : memref<16384xf32, #tpu.memory_space<vmem>>[vector<16xi32>], vector<16xf32>, vector<16xi1>
      %eq3A_106 = arith.constant 5 : i32
      %eq3A_107 = vector.broadcast %eq3A_106 : i32 to vector<16xi32>
      %eq3A_108 = arith.cmpi eq, %iota3A, %eq3A_107 : vector<16xi32>
      tpu.vector_store_idx %arg7[%get3A_87], %get3A_91 masked %eq3A_108 {add = true} : memref<16384xf32, #tpu.memory_space<vmem>>[vector<16xi32>], vector<16xf32>, vector<16xi1>
      %eq3A_109 = arith.constant 6 : i32
      %eq3A_110 = vector.broadcast %eq3A_109 : i32 to vector<16xi32>
      %eq3A_111 = arith.cmpi eq, %iota3A, %eq3A_110 : vector<16xi32>
      tpu.vector_store_idx %arg7[%get3A_87], %get3A_91 masked %eq3A_111 {add = true} : memref<16384xf32, #tpu.memory_space<vmem>>[vector<16xi32>], vector<16xf32>, vector<16xi1>
      %eq3A_112 = arith.constant 7 : i32
      %eq3A_113 = vector.broadcast %eq3A_112 : i32 to vector<16xi32>
      %eq3A_114 = arith.cmpi eq, %iota3A, %eq3A_113 : vector<16xi32>
      tpu.vector_store_idx %arg7[%get3A_87], %get3A_91 masked %eq3A_114 {add = true} : memref<16384xf32, #tpu.memory_space<vmem>>[vector<16xi32>], vector<16xf32>, vector<16xi1>
      %eq3A_115 = arith.constant 8 : i32
      %eq3A_116 = vector.broadcast %eq3A_115 : i32 to vector<16xi32>
      %eq3A_117 = arith.cmpi eq, %iota3A, %eq3A_116 : vector<16xi32>
      tpu.vector_store_idx %arg7[%get3A_87], %get3A_91 masked %eq3A_117 {add = true} : memref<16384xf32, #tpu.memory_space<vmem>>[vector<16xi32>], vector<16xf32>, vector<16xi1>
      %eq3A_118 = arith.constant 9 : i32
      %eq3A_119 = vector.broadcast %eq3A_118 : i32 to vector<16xi32>
      %eq3A_120 = arith.cmpi eq, %iota3A, %eq3A_119 : vector<16xi32>
      tpu.vector_store_idx %arg7[%get3A_87], %get3A_91 masked %eq3A_120 {add = true} : memref<16384xf32, #tpu.memory_space<vmem>>[vector<16xi32>], vector<16xf32>, vector<16xi1>
      %eq3A_121 = arith.constant 10 : i32
      %eq3A_122 = vector.broadcast %eq3A_121 : i32 to vector<16xi32>
      %eq3A_123 = arith.cmpi eq, %iota3A, %eq3A_122 : vector<16xi32>
      tpu.vector_store_idx %arg7[%get3A_87], %get3A_91 masked %eq3A_123 {add = true} : memref<16384xf32, #tpu.memory_space<vmem>>[vector<16xi32>], vector<16xf32>, vector<16xi1>
      %eq3A_124 = arith.constant 11 : i32
      %eq3A_125 = vector.broadcast %eq3A_124 : i32 to vector<16xi32>
      %eq3A_126 = arith.cmpi eq, %iota3A, %eq3A_125 : vector<16xi32>
      tpu.vector_store_idx %arg7[%get3A_87], %get3A_91 masked %eq3A_126 {add = true} : memref<16384xf32, #tpu.memory_space<vmem>>[vector<16xi32>], vector<16xf32>, vector<16xi1>
      %eq3A_127 = arith.constant 12 : i32
      %eq3A_128 = vector.broadcast %eq3A_127 : i32 to vector<16xi32>
      %eq3A_129 = arith.cmpi eq, %iota3A, %eq3A_128 : vector<16xi32>
      tpu.vector_store_idx %arg7[%get3A_87], %get3A_91 masked %eq3A_129 {add = true} : memref<16384xf32, #tpu.memory_space<vmem>>[vector<16xi32>], vector<16xf32>, vector<16xi1>
      %eq3A_130 = arith.constant 13 : i32
      %eq3A_131 = vector.broadcast %eq3A_130 : i32 to vector<16xi32>
      %eq3A_132 = arith.cmpi eq, %iota3A, %eq3A_131 : vector<16xi32>
      tpu.vector_store_idx %arg7[%get3A_87], %get3A_91 masked %eq3A_132 {add = true} : memref<16384xf32, #tpu.memory_space<vmem>>[vector<16xi32>], vector<16xf32>, vector<16xi1>
      %eq3A_133 = arith.constant 14 : i32
      %eq3A_134 = vector.broadcast %eq3A_133 : i32 to vector<16xi32>
      %eq3A_135 = arith.cmpi eq, %iota3A, %eq3A_134 : vector<16xi32>
      tpu.vector_store_idx %arg7[%get3A_87], %get3A_91 masked %eq3A_135 {add = true} : memref<16384xf32, #tpu.memory_space<vmem>>[vector<16xi32>], vector<16xf32>, vector<16xi1>
      %eq3A_136 = arith.constant 15 : i32
      %eq3A_137 = vector.broadcast %eq3A_136 : i32 to vector<16xi32>
      %eq3A_138 = arith.cmpi eq, %iota3A, %eq3A_137 : vector<16xi32>
      tpu.vector_store_idx %arg7[%get3A_87], %get3A_91 masked %eq3A_138 {add = true} : memref<16384xf32, #tpu.memory_space<vmem>>[vector<16xi32>], vector<16xf32>, vector<16xi1>
    }
    %scan3A_25 = arith.constant 8 : i32
    %mul3A_26 = arith.constant 164 : i32
    %mul3A_27 = vector.broadcast %mul3A_26 : i32 to vector<16xi32>
    %mul3A_28 = arith.muli %iota3A, %mul3A_27 : vector<16xi32>
    %add3A_29 = arith.constant 0 : i32
    %add3A_30 = arith.addi %mul3A_4, %add3A_29 : i32
    %dma_wait3A = tpu.memref_slice %arg4[%add3A_30] : memref<2686976xi32, #tpu.memory_space<hbm>> -> memref<20992xi32, #tpu.memory_space<hbm>>
    %dma_wait3A_31 = tpu.memref_slice %arg4[%add3A_30] : memref<2686976xi32, #tpu.memory_space<hbm>> -> memref<20992xi32, #tpu.memory_space<hbm>>
    tpu.wait_dma2 semaphore(%arg15 : memref<!tpu.dma_semaphore, #tpu.memory_space<semaphore_mem>>) src(%dma_wait3A_31 : memref<20992xi32, #tpu.memory_space<hbm>>) dst(%arg10 : memref<20992xi32, #tpu.memory_space<vmem>>)
    %dma_wait3A_32 = tpu.memref_slice %arg5[%add3A_30] : memref<2686976xf32, #tpu.memory_space<hbm>> -> memref<20992xf32, #tpu.memory_space<hbm>>
    %dma_wait3A_33 = tpu.memref_slice %arg5[%add3A_30] : memref<2686976xf32, #tpu.memory_space<hbm>> -> memref<20992xf32, #tpu.memory_space<hbm>>
    tpu.wait_dma2 semaphore(%arg15 : memref<!tpu.dma_semaphore, #tpu.memory_space<semaphore_mem>>) src(%dma_wait3A_33 : memref<20992xf32, #tpu.memory_space<hbm>>) dst(%arg12 : memref<20992xf32, #tpu.memory_space<vmem>>)
    %scan3A_34 = arith.constant 0 : i32
    %scan3A_35 = arith.constant 8 : i32
    %scan3A_36 = arith.addi %scan3A_34, %scan3A_35 : i32
    %scan3A_37 = arith.constant 1 : i32
    scf.for %scan3A_84 = %scan3A_34 to %scan3A_36 step %scan3A_37  : i32 {
      %mul3A_85 = arith.constant 2624 : i32
      %mul3A_86 = arith.muli %scan3A_84, %mul3A_85 : i32
      %add3A_87 = vector.broadcast %mul3A_86 : i32 to vector<16xi32>
      %add3A_88 = arith.addi %mul3A_28, %add3A_87 : vector<16xi32>
      %add3A_89 = arith.addi %add3A_88, %iota3A : vector<16xi32>
      %scan3A_90 = arith.constant 0 : i32
      %scan3A_91 = arith.constant 160 : i32
      %scan3A_92 = arith.addi %scan3A_90, %scan3A_91 : i32
      %scan3A_93 = arith.constant 8 : i32
      %scan3A_94:8 = scf.for %scan3A_205 = %scan3A_90 to %scan3A_92 step %scan3A_93 iter_args(%scan3A_206 = %broadcast_in_dim3A_5, %scan3A_207 = %broadcast_in_dim3A_5, %scan3A_208 = %broadcast_in_dim3A_5, %scan3A_209 = %broadcast_in_dim3A_5, %scan3A_210 = %broadcast_in_dim3A_5, %scan3A_211 = %broadcast_in_dim3A_5, %scan3A_212 = %add3A_89, %scan3A_213 = %iota3A) -> (vector<16xf32>, vector<16xf32>, vector<16xf32>, vector<16xf32>, vector<16xf32>, vector<16xf32>, vector<16xi32>, vector<16xi32>)  : i32 {
        %gather3A_214 = tpu.vector_load_idx %arg10[%scan3A_212] : memref<20992xi32, #tpu.memory_space<vmem>>[vector<16xi32>], vector<16xi32>,
        %gather3A_215 = tpu.vector_load_idx %arg12[%scan3A_212] : memref<20992xf32, #tpu.memory_space<vmem>>[vector<16xi32>], vector<16xf32>,
        %gather3A_216 = tpu.vector_load_idx %arg7[%gather3A_214] : memref<16384xf32, #tpu.memory_space<vmem>>[vector<16xi32>], vector<16xf32>,
        %add3A_217 = arith.constant 1 : i32
        %add3A_218 = vector.broadcast %add3A_217 : i32 to vector<16xi32>
        %add3A_219 = arith.addi %scan3A_213, %add3A_218 : vector<16xi32>
        %eq3A_220 = arith.constant 164 : i32
        %eq3A_221 = vector.broadcast %eq3A_220 : i32 to vector<16xi32>
        %eq3A_222 = arith.cmpi eq, %add3A_219, %eq3A_221 : vector<16xi32>
        %jit3A_223 = arith.constant 0 : i32
        %broadcast_in_dim3A_224 = vector.broadcast %jit3A_223 : i32 to vector<16xi32>
        %select_n3A_225 = arith.select %eq3A_222, %broadcast_in_dim3A_224, %add3A_219 : vector<16xi1>, vector<16xi32>
        %add3A_226 = arith.constant 1 : i32
        %add3A_227 = vector.broadcast %add3A_226 : i32 to vector<16xi32>
        %add3A_228 = arith.addi %scan3A_212, %add3A_227 : vector<16xi32>
        %sub3A_229 = arith.constant 164 : i32
        %sub3A_230 = vector.broadcast %sub3A_229 : i32 to vector<16xi32>
        %sub3A_231 = arith.subi %add3A_228, %sub3A_230 : vector<16xi32>
        %add3A_232 = arith.constant 1 : i32
        %add3A_233 = vector.broadcast %add3A_232 : i32 to vector<16xi32>
        %add3A_234 = arith.addi %scan3A_212, %add3A_233 : vector<16xi32>
        %select_n3A_235 = arith.select %eq3A_222, %sub3A_231, %add3A_234 : vector<16xi1>, vector<16xi32>
        %mul3A_236 = arith.mulf %gather3A_215, %gather3A_216 : vector<16xf32>
        %add3A_237 = arith.addf %scan3A_206, %mul3A_236 : vector<16xf32>
        %scan3A_238 = arith.constant 1 : i32
        %scan3A_239 = arith.addi %scan3A_205, %scan3A_238 : i32
        %gather3A_240 = tpu.vector_load_idx %arg10[%select_n3A_235] : memref<20992xi32, #tpu.memory_space<vmem>>[vector<16xi32>], vector<16xi32>,
        %gather3A_241 = tpu.vector_load_idx %arg12[%select_n3A_235] : memref<20992xf32, #tpu.memory_space<vmem>>[vector<16xi32>], vector<16xf32>,
        %gather3A_242 = tpu.vector_load_idx %arg7[%gather3A_240] : memref<16384xf32, #tpu.memory_space<vmem>>[vector<16xi32>], vector<16xf32>,
        %add3A_243 = arith.constant 1 : i32
        %add3A_244 = vector.broadcast %add3A_243 : i32 to vector<16xi32>
        %add3A_245 = arith.addi %select_n3A_225, %add3A_244 : vector<16xi32>
        %eq3A_246 = arith.constant 164 : i32
        %eq3A_247 = vector.broadcast %eq3A_246 : i32 to vector<16xi32>
        %eq3A_248 = arith.cmpi eq, %add3A_245, %eq3A_247 : vector<16xi32>
        %jit3A_249 = arith.constant 0 : i32
        %broadcast_in_dim3A_250 = vector.broadcast %jit3A_249 : i32 to vector<16xi32>
        %select_n3A_251 = arith.select %eq3A_248, %broadcast_in_dim3A_250, %add3A_245 : vector<16xi1>, vector<16xi32>
        %add3A_252 = arith.constant 1 : i32
        %add3A_253 = vector.broadcast %add3A_252 : i32 to vector<16xi32>
        %add3A_254 = arith.addi %select_n3A_235, %add3A_253 : vector<16xi32>
        %sub3A_255 = arith.constant 164 : i32
        %sub3A_256 = vector.broadcast %sub3A_255 : i32 to vector<16xi32>
        %sub3A_257 = arith.subi %add3A_254, %sub3A_256 : vector<16xi32>
        %add3A_258 = arith.constant 1 : i32
        %add3A_259 = vector.broadcast %add3A_258 : i32 to vector<16xi32>
        %add3A_260 = arith.addi %select_n3A_235, %add3A_259 : vector<16xi32>
        %select_n3A_261 = arith.select %eq3A_248, %sub3A_257, %add3A_260 : vector<16xi1>, vector<16xi32>
        %mul3A_262 = arith.mulf %gather3A_241, %gather3A_242 : vector<16xf32>
        %add3A_263 = arith.addf %scan3A_207, %mul3A_262 : vector<16xf32>
        %scan3A_264 = arith.constant 2 : i32
        %scan3A_265 = arith.addi %scan3A_205, %scan3A_264 : i32
        %gather3A_266 = tpu.vector_load_idx %arg10[%select_n3A_261] : memref<20992xi32, #tpu.memory_space<vmem>>[vector<16xi32>], vector<16xi32>,
        %gather3A_267 = tpu.vector_load_idx %arg12[%select_n3A_261] : memref<20992xf32, #tpu.memory_space<vmem>>[vector<16xi32>], vector<16xf32>,
        %gather3A_268 = tpu.vector_load_idx %arg7[%gather3A_266] : memref<16384xf32, #tpu.memory_space<vmem>>[vector<16xi32>], vector<16xf32>,
        %add3A_269 = arith.constant 1 : i32
        %add3A_270 = vector.broadcast %add3A_269 : i32 to vector<16xi32>
        %add3A_271 = arith.addi %select_n3A_251, %add3A_270 : vector<16xi32>
        %eq3A_272 = arith.constant 164 : i32
        %eq3A_273 = vector.broadcast %eq3A_272 : i32 to vector<16xi32>
        %eq3A_274 = arith.cmpi eq, %add3A_271, %eq3A_273 : vector<16xi32>
        %jit3A_275 = arith.constant 0 : i32
        %broadcast_in_dim3A_276 = vector.broadcast %jit3A_275 : i32 to vector<16xi32>
        %select_n3A_277 = arith.select %eq3A_274, %broadcast_in_dim3A_276, %add3A_271 : vector<16xi1>, vector<16xi32>
        %add3A_278 = arith.constant 1 : i32
        %add3A_279 = vector.broadcast %add3A_278 : i32 to vector<16xi32>
        %add3A_280 = arith.addi %select_n3A_261, %add3A_279 : vector<16xi32>
        %sub3A_281 = arith.constant 164 : i32
        %sub3A_282 = vector.broadcast %sub3A_281 : i32 to vector<16xi32>
        %sub3A_283 = arith.subi %add3A_280, %sub3A_282 : vector<16xi32>
        %add3A_284 = arith.constant 1 : i32
        %add3A_285 = vector.broadcast %add3A_284 : i32 to vector<16xi32>
        %add3A_286 = arith.addi %select_n3A_261, %add3A_285 : vector<16xi32>
        %select_n3A_287 = arith.select %eq3A_274, %sub3A_283, %add3A_286 : vector<16xi1>, vector<16xi32>
        %mul3A_288 = arith.mulf %gather3A_267, %gather3A_268 : vector<16xf32>
        %add3A_289 = arith.addf %scan3A_208, %mul3A_288 : vector<16xf32>
        %scan3A_290 = arith.constant 3 : i32
        %scan3A_291 = arith.addi %scan3A_205, %scan3A_290 : i32
        %gather3A_292 = tpu.vector_load_idx %arg10[%select_n3A_287] : memref<20992xi32, #tpu.memory_space<vmem>>[vector<16xi32>], vector<16xi32>,
        %gather3A_293 = tpu.vector_load_idx %arg12[%select_n3A_287] : memref<20992xf32, #tpu.memory_space<vmem>>[vector<16xi32>], vector<16xf32>,
        %gather3A_294 = tpu.vector_load_idx %arg7[%gather3A_292] : memref<16384xf32, #tpu.memory_space<vmem>>[vector<16xi32>], vector<16xf32>,
        %add3A_295 = arith.constant 1 : i32
        %add3A_296 = vector.broadcast %add3A_295 : i32 to vector<16xi32>
        %add3A_297 = arith.addi %select_n3A_277, %add3A_296 : vector<16xi32>
        %eq3A_298 = arith.constant 164 : i32
        %eq3A_299 = vector.broadcast %eq3A_298 : i32 to vector<16xi32>
        %eq3A_300 = arith.cmpi eq, %add3A_297, %eq3A_299 : vector<16xi32>
        %jit3A_301 = arith.constant 0 : i32
        %broadcast_in_dim3A_302 = vector.broadcast %jit3A_301 : i32 to vector<16xi32>
        %select_n3A_303 = arith.select %eq3A_300, %broadcast_in_dim3A_302, %add3A_297 : vector<16xi1>, vector<16xi32>
        %add3A_304 = arith.constant 1 : i32
        %add3A_305 = vector.broadcast %add3A_304 : i32 to vector<16xi32>
        %add3A_306 = arith.addi %select_n3A_287, %add3A_305 : vector<16xi32>
        %sub3A_307 = arith.constant 164 : i32
        %sub3A_308 = vector.broadcast %sub3A_307 : i32 to vector<16xi32>
        %sub3A_309 = arith.subi %add3A_306, %sub3A_308 : vector<16xi32>
        %add3A_310 = arith.constant 1 : i32
        %add3A_311 = vector.broadcast %add3A_310 : i32 to vector<16xi32>
        %add3A_312 = arith.addi %select_n3A_287, %add3A_311 : vector<16xi32>
        %select_n3A_313 = arith.select %eq3A_300, %sub3A_309, %add3A_312 : vector<16xi1>, vector<16xi32>
        %mul3A_314 = arith.mulf %gather3A_293, %gather3A_294 : vector<16xf32>
        %add3A_315 = arith.addf %scan3A_209, %mul3A_314 : vector<16xf32>
        %scan3A_316 = arith.constant 4 : i32
        %scan3A_317 = arith.addi %scan3A_205, %scan3A_316 : i32
        %gather3A_318 = tpu.vector_load_idx %arg10[%select_n3A_313] : memref<20992xi32, #tpu.memory_space<vmem>>[vector<16xi32>], vector<16xi32>,
        %gather3A_319 = tpu.vector_load_idx %arg12[%select_n3A_313] : memref<20992xf32, #tpu.memory_space<vmem>>[vector<16xi32>], vector<16xf32>,
        %gather3A_320 = tpu.vector_load_idx %arg7[%gather3A_318] : memref<16384xf32, #tpu.memory_space<vmem>>[vector<16xi32>], vector<16xf32>,
        %add3A_321 = arith.constant 1 : i32
        %add3A_322 = vector.broadcast %add3A_321 : i32 to vector<16xi32>
        %add3A_323 = arith.addi %select_n3A_303, %add3A_322 : vector<16xi32>
        %eq3A_324 = arith.constant 164 : i32
        %eq3A_325 = vector.broadcast %eq3A_324 : i32 to vector<16xi32>
        %eq3A_326 = arith.cmpi eq, %add3A_323, %eq3A_325 : vector<16xi32>
        %jit3A_327 = arith.constant 0 : i32
        %broadcast_in_dim3A_328 = vector.broadcast %jit3A_327 : i32 to vector<16xi32>
        %select_n3A_329 = arith.select %eq3A_326, %broadcast_in_dim3A_328, %add3A_323 : vector<16xi1>, vector<16xi32>
        %add3A_330 = arith.constant 1 : i32
        %add3A_331 = vector.broadcast %add3A_330 : i32 to vector<16xi32>
        %add3A_332 = arith.addi %select_n3A_313, %add3A_331 : vector<16xi32>
        %sub3A_333 = arith.constant 164 : i32
        %sub3A_334 = vector.broadcast %sub3A_333 : i32 to vector<16xi32>
        %sub3A_335 = arith.subi %add3A_332, %sub3A_334 : vector<16xi32>
        %add3A_336 = arith.constant 1 : i32
        %add3A_337 = vector.broadcast %add3A_336 : i32 to vector<16xi32>
        %add3A_338 = arith.addi %select_n3A_313, %add3A_337 : vector<16xi32>
        %select_n3A_339 = arith.select %eq3A_326, %sub3A_335, %add3A_338 : vector<16xi1>, vector<16xi32>
        %mul3A_340 = arith.mulf %gather3A_319, %gather3A_320 : vector<16xf32>
        %add3A_341 = arith.addf %scan3A_210, %mul3A_340 : vector<16xf32>
        %scan3A_342 = arith.constant 5 : i32
        %scan3A_343 = arith.addi %scan3A_205, %scan3A_342 : i32
        %gather3A_344 = tpu.vector_load_idx %arg10[%select_n3A_339] : memref<20992xi32, #tpu.memory_space<vmem>>[vector<16xi32>], vector<16xi32>,
        %gather3A_345 = tpu.vector_load_idx %arg12[%select_n3A_339] : memref<20992xf32, #tpu.memory_space<vmem>>[vector<16xi32>], vector<16xf32>,
        %gather3A_346 = tpu.vector_load_idx %arg7[%gather3A_344] : memref<16384xf32, #tpu.memory_space<vmem>>[vector<16xi32>], vector<16xf32>,
        %add3A_347 = arith.constant 1 : i32
        %add3A_348 = vector.broadcast %add3A_347 : i32 to vector<16xi32>
        %add3A_349 = arith.addi %select_n3A_329, %add3A_348 : vector<16xi32>
        %eq3A_350 = arith.constant 164 : i32
        %eq3A_351 = vector.broadcast %eq3A_350 : i32 to vector<16xi32>
        %eq3A_352 = arith.cmpi eq, %add3A_349, %eq3A_351 : vector<16xi32>
        %jit3A_353 = arith.constant 0 : i32
        %broadcast_in_dim3A_354 = vector.broadcast %jit3A_353 : i32 to vector<16xi32>
        %select_n3A_355 = arith.select %eq3A_352, %broadcast_in_dim3A_354, %add3A_349 : vector<16xi1>, vector<16xi32>
        %add3A_356 = arith.constant 1 : i32
        %add3A_357 = vector.broadcast %add3A_356 : i32 to vector<16xi32>
        %add3A_358 = arith.addi %select_n3A_339, %add3A_357 : vector<16xi32>
        %sub3A_359 = arith.constant 164 : i32
        %sub3A_360 = vector.broadcast %sub3A_359 : i32 to vector<16xi32>
        %sub3A_361 = arith.subi %add3A_358, %sub3A_360 : vector<16xi32>
        %add3A_362 = arith.constant 1 : i32
        %add3A_363 = vector.broadcast %add3A_362 : i32 to vector<16xi32>
        %add3A_364 = arith.addi %select_n3A_339, %add3A_363 : vector<16xi32>
        %select_n3A_365 = arith.select %eq3A_352, %sub3A_361, %add3A_364 : vector<16xi1>, vector<16xi32>
        %mul3A_366 = arith.mulf %gather3A_345, %gather3A_346 : vector<16xf32>
        %add3A_367 = arith.addf %scan3A_211, %mul3A_366 : vector<16xf32>
        %scan3A_368 = arith.constant 6 : i32
        %scan3A_369 = arith.addi %scan3A_205, %scan3A_368 : i32
        %gather3A_370 = tpu.vector_load_idx %arg10[%select_n3A_365] : memref<20992xi32, #tpu.memory_space<vmem>>[vector<16xi32>], vector<16xi32>,
        %gather3A_371 = tpu.vector_load_idx %arg12[%select_n3A_365] : memref<20992xf32, #tpu.memory_space<vmem>>[vector<16xi32>], vector<16xf32>,
        %gather3A_372 = tpu.vector_load_idx %arg7[%gather3A_370] : memref<16384xf32, #tpu.memory_space<vmem>>[vector<16xi32>], vector<16xf32>,
        %add3A_373 = arith.constant 1 : i32
        %add3A_374 = vector.broadcast %add3A_373 : i32 to vector<16xi32>
        %add3A_375 = arith.addi %select_n3A_355, %add3A_374 : vector<16xi32>
        %eq3A_376 = arith.constant 164 : i32
        %eq3A_377 = vector.broadcast %eq3A_376 : i32 to vector<16xi32>
        %eq3A_378 = arith.cmpi eq, %add3A_375, %eq3A_377 : vector<16xi32>
        %jit3A_379 = arith.constant 0 : i32
        %broadcast_in_dim3A_380 = vector.broadcast %jit3A_379 : i32 to vector<16xi32>
        %select_n3A_381 = arith.select %eq3A_378, %broadcast_in_dim3A_380, %add3A_375 : vector<16xi1>, vector<16xi32>
        %add3A_382 = arith.constant 1 : i32
        %add3A_383 = vector.broadcast %add3A_382 : i32 to vector<16xi32>
        %add3A_384 = arith.addi %select_n3A_365, %add3A_383 : vector<16xi32>
        %sub3A_385 = arith.constant 164 : i32
        %sub3A_386 = vector.broadcast %sub3A_385 : i32 to vector<16xi32>
        %sub3A_387 = arith.subi %add3A_384, %sub3A_386 : vector<16xi32>
        %add3A_388 = arith.constant 1 : i32
        %add3A_389 = vector.broadcast %add3A_388 : i32 to vector<16xi32>
        %add3A_390 = arith.addi %select_n3A_365, %add3A_389 : vector<16xi32>
        %select_n3A_391 = arith.select %eq3A_378, %sub3A_387, %add3A_390 : vector<16xi1>, vector<16xi32>
        %mul3A_392 = arith.mulf %gather3A_371, %gather3A_372 : vector<16xf32>
        %add3A_393 = arith.addf %add3A_237, %mul3A_392 : vector<16xf32>
        %scan3A_394 = arith.constant 7 : i32
        %scan3A_395 = arith.addi %scan3A_205, %scan3A_394 : i32
        %gather3A_396 = tpu.vector_load_idx %arg10[%select_n3A_391] : memref<20992xi32, #tpu.memory_space<vmem>>[vector<16xi32>], vector<16xi32>,
        %gather3A_397 = tpu.vector_load_idx %arg12[%select_n3A_391] : memref<20992xf32, #tpu.memory_space<vmem>>[vector<16xi32>], vector<16xf32>,
        %gather3A_398 = tpu.vector_load_idx %arg7[%gather3A_396] : memref<16384xf32, #tpu.memory_space<vmem>>[vector<16xi32>], vector<16xf32>,
        %add3A_399 = arith.constant 1 : i32
        %add3A_400 = vector.broadcast %add3A_399 : i32 to vector<16xi32>
        %add3A_401 = arith.addi %select_n3A_381, %add3A_400 : vector<16xi32>
        %eq3A_402 = arith.constant 164 : i32
        %eq3A_403 = vector.broadcast %eq3A_402 : i32 to vector<16xi32>
        %eq3A_404 = arith.cmpi eq, %add3A_401, %eq3A_403 : vector<16xi32>
        %jit3A_405 = arith.constant 0 : i32
        %broadcast_in_dim3A_406 = vector.broadcast %jit3A_405 : i32 to vector<16xi32>
        %select_n3A_407 = arith.select %eq3A_404, %broadcast_in_dim3A_406, %add3A_401 : vector<16xi1>, vector<16xi32>
        %add3A_408 = arith.constant 1 : i32
        %add3A_409 = vector.broadcast %add3A_408 : i32 to vector<16xi32>
        %add3A_410 = arith.addi %select_n3A_391, %add3A_409 : vector<16xi32>
        %sub3A_411 = arith.constant 164 : i32
        %sub3A_412 = vector.broadcast %sub3A_411 : i32 to vector<16xi32>
        %sub3A_413 = arith.subi %add3A_410, %sub3A_412 : vector<16xi32>
        %add3A_414 = arith.constant 1 : i32
        %add3A_415 = vector.broadcast %add3A_414 : i32 to vector<16xi32>
        %add3A_416 = arith.addi %select_n3A_391, %add3A_415 : vector<16xi32>
        %select_n3A_417 = arith.select %eq3A_404, %sub3A_413, %add3A_416 : vector<16xi1>, vector<16xi32>
        %mul3A_418 = arith.mulf %gather3A_397, %gather3A_398 : vector<16xf32>
        %add3A_419 = arith.addf %add3A_263, %mul3A_418 : vector<16xf32>
        scf.yield %add3A_289, %add3A_315, %add3A_341, %add3A_367, %add3A_393, %add3A_419, %select_n3A_417, %select_n3A_407 : vector<16xf32>, vector<16xf32>, vector<16xf32>, vector<16xf32>, vector<16xf32>, vector<16xf32>, vector<16xi32>, vector<16xi32>
      }
      %scan3A_95 = arith.constant 160 : i32
      %scan3A_96 = arith.addi %scan3A_90, %scan3A_95 : i32
      %gather3A = tpu.vector_load_idx %arg10[%scan3A_94#6] : memref<20992xi32, #tpu.memory_space<vmem>>[vector<16xi32>], vector<16xi32>,
      %gather3A_97 = tpu.vector_load_idx %arg12[%scan3A_94#6] : memref<20992xf32, #tpu.memory_space<vmem>>[vector<16xi32>], vector<16xf32>,
      %gather3A_98 = tpu.vector_load_idx %arg7[%gather3A] : memref<16384xf32, #tpu.memory_space<vmem>>[vector<16xi32>], vector<16xf32>,
      %add3A_99 = arith.constant 1 : i32
      %add3A_100 = vector.broadcast %add3A_99 : i32 to vector<16xi32>
      %add3A_101 = arith.addi %scan3A_94#7, %add3A_100 : vector<16xi32>
      %eq3A = arith.constant 164 : i32
      %eq3A_102 = vector.broadcast %eq3A : i32 to vector<16xi32>
      %eq3A_103 = arith.cmpi eq, %add3A_101, %eq3A_102 : vector<16xi32>
      %jit3A = arith.constant 0 : i32
      %broadcast_in_dim3A_104 = vector.broadcast %jit3A : i32 to vector<16xi32>
      %select_n3A = arith.select %eq3A_103, %broadcast_in_dim3A_104, %add3A_101 : vector<16xi1>, vector<16xi32>
      %add3A_105 = arith.constant 1 : i32
      %add3A_106 = vector.broadcast %add3A_105 : i32 to vector<16xi32>
      %add3A_107 = arith.addi %scan3A_94#6, %add3A_106 : vector<16xi32>
      %sub3A = arith.constant 164 : i32
      %sub3A_108 = vector.broadcast %sub3A : i32 to vector<16xi32>
      %sub3A_109 = arith.subi %add3A_107, %sub3A_108 : vector<16xi32>
      %add3A_110 = arith.constant 1 : i32
      %add3A_111 = vector.broadcast %add3A_110 : i32 to vector<16xi32>
      %add3A_112 = arith.addi %scan3A_94#6, %add3A_111 : vector<16xi32>
      %select_n3A_113 = arith.select %eq3A_103, %sub3A_109, %add3A_112 : vector<16xi1>, vector<16xi32>
      %mul3A_114 = arith.mulf %gather3A_97, %gather3A_98 : vector<16xf32>
      %add3A_115 = arith.addf %scan3A_94#0, %mul3A_114 : vector<16xf32>
      %scan3A_116 = arith.constant 161 : i32
      %scan3A_117 = arith.addi %scan3A_90, %scan3A_116 : i32
      %gather3A_118 = tpu.vector_load_idx %arg10[%select_n3A_113] : memref<20992xi32, #tpu.memory_space<vmem>>[vector<16xi32>], vector<16xi32>,
      %gather3A_119 = tpu.vector_load_idx %arg12[%select_n3A_113] : memref<20992xf32, #tpu.memory_space<vmem>>[vector<16xi32>], vector<16xf32>,
      %gather3A_120 = tpu.vector_load_idx %arg7[%gather3A_118] : memref<16384xf32, #tpu.memory_space<vmem>>[vector<16xi32>], vector<16xf32>,
      %add3A_121 = arith.constant 1 : i32
      %add3A_122 = vector.broadcast %add3A_121 : i32 to vector<16xi32>
      %add3A_123 = arith.addi %select_n3A, %add3A_122 : vector<16xi32>
      %eq3A_124 = arith.constant 164 : i32
      %eq3A_125 = vector.broadcast %eq3A_124 : i32 to vector<16xi32>
      %eq3A_126 = arith.cmpi eq, %add3A_123, %eq3A_125 : vector<16xi32>
      %jit3A_127 = arith.constant 0 : i32
      %broadcast_in_dim3A_128 = vector.broadcast %jit3A_127 : i32 to vector<16xi32>
      %select_n3A_129 = arith.select %eq3A_126, %broadcast_in_dim3A_128, %add3A_123 : vector<16xi1>, vector<16xi32>
      %add3A_130 = arith.constant 1 : i32
      %add3A_131 = vector.broadcast %add3A_130 : i32 to vector<16xi32>
      %add3A_132 = arith.addi %select_n3A_113, %add3A_131 : vector<16xi32>
      %sub3A_133 = arith.constant 164 : i32
      %sub3A_134 = vector.broadcast %sub3A_133 : i32 to vector<16xi32>
      %sub3A_135 = arith.subi %add3A_132, %sub3A_134 : vector<16xi32>
      %add3A_136 = arith.constant 1 : i32
      %add3A_137 = vector.broadcast %add3A_136 : i32 to vector<16xi32>
      %add3A_138 = arith.addi %select_n3A_113, %add3A_137 : vector<16xi32>
      %select_n3A_139 = arith.select %eq3A_126, %sub3A_135, %add3A_138 : vector<16xi1>, vector<16xi32>
      %mul3A_140 = arith.mulf %gather3A_119, %gather3A_120 : vector<16xf32>
      %add3A_141 = arith.addf %scan3A_94#1, %mul3A_140 : vector<16xf32>
      %scan3A_142 = arith.constant 162 : i32
      %scan3A_143 = arith.addi %scan3A_90, %scan3A_142 : i32
      %gather3A_144 = tpu.vector_load_idx %arg10[%select_n3A_139] : memref<20992xi32, #tpu.memory_space<vmem>>[vector<16xi32>], vector<16xi32>,
      %gather3A_145 = tpu.vector_load_idx %arg12[%select_n3A_139] : memref<20992xf32, #tpu.memory_space<vmem>>[vector<16xi32>], vector<16xf32>,
      %gather3A_146 = tpu.vector_load_idx %arg7[%gather3A_144] : memref<16384xf32, #tpu.memory_space<vmem>>[vector<16xi32>], vector<16xf32>,
      %add3A_147 = arith.constant 1 : i32
      %add3A_148 = vector.broadcast %add3A_147 : i32 to vector<16xi32>
      %add3A_149 = arith.addi %select_n3A_129, %add3A_148 : vector<16xi32>
      %eq3A_150 = arith.constant 164 : i32
      %eq3A_151 = vector.broadcast %eq3A_150 : i32 to vector<16xi32>
      %eq3A_152 = arith.cmpi eq, %add3A_149, %eq3A_151 : vector<16xi32>
      %jit3A_153 = arith.constant 0 : i32
      %broadcast_in_dim3A_154 = vector.broadcast %jit3A_153 : i32 to vector<16xi32>
      %select_n3A_155 = arith.select %eq3A_152, %broadcast_in_dim3A_154, %add3A_149 : vector<16xi1>, vector<16xi32>
      %add3A_156 = arith.constant 1 : i32
      %add3A_157 = vector.broadcast %add3A_156 : i32 to vector<16xi32>
      %add3A_158 = arith.addi %select_n3A_139, %add3A_157 : vector<16xi32>
      %sub3A_159 = arith.constant 164 : i32
      %sub3A_160 = vector.broadcast %sub3A_159 : i32 to vector<16xi32>
      %sub3A_161 = arith.subi %add3A_158, %sub3A_160 : vector<16xi32>
      %add3A_162 = arith.constant 1 : i32
      %add3A_163 = vector.broadcast %add3A_162 : i32 to vector<16xi32>
      %add3A_164 = arith.addi %select_n3A_139, %add3A_163 : vector<16xi32>
      %select_n3A_165 = arith.select %eq3A_152, %sub3A_161, %add3A_164 : vector<16xi1>, vector<16xi32>
      %mul3A_166 = arith.mulf %gather3A_145, %gather3A_146 : vector<16xf32>
      %add3A_167 = arith.addf %scan3A_94#2, %mul3A_166 : vector<16xf32>
      %scan3A_168 = arith.constant 163 : i32
      %scan3A_169 = arith.addi %scan3A_90, %scan3A_168 : i32
      %gather3A_170 = tpu.vector_load_idx %arg10[%select_n3A_165] : memref<20992xi32, #tpu.memory_space<vmem>>[vector<16xi32>], vector<16xi32>,
      %gather3A_171 = tpu.vector_load_idx %arg12[%select_n3A_165] : memref<20992xf32, #tpu.memory_space<vmem>>[vector<16xi32>], vector<16xf32>,
      %gather3A_172 = tpu.vector_load_idx %arg7[%gather3A_170] : memref<16384xf32, #tpu.memory_space<vmem>>[vector<16xi32>], vector<16xf32>,
      %add3A_173 = arith.constant 1 : i32
      %add3A_174 = vector.broadcast %add3A_173 : i32 to vector<16xi32>
      %add3A_175 = arith.addi %select_n3A_155, %add3A_174 : vector<16xi32>
      %eq3A_176 = arith.constant 164 : i32
      %eq3A_177 = vector.broadcast %eq3A_176 : i32 to vector<16xi32>
      %eq3A_178 = arith.cmpi eq, %add3A_175, %eq3A_177 : vector<16xi32>
      %jit3A_179 = arith.constant 0 : i32
      %broadcast_in_dim3A_180 = vector.broadcast %jit3A_179 : i32 to vector<16xi32>
      %select_n3A_181 = arith.select %eq3A_178, %broadcast_in_dim3A_180, %add3A_175 : vector<16xi1>, vector<16xi32>
      %add3A_182 = arith.constant 1 : i32
      %add3A_183 = vector.broadcast %add3A_182 : i32 to vector<16xi32>
      %add3A_184 = arith.addi %select_n3A_165, %add3A_183 : vector<16xi32>
      %sub3A_185 = arith.constant 164 : i32
      %sub3A_186 = vector.broadcast %sub3A_185 : i32 to vector<16xi32>
      %sub3A_187 = arith.subi %add3A_184, %sub3A_186 : vector<16xi32>
      %add3A_188 = arith.constant 1 : i32
      %add3A_189 = vector.broadcast %add3A_188 : i32 to vector<16xi32>
      %add3A_190 = arith.addi %select_n3A_165, %add3A_189 : vector<16xi32>
      %select_n3A_191 = arith.select %eq3A_178, %sub3A_187, %add3A_190 : vector<16xi1>, vector<16xi32>
      %mul3A_192 = arith.mulf %gather3A_171, %gather3A_172 : vector<16xf32>
      %add3A_193 = arith.addf %scan3A_94#3, %mul3A_192 : vector<16xf32>
      %scan3A_194 = arith.constant 164 : i32
      %add3A_195 = arith.addf %scan3A_94#4, %scan3A_94#5 : vector<16xf32>
      %add3A_196 = arith.addf %add3A_115, %add3A_141 : vector<16xf32>
      %add3A_197 = arith.addf %add3A_195, %add3A_196 : vector<16xf32>
      %add3A_198 = arith.addf %add3A_167, %add3A_193 : vector<16xf32>
      %add3A_199 = arith.addf %add3A_197, %add3A_198 : vector<16xf32>
      %mul3A_200 = arith.constant 16 : i32
      %mul3A_201 = arith.muli %scan3A_84, %mul3A_200 : i32
      %add3A_202 = arith.constant 0 : i32
      %add3A_203 = arith.addi %add3A_202, %mul3A_201 : i32
      %swap3A = arith.index_cast %add3A_203 : i32 to index
      %swap3A_204 = tpu.vector_load %arg14[%swap3A] {strides = array<i32>} : memref<512xf32, #tpu.memory_space<vmem>>, vector<16xf32>,
      tpu.vector_store %arg14[%swap3A], %add3A_199 {strides = array<i32>} : memref<512xf32, #tpu.memory_space<vmem>>, vector<16xf32>,
    }
    %scan3A_38 = arith.constant 8 : i32
    %add3A_39 = arith.constant 41984 : i32
    %add3A_40 = arith.addi %mul3A_4, %add3A_39 : i32
    %dma_start3A_41 = tpu.memref_slice %arg4[%add3A_40] : memref<2686976xi32, #tpu.memory_space<hbm>> -> memref<20992xi32, #tpu.memory_space<hbm>>
    %dma_start3A_42 = tpu.memref_slice %arg4[%add3A_40] : memref<2686976xi32, #tpu.memory_space<hbm>> -> memref<20992xi32, #tpu.memory_space<hbm>>
    tpu.enqueue_dma source(%dma_start3A_42 : memref<20992xi32, #tpu.memory_space<hbm>>) target(%arg10 : memref<20992xi32, #tpu.memory_space<vmem>>) target_semaphore(%arg15 : memref<!tpu.dma_semaphore, #tpu.memory_space<semaphore_mem>>)
    %dma_start3A_43 = tpu.memref_slice %arg5[%add3A_40] : memref<2686976xf32, #tpu.memory_space<hbm>> -> memref<20992xf32, #tpu.memory_space<hbm>>
    %dma_start3A_44 = tpu.memref_slice %arg5[%add3A_40] : memref<2686976xf32, #tpu.memory_space<hbm>> -> memref<20992xf32, #tpu.memory_space<hbm>>
    tpu.enqueue_dma source(%dma_start3A_44 : memref<20992xf32, #tpu.memory_space<hbm>>) target(%arg12 : memref<20992xf32, #tpu.memory_space<vmem>>) target_semaphore(%arg15 : memref<!tpu.dma_semaphore, #tpu.memory_space<semaphore_mem>>)
    %add3A_45 = arith.constant 20992 : i32
    %add3A_46 = arith.addi %mul3A_4, %add3A_45 : i32
    %dma_wait3A_47 = tpu.memref_slice %arg4[%add3A_46] : memref<2686976xi32, #tpu.memory_space<hbm>> -> memref<20992xi32, #tpu.memory_space<hbm>>
    %dma_wait3A_48 = tpu.memref_slice %arg4[%add3A_46] : memref<2686976xi32, #tpu.memory_space<hbm>> -> memref<20992xi32, #tpu.memory_space<hbm>>
    tpu.wait_dma2 semaphore(%arg16 : memref<!tpu.dma_semaphore, #tpu.memory_space<semaphore_mem>>) src(%dma_wait3A_48 : memref<20992xi32, #tpu.memory_space<hbm>>) dst(%arg11 : memref<20992xi32, #tpu.memory_space<vmem>>)
    %dma_wait3A_49 = tpu.memref_slice %arg5[%add3A_46] : memref<2686976xf32, #tpu.memory_space<hbm>> -> memref<20992xf32, #tpu.memory_space<hbm>>
    %dma_wait3A_50 = tpu.memref_slice %arg5[%add3A_46] : memref<2686976xf32, #tpu.memory_space<hbm>> -> memref<20992xf32, #tpu.memory_space<hbm>>
    tpu.wait_dma2 semaphore(%arg16 : memref<!tpu.dma_semaphore, #tpu.memory_space<semaphore_mem>>) src(%dma_wait3A_50 : memref<20992xf32, #tpu.memory_space<hbm>>) dst(%arg13 : memref<20992xf32, #tpu.memory_space<vmem>>)
    %scan3A_51 = arith.constant 0 : i32
    %scan3A_52 = arith.constant 8 : i32
    %scan3A_53 = arith.addi %scan3A_51, %scan3A_52 : i32
    %scan3A_54 = arith.constant 1 : i32
    scf.for %scan3A_84 = %scan3A_51 to %scan3A_53 step %scan3A_54  : i32 {
      %mul3A_85 = arith.constant 2624 : i32
      %mul3A_86 = arith.muli %scan3A_84, %mul3A_85 : i32
      %add3A_87 = vector.broadcast %mul3A_86 : i32 to vector<16xi32>
      %add3A_88 = arith.addi %mul3A_28, %add3A_87 : vector<16xi32>
      %add3A_89 = arith.addi %add3A_88, %iota3A : vector<16xi32>
      %scan3A_90 = arith.constant 0 : i32
      %scan3A_91 = arith.constant 160 : i32
      %scan3A_92 = arith.addi %scan3A_90, %scan3A_91 : i32
      %scan3A_93 = arith.constant 8 : i32
      %scan3A_94:8 = scf.for %scan3A_205 = %scan3A_90 to %scan3A_92 step %scan3A_93 iter_args(%scan3A_206 = %broadcast_in_dim3A_5, %scan3A_207 = %broadcast_in_dim3A_5, %scan3A_208 = %broadcast_in_dim3A_5, %scan3A_209 = %broadcast_in_dim3A_5, %scan3A_210 = %broadcast_in_dim3A_5, %scan3A_211 = %broadcast_in_dim3A_5, %scan3A_212 = %add3A_89, %scan3A_213 = %iota3A) -> (vector<16xf32>, vector<16xf32>, vector<16xf32>, vector<16xf32>, vector<16xf32>, vector<16xf32>, vector<16xi32>, vector<16xi32>)  : i32 {
        %gather3A_214 = tpu.vector_load_idx %arg11[%scan3A_212] : memref<20992xi32, #tpu.memory_space<vmem>>[vector<16xi32>], vector<16xi32>,
        %gather3A_215 = tpu.vector_load_idx %arg13[%scan3A_212] : memref<20992xf32, #tpu.memory_space<vmem>>[vector<16xi32>], vector<16xf32>,
        %gather3A_216 = tpu.vector_load_idx %arg7[%gather3A_214] : memref<16384xf32, #tpu.memory_space<vmem>>[vector<16xi32>], vector<16xf32>,
        %add3A_217 = arith.constant 1 : i32
        %add3A_218 = vector.broadcast %add3A_217 : i32 to vector<16xi32>
        %add3A_219 = arith.addi %scan3A_213, %add3A_218 : vector<16xi32>
        %eq3A_220 = arith.constant 164 : i32
        %eq3A_221 = vector.broadcast %eq3A_220 : i32 to vector<16xi32>
        %eq3A_222 = arith.cmpi eq, %add3A_219, %eq3A_221 : vector<16xi32>
        %jit3A_223 = arith.constant 0 : i32
        %broadcast_in_dim3A_224 = vector.broadcast %jit3A_223 : i32 to vector<16xi32>
        %select_n3A_225 = arith.select %eq3A_222, %broadcast_in_dim3A_224, %add3A_219 : vector<16xi1>, vector<16xi32>
        %add3A_226 = arith.constant 1 : i32
        %add3A_227 = vector.broadcast %add3A_226 : i32 to vector<16xi32>
        %add3A_228 = arith.addi %scan3A_212, %add3A_227 : vector<16xi32>
        %sub3A_229 = arith.constant 164 : i32
        %sub3A_230 = vector.broadcast %sub3A_229 : i32 to vector<16xi32>
        %sub3A_231 = arith.subi %add3A_228, %sub3A_230 : vector<16xi32>
        %add3A_232 = arith.constant 1 : i32
        %add3A_233 = vector.broadcast %add3A_232 : i32 to vector<16xi32>
        %add3A_234 = arith.addi %scan3A_212, %add3A_233 : vector<16xi32>
        %select_n3A_235 = arith.select %eq3A_222, %sub3A_231, %add3A_234 : vector<16xi1>, vector<16xi32>
        %mul3A_236 = arith.mulf %gather3A_215, %gather3A_216 : vector<16xf32>
        %add3A_237 = arith.addf %scan3A_206, %mul3A_236 : vector<16xf32>
        %scan3A_238 = arith.constant 1 : i32
        %scan3A_239 = arith.addi %scan3A_205, %scan3A_238 : i32
        %gather3A_240 = tpu.vector_load_idx %arg11[%select_n3A_235] : memref<20992xi32, #tpu.memory_space<vmem>>[vector<16xi32>], vector<16xi32>,
        %gather3A_241 = tpu.vector_load_idx %arg13[%select_n3A_235] : memref<20992xf32, #tpu.memory_space<vmem>>[vector<16xi32>], vector<16xf32>,
        %gather3A_242 = tpu.vector_load_idx %arg7[%gather3A_240] : memref<16384xf32, #tpu.memory_space<vmem>>[vector<16xi32>], vector<16xf32>,
        %add3A_243 = arith.constant 1 : i32
        %add3A_244 = vector.broadcast %add3A_243 : i32 to vector<16xi32>
        %add3A_245 = arith.addi %select_n3A_225, %add3A_244 : vector<16xi32>
        %eq3A_246 = arith.constant 164 : i32
        %eq3A_247 = vector.broadcast %eq3A_246 : i32 to vector<16xi32>
        %eq3A_248 = arith.cmpi eq, %add3A_245, %eq3A_247 : vector<16xi32>
        %jit3A_249 = arith.constant 0 : i32
        %broadcast_in_dim3A_250 = vector.broadcast %jit3A_249 : i32 to vector<16xi32>
        %select_n3A_251 = arith.select %eq3A_248, %broadcast_in_dim3A_250, %add3A_245 : vector<16xi1>, vector<16xi32>
        %add3A_252 = arith.constant 1 : i32
        %add3A_253 = vector.broadcast %add3A_252 : i32 to vector<16xi32>
        %add3A_254 = arith.addi %select_n3A_235, %add3A_253 : vector<16xi32>
        %sub3A_255 = arith.constant 164 : i32
        %sub3A_256 = vector.broadcast %sub3A_255 : i32 to vector<16xi32>
        %sub3A_257 = arith.subi %add3A_254, %sub3A_256 : vector<16xi32>
        %add3A_258 = arith.constant 1 : i32
        %add3A_259 = vector.broadcast %add3A_258 : i32 to vector<16xi32>
        %add3A_260 = arith.addi %select_n3A_235, %add3A_259 : vector<16xi32>
        %select_n3A_261 = arith.select %eq3A_248, %sub3A_257, %add3A_260 : vector<16xi1>, vector<16xi32>
        %mul3A_262 = arith.mulf %gather3A_241, %gather3A_242 : vector<16xf32>
        %add3A_263 = arith.addf %scan3A_207, %mul3A_262 : vector<16xf32>
        %scan3A_264 = arith.constant 2 : i32
        %scan3A_265 = arith.addi %scan3A_205, %scan3A_264 : i32
        %gather3A_266 = tpu.vector_load_idx %arg11[%select_n3A_261] : memref<20992xi32, #tpu.memory_space<vmem>>[vector<16xi32>], vector<16xi32>,
        %gather3A_267 = tpu.vector_load_idx %arg13[%select_n3A_261] : memref<20992xf32, #tpu.memory_space<vmem>>[vector<16xi32>], vector<16xf32>,
        %gather3A_268 = tpu.vector_load_idx %arg7[%gather3A_266] : memref<16384xf32, #tpu.memory_space<vmem>>[vector<16xi32>], vector<16xf32>,
        %add3A_269 = arith.constant 1 : i32
        %add3A_270 = vector.broadcast %add3A_269 : i32 to vector<16xi32>
        %add3A_271 = arith.addi %select_n3A_251, %add3A_270 : vector<16xi32>
        %eq3A_272 = arith.constant 164 : i32
        %eq3A_273 = vector.broadcast %eq3A_272 : i32 to vector<16xi32>
        %eq3A_274 = arith.cmpi eq, %add3A_271, %eq3A_273 : vector<16xi32>
        %jit3A_275 = arith.constant 0 : i32
        %broadcast_in_dim3A_276 = vector.broadcast %jit3A_275 : i32 to vector<16xi32>
        %select_n3A_277 = arith.select %eq3A_274, %broadcast_in_dim3A_276, %add3A_271 : vector<16xi1>, vector<16xi32>
        %add3A_278 = arith.constant 1 : i32
        %add3A_279 = vector.broadcast %add3A_278 : i32 to vector<16xi32>
        %add3A_280 = arith.addi %select_n3A_261, %add3A_279 : vector<16xi32>
        %sub3A_281 = arith.constant 164 : i32
        %sub3A_282 = vector.broadcast %sub3A_281 : i32 to vector<16xi32>
        %sub3A_283 = arith.subi %add3A_280, %sub3A_282 : vector<16xi32>
        %add3A_284 = arith.constant 1 : i32
        %add3A_285 = vector.broadcast %add3A_284 : i32 to vector<16xi32>
        %add3A_286 = arith.addi %select_n3A_261, %add3A_285 : vector<16xi32>
        %select_n3A_287 = arith.select %eq3A_274, %sub3A_283, %add3A_286 : vector<16xi1>, vector<16xi32>
        %mul3A_288 = arith.mulf %gather3A_267, %gather3A_268 : vector<16xf32>
        %add3A_289 = arith.addf %scan3A_208, %mul3A_288 : vector<16xf32>
        %scan3A_290 = arith.constant 3 : i32
        %scan3A_291 = arith.addi %scan3A_205, %scan3A_290 : i32
        %gather3A_292 = tpu.vector_load_idx %arg11[%select_n3A_287] : memref<20992xi32, #tpu.memory_space<vmem>>[vector<16xi32>], vector<16xi32>,
        %gather3A_293 = tpu.vector_load_idx %arg13[%select_n3A_287] : memref<20992xf32, #tpu.memory_space<vmem>>[vector<16xi32>], vector<16xf32>,
        %gather3A_294 = tpu.vector_load_idx %arg7[%gather3A_292] : memref<16384xf32, #tpu.memory_space<vmem>>[vector<16xi32>], vector<16xf32>,
        %add3A_295 = arith.constant 1 : i32
        %add3A_296 = vector.broadcast %add3A_295 : i32 to vector<16xi32>
        %add3A_297 = arith.addi %select_n3A_277, %add3A_296 : vector<16xi32>
        %eq3A_298 = arith.constant 164 : i32
        %eq3A_299 = vector.broadcast %eq3A_298 : i32 to vector<16xi32>
        %eq3A_300 = arith.cmpi eq, %add3A_297, %eq3A_299 : vector<16xi32>
        %jit3A_301 = arith.constant 0 : i32
        %broadcast_in_dim3A_302 = vector.broadcast %jit3A_301 : i32 to vector<16xi32>
        %select_n3A_303 = arith.select %eq3A_300, %broadcast_in_dim3A_302, %add3A_297 : vector<16xi1>, vector<16xi32>
        %add3A_304 = arith.constant 1 : i32
        %add3A_305 = vector.broadcast %add3A_304 : i32 to vector<16xi32>
        %add3A_306 = arith.addi %select_n3A_287, %add3A_305 : vector<16xi32>
        %sub3A_307 = arith.constant 164 : i32
        %sub3A_308 = vector.broadcast %sub3A_307 : i32 to vector<16xi32>
        %sub3A_309 = arith.subi %add3A_306, %sub3A_308 : vector<16xi32>
        %add3A_310 = arith.constant 1 : i32
        %add3A_311 = vector.broadcast %add3A_310 : i32 to vector<16xi32>
        %add3A_312 = arith.addi %select_n3A_287, %add3A_311 : vector<16xi32>
        %select_n3A_313 = arith.select %eq3A_300, %sub3A_309, %add3A_312 : vector<16xi1>, vector<16xi32>
        %mul3A_314 = arith.mulf %gather3A_293, %gather3A_294 : vector<16xf32>
        %add3A_315 = arith.addf %scan3A_209, %mul3A_314 : vector<16xf32>
        %scan3A_316 = arith.constant 4 : i32
        %scan3A_317 = arith.addi %scan3A_205, %scan3A_316 : i32
        %gather3A_318 = tpu.vector_load_idx %arg11[%select_n3A_313] : memref<20992xi32, #tpu.memory_space<vmem>>[vector<16xi32>], vector<16xi32>,
        %gather3A_319 = tpu.vector_load_idx %arg13[%select_n3A_313] : memref<20992xf32, #tpu.memory_space<vmem>>[vector<16xi32>], vector<16xf32>,
        %gather3A_320 = tpu.vector_load_idx %arg7[%gather3A_318] : memref<16384xf32, #tpu.memory_space<vmem>>[vector<16xi32>], vector<16xf32>,
        %add3A_321 = arith.constant 1 : i32
        %add3A_322 = vector.broadcast %add3A_321 : i32 to vector<16xi32>
        %add3A_323 = arith.addi %select_n3A_303, %add3A_322 : vector<16xi32>
        %eq3A_324 = arith.constant 164 : i32
        %eq3A_325 = vector.broadcast %eq3A_324 : i32 to vector<16xi32>
        %eq3A_326 = arith.cmpi eq, %add3A_323, %eq3A_325 : vector<16xi32>
        %jit3A_327 = arith.constant 0 : i32
        %broadcast_in_dim3A_328 = vector.broadcast %jit3A_327 : i32 to vector<16xi32>
        %select_n3A_329 = arith.select %eq3A_326, %broadcast_in_dim3A_328, %add3A_323 : vector<16xi1>, vector<16xi32>
        %add3A_330 = arith.constant 1 : i32
        %add3A_331 = vector.broadcast %add3A_330 : i32 to vector<16xi32>
        %add3A_332 = arith.addi %select_n3A_313, %add3A_331 : vector<16xi32>
        %sub3A_333 = arith.constant 164 : i32
        %sub3A_334 = vector.broadcast %sub3A_333 : i32 to vector<16xi32>
        %sub3A_335 = arith.subi %add3A_332, %sub3A_334 : vector<16xi32>
        %add3A_336 = arith.constant 1 : i32
        %add3A_337 = vector.broadcast %add3A_336 : i32 to vector<16xi32>
        %add3A_338 = arith.addi %select_n3A_313, %add3A_337 : vector<16xi32>
        %select_n3A_339 = arith.select %eq3A_326, %sub3A_335, %add3A_338 : vector<16xi1>, vector<16xi32>
        %mul3A_340 = arith.mulf %gather3A_319, %gather3A_320 : vector<16xf32>
        %add3A_341 = arith.addf %scan3A_210, %mul3A_340 : vector<16xf32>
        %scan3A_342 = arith.constant 5 : i32
        %scan3A_343 = arith.addi %scan3A_205, %scan3A_342 : i32
        %gather3A_344 = tpu.vector_load_idx %arg11[%select_n3A_339] : memref<20992xi32, #tpu.memory_space<vmem>>[vector<16xi32>], vector<16xi32>,
        %gather3A_345 = tpu.vector_load_idx %arg13[%select_n3A_339] : memref<20992xf32, #tpu.memory_space<vmem>>[vector<16xi32>], vector<16xf32>,
        %gather3A_346 = tpu.vector_load_idx %arg7[%gather3A_344] : memref<16384xf32, #tpu.memory_space<vmem>>[vector<16xi32>], vector<16xf32>,
        %add3A_347 = arith.constant 1 : i32
        %add3A_348 = vector.broadcast %add3A_347 : i32 to vector<16xi32>
        %add3A_349 = arith.addi %select_n3A_329, %add3A_348 : vector<16xi32>
        %eq3A_350 = arith.constant 164 : i32
        %eq3A_351 = vector.broadcast %eq3A_350 : i32 to vector<16xi32>
        %eq3A_352 = arith.cmpi eq, %add3A_349, %eq3A_351 : vector<16xi32>
        %jit3A_353 = arith.constant 0 : i32
        %broadcast_in_dim3A_354 = vector.broadcast %jit3A_353 : i32 to vector<16xi32>
        %select_n3A_355 = arith.select %eq3A_352, %broadcast_in_dim3A_354, %add3A_349 : vector<16xi1>, vector<16xi32>
        %add3A_356 = arith.constant 1 : i32
        %add3A_357 = vector.broadcast %add3A_356 : i32 to vector<16xi32>
        %add3A_358 = arith.addi %select_n3A_339, %add3A_357 : vector<16xi32>
        %sub3A_359 = arith.constant 164 : i32
        %sub3A_360 = vector.broadcast %sub3A_359 : i32 to vector<16xi32>
        %sub3A_361 = arith.subi %add3A_358, %sub3A_360 : vector<16xi32>
        %add3A_362 = arith.constant 1 : i32
        %add3A_363 = vector.broadcast %add3A_362 : i32 to vector<16xi32>
        %add3A_364 = arith.addi %select_n3A_339, %add3A_363 : vector<16xi32>
        %select_n3A_365 = arith.select %eq3A_352, %sub3A_361, %add3A_364 : vector<16xi1>, vector<16xi32>
        %mul3A_366 = arith.mulf %gather3A_345, %gather3A_346 : vector<16xf32>
        %add3A_367 = arith.addf %scan3A_211, %mul3A_366 : vector<16xf32>
        %scan3A_368 = arith.constant 6 : i32
        %scan3A_369 = arith.addi %scan3A_205, %scan3A_368 : i32
        %gather3A_370 = tpu.vector_load_idx %arg11[%select_n3A_365] : memref<20992xi32, #tpu.memory_space<vmem>>[vector<16xi32>], vector<16xi32>,
        %gather3A_371 = tpu.vector_load_idx %arg13[%select_n3A_365] : memref<20992xf32, #tpu.memory_space<vmem>>[vector<16xi32>], vector<16xf32>,
        %gather3A_372 = tpu.vector_load_idx %arg7[%gather3A_370] : memref<16384xf32, #tpu.memory_space<vmem>>[vector<16xi32>], vector<16xf32>,
        %add3A_373 = arith.constant 1 : i32
        %add3A_374 = vector.broadcast %add3A_373 : i32 to vector<16xi32>
        %add3A_375 = arith.addi %select_n3A_355, %add3A_374 : vector<16xi32>
        %eq3A_376 = arith.constant 164 : i32
        %eq3A_377 = vector.broadcast %eq3A_376 : i32 to vector<16xi32>
        %eq3A_378 = arith.cmpi eq, %add3A_375, %eq3A_377 : vector<16xi32>
        %jit3A_379 = arith.constant 0 : i32
        %broadcast_in_dim3A_380 = vector.broadcast %jit3A_379 : i32 to vector<16xi32>
        %select_n3A_381 = arith.select %eq3A_378, %broadcast_in_dim3A_380, %add3A_375 : vector<16xi1>, vector<16xi32>
        %add3A_382 = arith.constant 1 : i32
        %add3A_383 = vector.broadcast %add3A_382 : i32 to vector<16xi32>
        %add3A_384 = arith.addi %select_n3A_365, %add3A_383 : vector<16xi32>
        %sub3A_385 = arith.constant 164 : i32
        %sub3A_386 = vector.broadcast %sub3A_385 : i32 to vector<16xi32>
        %sub3A_387 = arith.subi %add3A_384, %sub3A_386 : vector<16xi32>
        %add3A_388 = arith.constant 1 : i32
        %add3A_389 = vector.broadcast %add3A_388 : i32 to vector<16xi32>
        %add3A_390 = arith.addi %select_n3A_365, %add3A_389 : vector<16xi32>
        %select_n3A_391 = arith.select %eq3A_378, %sub3A_387, %add3A_390 : vector<16xi1>, vector<16xi32>
        %mul3A_392 = arith.mulf %gather3A_371, %gather3A_372 : vector<16xf32>
        %add3A_393 = arith.addf %add3A_237, %mul3A_392 : vector<16xf32>
        %scan3A_394 = arith.constant 7 : i32
        %scan3A_395 = arith.addi %scan3A_205, %scan3A_394 : i32
        %gather3A_396 = tpu.vector_load_idx %arg11[%select_n3A_391] : memref<20992xi32, #tpu.memory_space<vmem>>[vector<16xi32>], vector<16xi32>,
        %gather3A_397 = tpu.vector_load_idx %arg13[%select_n3A_391] : memref<20992xf32, #tpu.memory_space<vmem>>[vector<16xi32>], vector<16xf32>,
        %gather3A_398 = tpu.vector_load_idx %arg7[%gather3A_396] : memref<16384xf32, #tpu.memory_space<vmem>>[vector<16xi32>], vector<16xf32>,
        %add3A_399 = arith.constant 1 : i32
        %add3A_400 = vector.broadcast %add3A_399 : i32 to vector<16xi32>
        %add3A_401 = arith.addi %select_n3A_381, %add3A_400 : vector<16xi32>
        %eq3A_402 = arith.constant 164 : i32
        %eq3A_403 = vector.broadcast %eq3A_402 : i32 to vector<16xi32>
        %eq3A_404 = arith.cmpi eq, %add3A_401, %eq3A_403 : vector<16xi32>
        %jit3A_405 = arith.constant 0 : i32
        %broadcast_in_dim3A_406 = vector.broadcast %jit3A_405 : i32 to vector<16xi32>
        %select_n3A_407 = arith.select %eq3A_404, %broadcast_in_dim3A_406, %add3A_401 : vector<16xi1>, vector<16xi32>
        %add3A_408 = arith.constant 1 : i32
        %add3A_409 = vector.broadcast %add3A_408 : i32 to vector<16xi32>
        %add3A_410 = arith.addi %select_n3A_391, %add3A_409 : vector<16xi32>
        %sub3A_411 = arith.constant 164 : i32
        %sub3A_412 = vector.broadcast %sub3A_411 : i32 to vector<16xi32>
        %sub3A_413 = arith.subi %add3A_410, %sub3A_412 : vector<16xi32>
        %add3A_414 = arith.constant 1 : i32
        %add3A_415 = vector.broadcast %add3A_414 : i32 to vector<16xi32>
        %add3A_416 = arith.addi %select_n3A_391, %add3A_415 : vector<16xi32>
        %select_n3A_417 = arith.select %eq3A_404, %sub3A_413, %add3A_416 : vector<16xi1>, vector<16xi32>
        %mul3A_418 = arith.mulf %gather3A_397, %gather3A_398 : vector<16xf32>
        %add3A_419 = arith.addf %add3A_263, %mul3A_418 : vector<16xf32>
        scf.yield %add3A_289, %add3A_315, %add3A_341, %add3A_367, %add3A_393, %add3A_419, %select_n3A_417, %select_n3A_407 : vector<16xf32>, vector<16xf32>, vector<16xf32>, vector<16xf32>, vector<16xf32>, vector<16xf32>, vector<16xi32>, vector<16xi32>
      }
      %scan3A_95 = arith.constant 160 : i32
      %scan3A_96 = arith.addi %scan3A_90, %scan3A_95 : i32
      %gather3A = tpu.vector_load_idx %arg11[%scan3A_94#6] : memref<20992xi32, #tpu.memory_space<vmem>>[vector<16xi32>], vector<16xi32>,
      %gather3A_97 = tpu.vector_load_idx %arg13[%scan3A_94#6] : memref<20992xf32, #tpu.memory_space<vmem>>[vector<16xi32>], vector<16xf32>,
      %gather3A_98 = tpu.vector_load_idx %arg7[%gather3A] : memref<16384xf32, #tpu.memory_space<vmem>>[vector<16xi32>], vector<16xf32>,
      %add3A_99 = arith.constant 1 : i32
      %add3A_100 = vector.broadcast %add3A_99 : i32 to vector<16xi32>
      %add3A_101 = arith.addi %scan3A_94#7, %add3A_100 : vector<16xi32>
      %eq3A = arith.constant 164 : i32
      %eq3A_102 = vector.broadcast %eq3A : i32 to vector<16xi32>
      %eq3A_103 = arith.cmpi eq, %add3A_101, %eq3A_102 : vector<16xi32>
      %jit3A = arith.constant 0 : i32
      %broadcast_in_dim3A_104 = vector.broadcast %jit3A : i32 to vector<16xi32>
      %select_n3A = arith.select %eq3A_103, %broadcast_in_dim3A_104, %add3A_101 : vector<16xi1>, vector<16xi32>
      %add3A_105 = arith.constant 1 : i32
      %add3A_106 = vector.broadcast %add3A_105 : i32 to vector<16xi32>
      %add3A_107 = arith.addi %scan3A_94#6, %add3A_106 : vector<16xi32>
      %sub3A = arith.constant 164 : i32
      %sub3A_108 = vector.broadcast %sub3A : i32 to vector<16xi32>
      %sub3A_109 = arith.subi %add3A_107, %sub3A_108 : vector<16xi32>
      %add3A_110 = arith.constant 1 : i32
      %add3A_111 = vector.broadcast %add3A_110 : i32 to vector<16xi32>
      %add3A_112 = arith.addi %scan3A_94#6, %add3A_111 : vector<16xi32>
      %select_n3A_113 = arith.select %eq3A_103, %sub3A_109, %add3A_112 : vector<16xi1>, vector<16xi32>
      %mul3A_114 = arith.mulf %gather3A_97, %gather3A_98 : vector<16xf32>
      %add3A_115 = arith.addf %scan3A_94#0, %mul3A_114 : vector<16xf32>
      %scan3A_116 = arith.constant 161 : i32
      %scan3A_117 = arith.addi %scan3A_90, %scan3A_116 : i32
      %gather3A_118 = tpu.vector_load_idx %arg11[%select_n3A_113] : memref<20992xi32, #tpu.memory_space<vmem>>[vector<16xi32>], vector<16xi32>,
      %gather3A_119 = tpu.vector_load_idx %arg13[%select_n3A_113] : memref<20992xf32, #tpu.memory_space<vmem>>[vector<16xi32>], vector<16xf32>,
      %gather3A_120 = tpu.vector_load_idx %arg7[%gather3A_118] : memref<16384xf32, #tpu.memory_space<vmem>>[vector<16xi32>], vector<16xf32>,
      %add3A_121 = arith.constant 1 : i32
      %add3A_122 = vector.broadcast %add3A_121 : i32 to vector<16xi32>
      %add3A_123 = arith.addi %select_n3A, %add3A_122 : vector<16xi32>
      %eq3A_124 = arith.constant 164 : i32
      %eq3A_125 = vector.broadcast %eq3A_124 : i32 to vector<16xi32>
      %eq3A_126 = arith.cmpi eq, %add3A_123, %eq3A_125 : vector<16xi32>
      %jit3A_127 = arith.constant 0 : i32
      %broadcast_in_dim3A_128 = vector.broadcast %jit3A_127 : i32 to vector<16xi32>
      %select_n3A_129 = arith.select %eq3A_126, %broadcast_in_dim3A_128, %add3A_123 : vector<16xi1>, vector<16xi32>
      %add3A_130 = arith.constant 1 : i32
      %add3A_131 = vector.broadcast %add3A_130 : i32 to vector<16xi32>
      %add3A_132 = arith.addi %select_n3A_113, %add3A_131 : vector<16xi32>
      %sub3A_133 = arith.constant 164 : i32
      %sub3A_134 = vector.broadcast %sub3A_133 : i32 to vector<16xi32>
      %sub3A_135 = arith.subi %add3A_132, %sub3A_134 : vector<16xi32>
      %add3A_136 = arith.constant 1 : i32
      %add3A_137 = vector.broadcast %add3A_136 : i32 to vector<16xi32>
      %add3A_138 = arith.addi %select_n3A_113, %add3A_137 : vector<16xi32>
      %select_n3A_139 = arith.select %eq3A_126, %sub3A_135, %add3A_138 : vector<16xi1>, vector<16xi32>
      %mul3A_140 = arith.mulf %gather3A_119, %gather3A_120 : vector<16xf32>
      %add3A_141 = arith.addf %scan3A_94#1, %mul3A_140 : vector<16xf32>
      %scan3A_142 = arith.constant 162 : i32
      %scan3A_143 = arith.addi %scan3A_90, %scan3A_142 : i32
      %gather3A_144 = tpu.vector_load_idx %arg11[%select_n3A_139] : memref<20992xi32, #tpu.memory_space<vmem>>[vector<16xi32>], vector<16xi32>,
      %gather3A_145 = tpu.vector_load_idx %arg13[%select_n3A_139] : memref<20992xf32, #tpu.memory_space<vmem>>[vector<16xi32>], vector<16xf32>,
      %gather3A_146 = tpu.vector_load_idx %arg7[%gather3A_144] : memref<16384xf32, #tpu.memory_space<vmem>>[vector<16xi32>], vector<16xf32>,
      %add3A_147 = arith.constant 1 : i32
      %add3A_148 = vector.broadcast %add3A_147 : i32 to vector<16xi32>
      %add3A_149 = arith.addi %select_n3A_129, %add3A_148 : vector<16xi32>
      %eq3A_150 = arith.constant 164 : i32
      %eq3A_151 = vector.broadcast %eq3A_150 : i32 to vector<16xi32>
      %eq3A_152 = arith.cmpi eq, %add3A_149, %eq3A_151 : vector<16xi32>
      %jit3A_153 = arith.constant 0 : i32
      %broadcast_in_dim3A_154 = vector.broadcast %jit3A_153 : i32 to vector<16xi32>
      %select_n3A_155 = arith.select %eq3A_152, %broadcast_in_dim3A_154, %add3A_149 : vector<16xi1>, vector<16xi32>
      %add3A_156 = arith.constant 1 : i32
      %add3A_157 = vector.broadcast %add3A_156 : i32 to vector<16xi32>
      %add3A_158 = arith.addi %select_n3A_139, %add3A_157 : vector<16xi32>
      %sub3A_159 = arith.constant 164 : i32
      %sub3A_160 = vector.broadcast %sub3A_159 : i32 to vector<16xi32>
      %sub3A_161 = arith.subi %add3A_158, %sub3A_160 : vector<16xi32>
      %add3A_162 = arith.constant 1 : i32
      %add3A_163 = vector.broadcast %add3A_162 : i32 to vector<16xi32>
      %add3A_164 = arith.addi %select_n3A_139, %add3A_163 : vector<16xi32>
      %select_n3A_165 = arith.select %eq3A_152, %sub3A_161, %add3A_164 : vector<16xi1>, vector<16xi32>
      %mul3A_166 = arith.mulf %gather3A_145, %gather3A_146 : vector<16xf32>
      %add3A_167 = arith.addf %scan3A_94#2, %mul3A_166 : vector<16xf32>
      %scan3A_168 = arith.constant 163 : i32
      %scan3A_169 = arith.addi %scan3A_90, %scan3A_168 : i32
      %gather3A_170 = tpu.vector_load_idx %arg11[%select_n3A_165] : memref<20992xi32, #tpu.memory_space<vmem>>[vector<16xi32>], vector<16xi32>,
      %gather3A_171 = tpu.vector_load_idx %arg13[%select_n3A_165] : memref<20992xf32, #tpu.memory_space<vmem>>[vector<16xi32>], vector<16xf32>,
      %gather3A_172 = tpu.vector_load_idx %arg7[%gather3A_170] : memref<16384xf32, #tpu.memory_space<vmem>>[vector<16xi32>], vector<16xf32>,
      %add3A_173 = arith.constant 1 : i32
      %add3A_174 = vector.broadcast %add3A_173 : i32 to vector<16xi32>
      %add3A_175 = arith.addi %select_n3A_155, %add3A_174 : vector<16xi32>
      %eq3A_176 = arith.constant 164 : i32
      %eq3A_177 = vector.broadcast %eq3A_176 : i32 to vector<16xi32>
      %eq3A_178 = arith.cmpi eq, %add3A_175, %eq3A_177 : vector<16xi32>
      %jit3A_179 = arith.constant 0 : i32
      %broadcast_in_dim3A_180 = vector.broadcast %jit3A_179 : i32 to vector<16xi32>
      %select_n3A_181 = arith.select %eq3A_178, %broadcast_in_dim3A_180, %add3A_175 : vector<16xi1>, vector<16xi32>
      %add3A_182 = arith.constant 1 : i32
      %add3A_183 = vector.broadcast %add3A_182 : i32 to vector<16xi32>
      %add3A_184 = arith.addi %select_n3A_165, %add3A_183 : vector<16xi32>
      %sub3A_185 = arith.constant 164 : i32
      %sub3A_186 = vector.broadcast %sub3A_185 : i32 to vector<16xi32>
      %sub3A_187 = arith.subi %add3A_184, %sub3A_186 : vector<16xi32>
      %add3A_188 = arith.constant 1 : i32
      %add3A_189 = vector.broadcast %add3A_188 : i32 to vector<16xi32>
      %add3A_190 = arith.addi %select_n3A_165, %add3A_189 : vector<16xi32>
      %select_n3A_191 = arith.select %eq3A_178, %sub3A_187, %add3A_190 : vector<16xi1>, vector<16xi32>
      %mul3A_192 = arith.mulf %gather3A_171, %gather3A_172 : vector<16xf32>
      %add3A_193 = arith.addf %scan3A_94#3, %mul3A_192 : vector<16xf32>
      %scan3A_194 = arith.constant 164 : i32
      %add3A_195 = arith.addf %scan3A_94#4, %scan3A_94#5 : vector<16xf32>
      %add3A_196 = arith.addf %add3A_115, %add3A_141 : vector<16xf32>
      %add3A_197 = arith.addf %add3A_195, %add3A_196 : vector<16xf32>
      %add3A_198 = arith.addf %add3A_167, %add3A_193 : vector<16xf32>
      %add3A_199 = arith.addf %add3A_197, %add3A_198 : vector<16xf32>
      %mul3A_200 = arith.constant 16 : i32
      %mul3A_201 = arith.muli %scan3A_84, %mul3A_200 : i32
      %add3A_202 = arith.constant 128 : i32
      %add3A_203 = arith.addi %add3A_202, %mul3A_201 : i32
      %swap3A = arith.index_cast %add3A_203 : i32 to index
      %swap3A_204 = tpu.vector_load %arg14[%swap3A] {strides = array<i32>} : memref<512xf32, #tpu.memory_space<vmem>>, vector<16xf32>,
      tpu.vector_store %arg14[%swap3A], %add3A_199 {strides = array<i32>} : memref<512xf32, #tpu.memory_space<vmem>>, vector<16xf32>,
    }
    %scan3A_55 = arith.constant 8 : i32
    %add3A_56 = arith.constant 62976 : i32
    %add3A_57 = arith.addi %mul3A_4, %add3A_56 : i32
    %dma_start3A_58 = tpu.memref_slice %arg4[%add3A_57] : memref<2686976xi32, #tpu.memory_space<hbm>> -> memref<20992xi32, #tpu.memory_space<hbm>>
    %dma_start3A_59 = tpu.memref_slice %arg4[%add3A_57] : memref<2686976xi32, #tpu.memory_space<hbm>> -> memref<20992xi32, #tpu.memory_space<hbm>>
    tpu.enqueue_dma source(%dma_start3A_59 : memref<20992xi32, #tpu.memory_space<hbm>>) target(%arg11 : memref<20992xi32, #tpu.memory_space<vmem>>) target_semaphore(%arg16 : memref<!tpu.dma_semaphore, #tpu.memory_space<semaphore_mem>>)
    %dma_start3A_60 = tpu.memref_slice %arg5[%add3A_57] : memref<2686976xf32, #tpu.memory_space<hbm>> -> memref<20992xf32, #tpu.memory_space<hbm>>
    %dma_start3A_61 = tpu.memref_slice %arg5[%add3A_57] : memref<2686976xf32, #tpu.memory_space<hbm>> -> memref<20992xf32, #tpu.memory_space<hbm>>
    tpu.enqueue_dma source(%dma_start3A_61 : memref<20992xf32, #tpu.memory_space<hbm>>) target(%arg13 : memref<20992xf32, #tpu.memory_space<vmem>>) target_semaphore(%arg16 : memref<!tpu.dma_semaphore, #tpu.memory_space<semaphore_mem>>)
    %add3A_62 = arith.constant 41984 : i32
    %add3A_63 = arith.addi %mul3A_4, %add3A_62 : i32
    %dma_wait3A_64 = tpu.memref_slice %arg4[%add3A_63] : memref<2686976xi32, #tpu.memory_space<hbm>> -> memref<20992xi32, #tpu.memory_space<hbm>>
    %dma_wait3A_65 = tpu.memref_slice %arg4[%add3A_63] : memref<2686976xi32, #tpu.memory_space<hbm>> -> memref<20992xi32, #tpu.memory_space<hbm>>
    tpu.wait_dma2 semaphore(%arg15 : memref<!tpu.dma_semaphore, #tpu.memory_space<semaphore_mem>>) src(%dma_wait3A_65 : memref<20992xi32, #tpu.memory_space<hbm>>) dst(%arg10 : memref<20992xi32, #tpu.memory_space<vmem>>)
    %dma_wait3A_66 = tpu.memref_slice %arg5[%add3A_63] : memref<2686976xf32, #tpu.memory_space<hbm>> -> memref<20992xf32, #tpu.memory_space<hbm>>
    %dma_wait3A_67 = tpu.memref_slice %arg5[%add3A_63] : memref<2686976xf32, #tpu.memory_space<hbm>> -> memref<20992xf32, #tpu.memory_space<hbm>>
    tpu.wait_dma2 semaphore(%arg15 : memref<!tpu.dma_semaphore, #tpu.memory_space<semaphore_mem>>) src(%dma_wait3A_67 : memref<20992xf32, #tpu.memory_space<hbm>>) dst(%arg12 : memref<20992xf32, #tpu.memory_space<vmem>>)
    %scan3A_68 = arith.constant 0 : i32
    %scan3A_69 = arith.constant 8 : i32
    %scan3A_70 = arith.addi %scan3A_68, %scan3A_69 : i32
    %scan3A_71 = arith.constant 1 : i32
    scf.for %scan3A_84 = %scan3A_68 to %scan3A_70 step %scan3A_71  : i32 {
      %mul3A_85 = arith.constant 2624 : i32
      %mul3A_86 = arith.muli %scan3A_84, %mul3A_85 : i32
      %add3A_87 = vector.broadcast %mul3A_86 : i32 to vector<16xi32>
      %add3A_88 = arith.addi %mul3A_28, %add3A_87 : vector<16xi32>
      %add3A_89 = arith.addi %add3A_88, %iota3A : vector<16xi32>
      %scan3A_90 = arith.constant 0 : i32
      %scan3A_91 = arith.constant 160 : i32
      %scan3A_92 = arith.addi %scan3A_90, %scan3A_91 : i32
      %scan3A_93 = arith.constant 8 : i32
      %scan3A_94:8 = scf.for %scan3A_205 = %scan3A_90 to %scan3A_92 step %scan3A_93 iter_args(%scan3A_206 = %broadcast_in_dim3A_5, %scan3A_207 = %broadcast_in_dim3A_5, %scan3A_208 = %broadcast_in_dim3A_5, %scan3A_209 = %broadcast_in_dim3A_5, %scan3A_210 = %broadcast_in_dim3A_5, %scan3A_211 = %broadcast_in_dim3A_5, %scan3A_212 = %add3A_89, %scan3A_213 = %iota3A) -> (vector<16xf32>, vector<16xf32>, vector<16xf32>, vector<16xf32>, vector<16xf32>, vector<16xf32>, vector<16xi32>, vector<16xi32>)  : i32 {
        %gather3A_214 = tpu.vector_load_idx %arg10[%scan3A_212] : memref<20992xi32, #tpu.memory_space<vmem>>[vector<16xi32>], vector<16xi32>,
        %gather3A_215 = tpu.vector_load_idx %arg12[%scan3A_212] : memref<20992xf32, #tpu.memory_space<vmem>>[vector<16xi32>], vector<16xf32>,
        %gather3A_216 = tpu.vector_load_idx %arg7[%gather3A_214] : memref<16384xf32, #tpu.memory_space<vmem>>[vector<16xi32>], vector<16xf32>,
        %add3A_217 = arith.constant 1 : i32
        %add3A_218 = vector.broadcast %add3A_217 : i32 to vector<16xi32>
        %add3A_219 = arith.addi %scan3A_213, %add3A_218 : vector<16xi32>
        %eq3A_220 = arith.constant 164 : i32
        %eq3A_221 = vector.broadcast %eq3A_220 : i32 to vector<16xi32>
        %eq3A_222 = arith.cmpi eq, %add3A_219, %eq3A_221 : vector<16xi32>
        %jit3A_223 = arith.constant 0 : i32
        %broadcast_in_dim3A_224 = vector.broadcast %jit3A_223 : i32 to vector<16xi32>
        %select_n3A_225 = arith.select %eq3A_222, %broadcast_in_dim3A_224, %add3A_219 : vector<16xi1>, vector<16xi32>
        %add3A_226 = arith.constant 1 : i32
        %add3A_227 = vector.broadcast %add3A_226 : i32 to vector<16xi32>
        %add3A_228 = arith.addi %scan3A_212, %add3A_227 : vector<16xi32>
        %sub3A_229 = arith.constant 164 : i32
        %sub3A_230 = vector.broadcast %sub3A_229 : i32 to vector<16xi32>
        %sub3A_231 = arith.subi %add3A_228, %sub3A_230 : vector<16xi32>
        %add3A_232 = arith.constant 1 : i32
        %add3A_233 = vector.broadcast %add3A_232 : i32 to vector<16xi32>
        %add3A_234 = arith.addi %scan3A_212, %add3A_233 : vector<16xi32>
        %select_n3A_235 = arith.select %eq3A_222, %sub3A_231, %add3A_234 : vector<16xi1>, vector<16xi32>
        %mul3A_236 = arith.mulf %gather3A_215, %gather3A_216 : vector<16xf32>
        %add3A_237 = arith.addf %scan3A_206, %mul3A_236 : vector<16xf32>
        %scan3A_238 = arith.constant 1 : i32
        %scan3A_239 = arith.addi %scan3A_205, %scan3A_238 : i32
        %gather3A_240 = tpu.vector_load_idx %arg10[%select_n3A_235] : memref<20992xi32, #tpu.memory_space<vmem>>[vector<16xi32>], vector<16xi32>,
        %gather3A_241 = tpu.vector_load_idx %arg12[%select_n3A_235] : memref<20992xf32, #tpu.memory_space<vmem>>[vector<16xi32>], vector<16xf32>,
        %gather3A_242 = tpu.vector_load_idx %arg7[%gather3A_240] : memref<16384xf32, #tpu.memory_space<vmem>>[vector<16xi32>], vector<16xf32>,
        %add3A_243 = arith.constant 1 : i32
        %add3A_244 = vector.broadcast %add3A_243 : i32 to vector<16xi32>
        %add3A_245 = arith.addi %select_n3A_225, %add3A_244 : vector<16xi32>
        %eq3A_246 = arith.constant 164 : i32
        %eq3A_247 = vector.broadcast %eq3A_246 : i32 to vector<16xi32>
        %eq3A_248 = arith.cmpi eq, %add3A_245, %eq3A_247 : vector<16xi32>
        %jit3A_249 = arith.constant 0 : i32
        %broadcast_in_dim3A_250 = vector.broadcast %jit3A_249 : i32 to vector<16xi32>
        %select_n3A_251 = arith.select %eq3A_248, %broadcast_in_dim3A_250, %add3A_245 : vector<16xi1>, vector<16xi32>
        %add3A_252 = arith.constant 1 : i32
        %add3A_253 = vector.broadcast %add3A_252 : i32 to vector<16xi32>
        %add3A_254 = arith.addi %select_n3A_235, %add3A_253 : vector<16xi32>
        %sub3A_255 = arith.constant 164 : i32
        %sub3A_256 = vector.broadcast %sub3A_255 : i32 to vector<16xi32>
        %sub3A_257 = arith.subi %add3A_254, %sub3A_256 : vector<16xi32>
        %add3A_258 = arith.constant 1 : i32
        %add3A_259 = vector.broadcast %add3A_258 : i32 to vector<16xi32>
        %add3A_260 = arith.addi %select_n3A_235, %add3A_259 : vector<16xi32>
        %select_n3A_261 = arith.select %eq3A_248, %sub3A_257, %add3A_260 : vector<16xi1>, vector<16xi32>
        %mul3A_262 = arith.mulf %gather3A_241, %gather3A_242 : vector<16xf32>
        %add3A_263 = arith.addf %scan3A_207, %mul3A_262 : vector<16xf32>
        %scan3A_264 = arith.constant 2 : i32
        %scan3A_265 = arith.addi %scan3A_205, %scan3A_264 : i32
        %gather3A_266 = tpu.vector_load_idx %arg10[%select_n3A_261] : memref<20992xi32, #tpu.memory_space<vmem>>[vector<16xi32>], vector<16xi32>,
        %gather3A_267 = tpu.vector_load_idx %arg12[%select_n3A_261] : memref<20992xf32, #tpu.memory_space<vmem>>[vector<16xi32>], vector<16xf32>,
        %gather3A_268 = tpu.vector_load_idx %arg7[%gather3A_266] : memref<16384xf32, #tpu.memory_space<vmem>>[vector<16xi32>], vector<16xf32>,
        %add3A_269 = arith.constant 1 : i32
        %add3A_270 = vector.broadcast %add3A_269 : i32 to vector<16xi32>
        %add3A_271 = arith.addi %select_n3A_251, %add3A_270 : vector<16xi32>
        %eq3A_272 = arith.constant 164 : i32
        %eq3A_273 = vector.broadcast %eq3A_272 : i32 to vector<16xi32>
        %eq3A_274 = arith.cmpi eq, %add3A_271, %eq3A_273 : vector<16xi32>
        %jit3A_275 = arith.constant 0 : i32
        %broadcast_in_dim3A_276 = vector.broadcast %jit3A_275 : i32 to vector<16xi32>
        %select_n3A_277 = arith.select %eq3A_274, %broadcast_in_dim3A_276, %add3A_271 : vector<16xi1>, vector<16xi32>
        %add3A_278 = arith.constant 1 : i32
        %add3A_279 = vector.broadcast %add3A_278 : i32 to vector<16xi32>
        %add3A_280 = arith.addi %select_n3A_261, %add3A_279 : vector<16xi32>
        %sub3A_281 = arith.constant 164 : i32
        %sub3A_282 = vector.broadcast %sub3A_281 : i32 to vector<16xi32>
        %sub3A_283 = arith.subi %add3A_280, %sub3A_282 : vector<16xi32>
        %add3A_284 = arith.constant 1 : i32
        %add3A_285 = vector.broadcast %add3A_284 : i32 to vector<16xi32>
        %add3A_286 = arith.addi %select_n3A_261, %add3A_285 : vector<16xi32>
        %select_n3A_287 = arith.select %eq3A_274, %sub3A_283, %add3A_286 : vector<16xi1>, vector<16xi32>
        %mul3A_288 = arith.mulf %gather3A_267, %gather3A_268 : vector<16xf32>
        %add3A_289 = arith.addf %scan3A_208, %mul3A_288 : vector<16xf32>
        %scan3A_290 = arith.constant 3 : i32
        %scan3A_291 = arith.addi %scan3A_205, %scan3A_290 : i32
        %gather3A_292 = tpu.vector_load_idx %arg10[%select_n3A_287] : memref<20992xi32, #tpu.memory_space<vmem>>[vector<16xi32>], vector<16xi32>,
        %gather3A_293 = tpu.vector_load_idx %arg12[%select_n3A_287] : memref<20992xf32, #tpu.memory_space<vmem>>[vector<16xi32>], vector<16xf32>,
        %gather3A_294 = tpu.vector_load_idx %arg7[%gather3A_292] : memref<16384xf32, #tpu.memory_space<vmem>>[vector<16xi32>], vector<16xf32>,
        %add3A_295 = arith.constant 1 : i32
        %add3A_296 = vector.broadcast %add3A_295 : i32 to vector<16xi32>
        %add3A_297 = arith.addi %select_n3A_277, %add3A_296 : vector<16xi32>
        %eq3A_298 = arith.constant 164 : i32
        %eq3A_299 = vector.broadcast %eq3A_298 : i32 to vector<16xi32>
        %eq3A_300 = arith.cmpi eq, %add3A_297, %eq3A_299 : vector<16xi32>
        %jit3A_301 = arith.constant 0 : i32
        %broadcast_in_dim3A_302 = vector.broadcast %jit3A_301 : i32 to vector<16xi32>
        %select_n3A_303 = arith.select %eq3A_300, %broadcast_in_dim3A_302, %add3A_297 : vector<16xi1>, vector<16xi32>
        %add3A_304 = arith.constant 1 : i32
        %add3A_305 = vector.broadcast %add3A_304 : i32 to vector<16xi32>
        %add3A_306 = arith.addi %select_n3A_287, %add3A_305 : vector<16xi32>
        %sub3A_307 = arith.constant 164 : i32
        %sub3A_308 = vector.broadcast %sub3A_307 : i32 to vector<16xi32>
        %sub3A_309 = arith.subi %add3A_306, %sub3A_308 : vector<16xi32>
        %add3A_310 = arith.constant 1 : i32
        %add3A_311 = vector.broadcast %add3A_310 : i32 to vector<16xi32>
        %add3A_312 = arith.addi %select_n3A_287, %add3A_311 : vector<16xi32>
        %select_n3A_313 = arith.select %eq3A_300, %sub3A_309, %add3A_312 : vector<16xi1>, vector<16xi32>
        %mul3A_314 = arith.mulf %gather3A_293, %gather3A_294 : vector<16xf32>
        %add3A_315 = arith.addf %scan3A_209, %mul3A_314 : vector<16xf32>
        %scan3A_316 = arith.constant 4 : i32
        %scan3A_317 = arith.addi %scan3A_205, %scan3A_316 : i32
        %gather3A_318 = tpu.vector_load_idx %arg10[%select_n3A_313] : memref<20992xi32, #tpu.memory_space<vmem>>[vector<16xi32>], vector<16xi32>,
        %gather3A_319 = tpu.vector_load_idx %arg12[%select_n3A_313] : memref<20992xf32, #tpu.memory_space<vmem>>[vector<16xi32>], vector<16xf32>,
        %gather3A_320 = tpu.vector_load_idx %arg7[%gather3A_318] : memref<16384xf32, #tpu.memory_space<vmem>>[vector<16xi32>], vector<16xf32>,
        %add3A_321 = arith.constant 1 : i32
        %add3A_322 = vector.broadcast %add3A_321 : i32 to vector<16xi32>
        %add3A_323 = arith.addi %select_n3A_303, %add3A_322 : vector<16xi32>
        %eq3A_324 = arith.constant 164 : i32
        %eq3A_325 = vector.broadcast %eq3A_324 : i32 to vector<16xi32>
        %eq3A_326 = arith.cmpi eq, %add3A_323, %eq3A_325 : vector<16xi32>
        %jit3A_327 = arith.constant 0 : i32
        %broadcast_in_dim3A_328 = vector.broadcast %jit3A_327 : i32 to vector<16xi32>
        %select_n3A_329 = arith.select %eq3A_326, %broadcast_in_dim3A_328, %add3A_323 : vector<16xi1>, vector<16xi32>
        %add3A_330 = arith.constant 1 : i32
        %add3A_331 = vector.broadcast %add3A_330 : i32 to vector<16xi32>
        %add3A_332 = arith.addi %select_n3A_313, %add3A_331 : vector<16xi32>
        %sub3A_333 = arith.constant 164 : i32
        %sub3A_334 = vector.broadcast %sub3A_333 : i32 to vector<16xi32>
        %sub3A_335 = arith.subi %add3A_332, %sub3A_334 : vector<16xi32>
        %add3A_336 = arith.constant 1 : i32
        %add3A_337 = vector.broadcast %add3A_336 : i32 to vector<16xi32>
        %add3A_338 = arith.addi %select_n3A_313, %add3A_337 : vector<16xi32>
        %select_n3A_339 = arith.select %eq3A_326, %sub3A_335, %add3A_338 : vector<16xi1>, vector<16xi32>
        %mul3A_340 = arith.mulf %gather3A_319, %gather3A_320 : vector<16xf32>
        %add3A_341 = arith.addf %scan3A_210, %mul3A_340 : vector<16xf32>
        %scan3A_342 = arith.constant 5 : i32
        %scan3A_343 = arith.addi %scan3A_205, %scan3A_342 : i32
        %gather3A_344 = tpu.vector_load_idx %arg10[%select_n3A_339] : memref<20992xi32, #tpu.memory_space<vmem>>[vector<16xi32>], vector<16xi32>,
        %gather3A_345 = tpu.vector_load_idx %arg12[%select_n3A_339] : memref<20992xf32, #tpu.memory_space<vmem>>[vector<16xi32>], vector<16xf32>,
        %gather3A_346 = tpu.vector_load_idx %arg7[%gather3A_344] : memref<16384xf32, #tpu.memory_space<vmem>>[vector<16xi32>], vector<16xf32>,
        %add3A_347 = arith.constant 1 : i32
        %add3A_348 = vector.broadcast %add3A_347 : i32 to vector<16xi32>
        %add3A_349 = arith.addi %select_n3A_329, %add3A_348 : vector<16xi32>
        %eq3A_350 = arith.constant 164 : i32
        %eq3A_351 = vector.broadcast %eq3A_350 : i32 to vector<16xi32>
        %eq3A_352 = arith.cmpi eq, %add3A_349, %eq3A_351 : vector<16xi32>
        %jit3A_353 = arith.constant 0 : i32
        %broadcast_in_dim3A_354 = vector.broadcast %jit3A_353 : i32 to vector<16xi32>
        %select_n3A_355 = arith.select %eq3A_352, %broadcast_in_dim3A_354, %add3A_349 : vector<16xi1>, vector<16xi32>
        %add3A_356 = arith.constant 1 : i32
        %add3A_357 = vector.broadcast %add3A_356 : i32 to vector<16xi32>
        %add3A_358 = arith.addi %select_n3A_339, %add3A_357 : vector<16xi32>
        %sub3A_359 = arith.constant 164 : i32
        %sub3A_360 = vector.broadcast %sub3A_359 : i32 to vector<16xi32>
        %sub3A_361 = arith.subi %add3A_358, %sub3A_360 : vector<16xi32>
        %add3A_362 = arith.constant 1 : i32
        %add3A_363 = vector.broadcast %add3A_362 : i32 to vector<16xi32>
        %add3A_364 = arith.addi %select_n3A_339, %add3A_363 : vector<16xi32>
        %select_n3A_365 = arith.select %eq3A_352, %sub3A_361, %add3A_364 : vector<16xi1>, vector<16xi32>
        %mul3A_366 = arith.mulf %gather3A_345, %gather3A_346 : vector<16xf32>
        %add3A_367 = arith.addf %scan3A_211, %mul3A_366 : vector<16xf32>
        %scan3A_368 = arith.constant 6 : i32
        %scan3A_369 = arith.addi %scan3A_205, %scan3A_368 : i32
        %gather3A_370 = tpu.vector_load_idx %arg10[%select_n3A_365] : memref<20992xi32, #tpu.memory_space<vmem>>[vector<16xi32>], vector<16xi32>,
        %gather3A_371 = tpu.vector_load_idx %arg12[%select_n3A_365] : memref<20992xf32, #tpu.memory_space<vmem>>[vector<16xi32>], vector<16xf32>,
        %gather3A_372 = tpu.vector_load_idx %arg7[%gather3A_370] : memref<16384xf32, #tpu.memory_space<vmem>>[vector<16xi32>], vector<16xf32>,
        %add3A_373 = arith.constant 1 : i32
        %add3A_374 = vector.broadcast %add3A_373 : i32 to vector<16xi32>
        %add3A_375 = arith.addi %select_n3A_355, %add3A_374 : vector<16xi32>
        %eq3A_376 = arith.constant 164 : i32
        %eq3A_377 = vector.broadcast %eq3A_376 : i32 to vector<16xi32>
        %eq3A_378 = arith.cmpi eq, %add3A_375, %eq3A_377 : vector<16xi32>
        %jit3A_379 = arith.constant 0 : i32
        %broadcast_in_dim3A_380 = vector.broadcast %jit3A_379 : i32 to vector<16xi32>
        %select_n3A_381 = arith.select %eq3A_378, %broadcast_in_dim3A_380, %add3A_375 : vector<16xi1>, vector<16xi32>
        %add3A_382 = arith.constant 1 : i32
        %add3A_383 = vector.broadcast %add3A_382 : i32 to vector<16xi32>
        %add3A_384 = arith.addi %select_n3A_365, %add3A_383 : vector<16xi32>
        %sub3A_385 = arith.constant 164 : i32
        %sub3A_386 = vector.broadcast %sub3A_385 : i32 to vector<16xi32>
        %sub3A_387 = arith.subi %add3A_384, %sub3A_386 : vector<16xi32>
        %add3A_388 = arith.constant 1 : i32
        %add3A_389 = vector.broadcast %add3A_388 : i32 to vector<16xi32>
        %add3A_390 = arith.addi %select_n3A_365, %add3A_389 : vector<16xi32>
        %select_n3A_391 = arith.select %eq3A_378, %sub3A_387, %add3A_390 : vector<16xi1>, vector<16xi32>
        %mul3A_392 = arith.mulf %gather3A_371, %gather3A_372 : vector<16xf32>
        %add3A_393 = arith.addf %add3A_237, %mul3A_392 : vector<16xf32>
        %scan3A_394 = arith.constant 7 : i32
        %scan3A_395 = arith.addi %scan3A_205, %scan3A_394 : i32
        %gather3A_396 = tpu.vector_load_idx %arg10[%select_n3A_391] : memref<20992xi32, #tpu.memory_space<vmem>>[vector<16xi32>], vector<16xi32>,
        %gather3A_397 = tpu.vector_load_idx %arg12[%select_n3A_391] : memref<20992xf32, #tpu.memory_space<vmem>>[vector<16xi32>], vector<16xf32>,
        %gather3A_398 = tpu.vector_load_idx %arg7[%gather3A_396] : memref<16384xf32, #tpu.memory_space<vmem>>[vector<16xi32>], vector<16xf32>,
        %add3A_399 = arith.constant 1 : i32
        %add3A_400 = vector.broadcast %add3A_399 : i32 to vector<16xi32>
        %add3A_401 = arith.addi %select_n3A_381, %add3A_400 : vector<16xi32>
        %eq3A_402 = arith.constant 164 : i32
        %eq3A_403 = vector.broadcast %eq3A_402 : i32 to vector<16xi32>
        %eq3A_404 = arith.cmpi eq, %add3A_401, %eq3A_403 : vector<16xi32>
        %jit3A_405 = arith.constant 0 : i32
        %broadcast_in_dim3A_406 = vector.broadcast %jit3A_405 : i32 to vector<16xi32>
        %select_n3A_407 = arith.select %eq3A_404, %broadcast_in_dim3A_406, %add3A_401 : vector<16xi1>, vector<16xi32>
        %add3A_408 = arith.constant 1 : i32
        %add3A_409 = vector.broadcast %add3A_408 : i32 to vector<16xi32>
        %add3A_410 = arith.addi %select_n3A_391, %add3A_409 : vector<16xi32>
        %sub3A_411 = arith.constant 164 : i32
        %sub3A_412 = vector.broadcast %sub3A_411 : i32 to vector<16xi32>
        %sub3A_413 = arith.subi %add3A_410, %sub3A_412 : vector<16xi32>
        %add3A_414 = arith.constant 1 : i32
        %add3A_415 = vector.broadcast %add3A_414 : i32 to vector<16xi32>
        %add3A_416 = arith.addi %select_n3A_391, %add3A_415 : vector<16xi32>
        %select_n3A_417 = arith.select %eq3A_404, %sub3A_413, %add3A_416 : vector<16xi1>, vector<16xi32>
        %mul3A_418 = arith.mulf %gather3A_397, %gather3A_398 : vector<16xf32>
        %add3A_419 = arith.addf %add3A_263, %mul3A_418 : vector<16xf32>
        scf.yield %add3A_289, %add3A_315, %add3A_341, %add3A_367, %add3A_393, %add3A_419, %select_n3A_417, %select_n3A_407 : vector<16xf32>, vector<16xf32>, vector<16xf32>, vector<16xf32>, vector<16xf32>, vector<16xf32>, vector<16xi32>, vector<16xi32>
      }
      %scan3A_95 = arith.constant 160 : i32
      %scan3A_96 = arith.addi %scan3A_90, %scan3A_95 : i32
      %gather3A = tpu.vector_load_idx %arg10[%scan3A_94#6] : memref<20992xi32, #tpu.memory_space<vmem>>[vector<16xi32>], vector<16xi32>,
      %gather3A_97 = tpu.vector_load_idx %arg12[%scan3A_94#6] : memref<20992xf32, #tpu.memory_space<vmem>>[vector<16xi32>], vector<16xf32>,
      %gather3A_98 = tpu.vector_load_idx %arg7[%gather3A] : memref<16384xf32, #tpu.memory_space<vmem>>[vector<16xi32>], vector<16xf32>,
      %add3A_99 = arith.constant 1 : i32
      %add3A_100 = vector.broadcast %add3A_99 : i32 to vector<16xi32>
      %add3A_101 = arith.addi %scan3A_94#7, %add3A_100 : vector<16xi32>
      %eq3A = arith.constant 164 : i32
      %eq3A_102 = vector.broadcast %eq3A : i32 to vector<16xi32>
      %eq3A_103 = arith.cmpi eq, %add3A_101, %eq3A_102 : vector<16xi32>
      %jit3A = arith.constant 0 : i32
      %broadcast_in_dim3A_104 = vector.broadcast %jit3A : i32 to vector<16xi32>
      %select_n3A = arith.select %eq3A_103, %broadcast_in_dim3A_104, %add3A_101 : vector<16xi1>, vector<16xi32>
      %add3A_105 = arith.constant 1 : i32
      %add3A_106 = vector.broadcast %add3A_105 : i32 to vector<16xi32>
      %add3A_107 = arith.addi %scan3A_94#6, %add3A_106 : vector<16xi32>
      %sub3A = arith.constant 164 : i32
      %sub3A_108 = vector.broadcast %sub3A : i32 to vector<16xi32>
      %sub3A_109 = arith.subi %add3A_107, %sub3A_108 : vector<16xi32>
      %add3A_110 = arith.constant 1 : i32
      %add3A_111 = vector.broadcast %add3A_110 : i32 to vector<16xi32>
      %add3A_112 = arith.addi %scan3A_94#6, %add3A_111 : vector<16xi32>
      %select_n3A_113 = arith.select %eq3A_103, %sub3A_109, %add3A_112 : vector<16xi1>, vector<16xi32>
      %mul3A_114 = arith.mulf %gather3A_97, %gather3A_98 : vector<16xf32>
      %add3A_115 = arith.addf %scan3A_94#0, %mul3A_114 : vector<16xf32>
      %scan3A_116 = arith.constant 161 : i32
      %scan3A_117 = arith.addi %scan3A_90, %scan3A_116 : i32
      %gather3A_118 = tpu.vector_load_idx %arg10[%select_n3A_113] : memref<20992xi32, #tpu.memory_space<vmem>>[vector<16xi32>], vector<16xi32>,
      %gather3A_119 = tpu.vector_load_idx %arg12[%select_n3A_113] : memref<20992xf32, #tpu.memory_space<vmem>>[vector<16xi32>], vector<16xf32>,
      %gather3A_120 = tpu.vector_load_idx %arg7[%gather3A_118] : memref<16384xf32, #tpu.memory_space<vmem>>[vector<16xi32>], vector<16xf32>,
      %add3A_121 = arith.constant 1 : i32
      %add3A_122 = vector.broadcast %add3A_121 : i32 to vector<16xi32>
      %add3A_123 = arith.addi %select_n3A, %add3A_122 : vector<16xi32>
      %eq3A_124 = arith.constant 164 : i32
      %eq3A_125 = vector.broadcast %eq3A_124 : i32 to vector<16xi32>
      %eq3A_126 = arith.cmpi eq, %add3A_123, %eq3A_125 : vector<16xi32>
      %jit3A_127 = arith.constant 0 : i32
      %broadcast_in_dim3A_128 = vector.broadcast %jit3A_127 : i32 to vector<16xi32>
      %select_n3A_129 = arith.select %eq3A_126, %broadcast_in_dim3A_128, %add3A_123 : vector<16xi1>, vector<16xi32>
      %add3A_130 = arith.constant 1 : i32
      %add3A_131 = vector.broadcast %add3A_130 : i32 to vector<16xi32>
      %add3A_132 = arith.addi %select_n3A_113, %add3A_131 : vector<16xi32>
      %sub3A_133 = arith.constant 164 : i32
      %sub3A_134 = vector.broadcast %sub3A_133 : i32 to vector<16xi32>
      %sub3A_135 = arith.subi %add3A_132, %sub3A_134 : vector<16xi32>
      %add3A_136 = arith.constant 1 : i32
      %add3A_137 = vector.broadcast %add3A_136 : i32 to vector<16xi32>
      %add3A_138 = arith.addi %select_n3A_113, %add3A_137 : vector<16xi32>
      %select_n3A_139 = arith.select %eq3A_126, %sub3A_135, %add3A_138 : vector<16xi1>, vector<16xi32>
      %mul3A_140 = arith.mulf %gather3A_119, %gather3A_120 : vector<16xf32>
      %add3A_141 = arith.addf %scan3A_94#1, %mul3A_140 : vector<16xf32>
      %scan3A_142 = arith.constant 162 : i32
      %scan3A_143 = arith.addi %scan3A_90, %scan3A_142 : i32
      %gather3A_144 = tpu.vector_load_idx %arg10[%select_n3A_139] : memref<20992xi32, #tpu.memory_space<vmem>>[vector<16xi32>], vector<16xi32>,
      %gather3A_145 = tpu.vector_load_idx %arg12[%select_n3A_139] : memref<20992xf32, #tpu.memory_space<vmem>>[vector<16xi32>], vector<16xf32>,
      %gather3A_146 = tpu.vector_load_idx %arg7[%gather3A_144] : memref<16384xf32, #tpu.memory_space<vmem>>[vector<16xi32>], vector<16xf32>,
      %add3A_147 = arith.constant 1 : i32
      %add3A_148 = vector.broadcast %add3A_147 : i32 to vector<16xi32>
      %add3A_149 = arith.addi %select_n3A_129, %add3A_148 : vector<16xi32>
      %eq3A_150 = arith.constant 164 : i32
      %eq3A_151 = vector.broadcast %eq3A_150 : i32 to vector<16xi32>
      %eq3A_152 = arith.cmpi eq, %add3A_149, %eq3A_151 : vector<16xi32>
      %jit3A_153 = arith.constant 0 : i32
      %broadcast_in_dim3A_154 = vector.broadcast %jit3A_153 : i32 to vector<16xi32>
      %select_n3A_155 = arith.select %eq3A_152, %broadcast_in_dim3A_154, %add3A_149 : vector<16xi1>, vector<16xi32>
      %add3A_156 = arith.constant 1 : i32
      %add3A_157 = vector.broadcast %add3A_156 : i32 to vector<16xi32>
      %add3A_158 = arith.addi %select_n3A_139, %add3A_157 : vector<16xi32>
      %sub3A_159 = arith.constant 164 : i32
      %sub3A_160 = vector.broadcast %sub3A_159 : i32 to vector<16xi32>
      %sub3A_161 = arith.subi %add3A_158, %sub3A_160 : vector<16xi32>
      %add3A_162 = arith.constant 1 : i32
      %add3A_163 = vector.broadcast %add3A_162 : i32 to vector<16xi32>
      %add3A_164 = arith.addi %select_n3A_139, %add3A_163 : vector<16xi32>
      %select_n3A_165 = arith.select %eq3A_152, %sub3A_161, %add3A_164 : vector<16xi1>, vector<16xi32>
      %mul3A_166 = arith.mulf %gather3A_145, %gather3A_146 : vector<16xf32>
      %add3A_167 = arith.addf %scan3A_94#2, %mul3A_166 : vector<16xf32>
      %scan3A_168 = arith.constant 163 : i32
      %scan3A_169 = arith.addi %scan3A_90, %scan3A_168 : i32
      %gather3A_170 = tpu.vector_load_idx %arg10[%select_n3A_165] : memref<20992xi32, #tpu.memory_space<vmem>>[vector<16xi32>], vector<16xi32>,
      %gather3A_171 = tpu.vector_load_idx %arg12[%select_n3A_165] : memref<20992xf32, #tpu.memory_space<vmem>>[vector<16xi32>], vector<16xf32>,
      %gather3A_172 = tpu.vector_load_idx %arg7[%gather3A_170] : memref<16384xf32, #tpu.memory_space<vmem>>[vector<16xi32>], vector<16xf32>,
      %add3A_173 = arith.constant 1 : i32
      %add3A_174 = vector.broadcast %add3A_173 : i32 to vector<16xi32>
      %add3A_175 = arith.addi %select_n3A_155, %add3A_174 : vector<16xi32>
      %eq3A_176 = arith.constant 164 : i32
      %eq3A_177 = vector.broadcast %eq3A_176 : i32 to vector<16xi32>
      %eq3A_178 = arith.cmpi eq, %add3A_175, %eq3A_177 : vector<16xi32>
      %jit3A_179 = arith.constant 0 : i32
      %broadcast_in_dim3A_180 = vector.broadcast %jit3A_179 : i32 to vector<16xi32>
      %select_n3A_181 = arith.select %eq3A_178, %broadcast_in_dim3A_180, %add3A_175 : vector<16xi1>, vector<16xi32>
      %add3A_182 = arith.constant 1 : i32
      %add3A_183 = vector.broadcast %add3A_182 : i32 to vector<16xi32>
      %add3A_184 = arith.addi %select_n3A_165, %add3A_183 : vector<16xi32>
      %sub3A_185 = arith.constant 164 : i32
      %sub3A_186 = vector.broadcast %sub3A_185 : i32 to vector<16xi32>
      %sub3A_187 = arith.subi %add3A_184, %sub3A_186 : vector<16xi32>
      %add3A_188 = arith.constant 1 : i32
      %add3A_189 = vector.broadcast %add3A_188 : i32 to vector<16xi32>
      %add3A_190 = arith.addi %select_n3A_165, %add3A_189 : vector<16xi32>
      %select_n3A_191 = arith.select %eq3A_178, %sub3A_187, %add3A_190 : vector<16xi1>, vector<16xi32>
      %mul3A_192 = arith.mulf %gather3A_171, %gather3A_172 : vector<16xf32>
      %add3A_193 = arith.addf %scan3A_94#3, %mul3A_192 : vector<16xf32>
      %scan3A_194 = arith.constant 164 : i32
      %add3A_195 = arith.addf %scan3A_94#4, %scan3A_94#5 : vector<16xf32>
      %add3A_196 = arith.addf %add3A_115, %add3A_141 : vector<16xf32>
      %add3A_197 = arith.addf %add3A_195, %add3A_196 : vector<16xf32>
      %add3A_198 = arith.addf %add3A_167, %add3A_193 : vector<16xf32>
      %add3A_199 = arith.addf %add3A_197, %add3A_198 : vector<16xf32>
      %mul3A_200 = arith.constant 16 : i32
      %mul3A_201 = arith.muli %scan3A_84, %mul3A_200 : i32
      %add3A_202 = arith.constant 256 : i32
      %add3A_203 = arith.addi %add3A_202, %mul3A_201 : i32
      %swap3A = arith.index_cast %add3A_203 : i32 to index
      %swap3A_204 = tpu.vector_load %arg14[%swap3A] {strides = array<i32>} : memref<512xf32, #tpu.memory_space<vmem>>, vector<16xf32>,
      tpu.vector_store %arg14[%swap3A], %add3A_199 {strides = array<i32>} : memref<512xf32, #tpu.memory_space<vmem>>, vector<16xf32>,
    }
    %scan3A_72 = arith.constant 8 : i32
    %add3A_73 = arith.constant 62976 : i32
    %add3A_74 = arith.addi %mul3A_4, %add3A_73 : i32
    %dma_wait3A_75 = tpu.memref_slice %arg4[%add3A_74] : memref<2686976xi32, #tpu.memory_space<hbm>> -> memref<20992xi32, #tpu.memory_space<hbm>>
    %dma_wait3A_76 = tpu.memref_slice %arg4[%add3A_74] : memref<2686976xi32, #tpu.memory_space<hbm>> -> memref<20992xi32, #tpu.memory_space<hbm>>
    tpu.wait_dma2 semaphore(%arg16 : memref<!tpu.dma_semaphore, #tpu.memory_space<semaphore_mem>>) src(%dma_wait3A_76 : memref<20992xi32, #tpu.memory_space<hbm>>) dst(%arg11 : memref<20992xi32, #tpu.memory_space<vmem>>)
    %dma_wait3A_77 = tpu.memref_slice %arg5[%add3A_74] : memref<2686976xf32, #tpu.memory_space<hbm>> -> memref<20992xf32, #tpu.memory_space<hbm>>
    %dma_wait3A_78 = tpu.memref_slice %arg5[%add3A_74] : memref<2686976xf32, #tpu.memory_space<hbm>> -> memref<20992xf32, #tpu.memory_space<hbm>>
    tpu.wait_dma2 semaphore(%arg16 : memref<!tpu.dma_semaphore, #tpu.memory_space<semaphore_mem>>) src(%dma_wait3A_78 : memref<20992xf32, #tpu.memory_space<hbm>>) dst(%arg13 : memref<20992xf32, #tpu.memory_space<vmem>>)
    %scan3A_79 = arith.constant 0 : i32
    %scan3A_80 = arith.constant 8 : i32
    %scan3A_81 = arith.addi %scan3A_79, %scan3A_80 : i32
    %scan3A_82 = arith.constant 1 : i32
    scf.for %scan3A_84 = %scan3A_79 to %scan3A_81 step %scan3A_82  : i32 {
      %mul3A_85 = arith.constant 2624 : i32
      %mul3A_86 = arith.muli %scan3A_84, %mul3A_85 : i32
      %add3A_87 = vector.broadcast %mul3A_86 : i32 to vector<16xi32>
      %add3A_88 = arith.addi %mul3A_28, %add3A_87 : vector<16xi32>
      %add3A_89 = arith.addi %add3A_88, %iota3A : vector<16xi32>
      %scan3A_90 = arith.constant 0 : i32
      %scan3A_91 = arith.constant 160 : i32
      %scan3A_92 = arith.addi %scan3A_90, %scan3A_91 : i32
      %scan3A_93 = arith.constant 8 : i32
      %scan3A_94:8 = scf.for %scan3A_205 = %scan3A_90 to %scan3A_92 step %scan3A_93 iter_args(%scan3A_206 = %broadcast_in_dim3A_5, %scan3A_207 = %broadcast_in_dim3A_5, %scan3A_208 = %broadcast_in_dim3A_5, %scan3A_209 = %broadcast_in_dim3A_5, %scan3A_210 = %broadcast_in_dim3A_5, %scan3A_211 = %broadcast_in_dim3A_5, %scan3A_212 = %add3A_89, %scan3A_213 = %iota3A) -> (vector<16xf32>, vector<16xf32>, vector<16xf32>, vector<16xf32>, vector<16xf32>, vector<16xf32>, vector<16xi32>, vector<16xi32>)  : i32 {
        %gather3A_214 = tpu.vector_load_idx %arg11[%scan3A_212] : memref<20992xi32, #tpu.memory_space<vmem>>[vector<16xi32>], vector<16xi32>,
        %gather3A_215 = tpu.vector_load_idx %arg13[%scan3A_212] : memref<20992xf32, #tpu.memory_space<vmem>>[vector<16xi32>], vector<16xf32>,
        %gather3A_216 = tpu.vector_load_idx %arg7[%gather3A_214] : memref<16384xf32, #tpu.memory_space<vmem>>[vector<16xi32>], vector<16xf32>,
        %add3A_217 = arith.constant 1 : i32
        %add3A_218 = vector.broadcast %add3A_217 : i32 to vector<16xi32>
        %add3A_219 = arith.addi %scan3A_213, %add3A_218 : vector<16xi32>
        %eq3A_220 = arith.constant 164 : i32
        %eq3A_221 = vector.broadcast %eq3A_220 : i32 to vector<16xi32>
        %eq3A_222 = arith.cmpi eq, %add3A_219, %eq3A_221 : vector<16xi32>
        %jit3A_223 = arith.constant 0 : i32
        %broadcast_in_dim3A_224 = vector.broadcast %jit3A_223 : i32 to vector<16xi32>
        %select_n3A_225 = arith.select %eq3A_222, %broadcast_in_dim3A_224, %add3A_219 : vector<16xi1>, vector<16xi32>
        %add3A_226 = arith.constant 1 : i32
        %add3A_227 = vector.broadcast %add3A_226 : i32 to vector<16xi32>
        %add3A_228 = arith.addi %scan3A_212, %add3A_227 : vector<16xi32>
        %sub3A_229 = arith.constant 164 : i32
        %sub3A_230 = vector.broadcast %sub3A_229 : i32 to vector<16xi32>
        %sub3A_231 = arith.subi %add3A_228, %sub3A_230 : vector<16xi32>
        %add3A_232 = arith.constant 1 : i32
        %add3A_233 = vector.broadcast %add3A_232 : i32 to vector<16xi32>
        %add3A_234 = arith.addi %scan3A_212, %add3A_233 : vector<16xi32>
        %select_n3A_235 = arith.select %eq3A_222, %sub3A_231, %add3A_234 : vector<16xi1>, vector<16xi32>
        %mul3A_236 = arith.mulf %gather3A_215, %gather3A_216 : vector<16xf32>
        %add3A_237 = arith.addf %scan3A_206, %mul3A_236 : vector<16xf32>
        %scan3A_238 = arith.constant 1 : i32
        %scan3A_239 = arith.addi %scan3A_205, %scan3A_238 : i32
        %gather3A_240 = tpu.vector_load_idx %arg11[%select_n3A_235] : memref<20992xi32, #tpu.memory_space<vmem>>[vector<16xi32>], vector<16xi32>,
        %gather3A_241 = tpu.vector_load_idx %arg13[%select_n3A_235] : memref<20992xf32, #tpu.memory_space<vmem>>[vector<16xi32>], vector<16xf32>,
        %gather3A_242 = tpu.vector_load_idx %arg7[%gather3A_240] : memref<16384xf32, #tpu.memory_space<vmem>>[vector<16xi32>], vector<16xf32>,
        %add3A_243 = arith.constant 1 : i32
        %add3A_244 = vector.broadcast %add3A_243 : i32 to vector<16xi32>
        %add3A_245 = arith.addi %select_n3A_225, %add3A_244 : vector<16xi32>
        %eq3A_246 = arith.constant 164 : i32
        %eq3A_247 = vector.broadcast %eq3A_246 : i32 to vector<16xi32>
        %eq3A_248 = arith.cmpi eq, %add3A_245, %eq3A_247 : vector<16xi32>
        %jit3A_249 = arith.constant 0 : i32
        %broadcast_in_dim3A_250 = vector.broadcast %jit3A_249 : i32 to vector<16xi32>
        %select_n3A_251 = arith.select %eq3A_248, %broadcast_in_dim3A_250, %add3A_245 : vector<16xi1>, vector<16xi32>
        %add3A_252 = arith.constant 1 : i32
        %add3A_253 = vector.broadcast %add3A_252 : i32 to vector<16xi32>
        %add3A_254 = arith.addi %select_n3A_235, %add3A_253 : vector<16xi32>
        %sub3A_255 = arith.constant 164 : i32
        %sub3A_256 = vector.broadcast %sub3A_255 : i32 to vector<16xi32>
        %sub3A_257 = arith.subi %add3A_254, %sub3A_256 : vector<16xi32>
        %add3A_258 = arith.constant 1 : i32
        %add3A_259 = vector.broadcast %add3A_258 : i32 to vector<16xi32>
        %add3A_260 = arith.addi %select_n3A_235, %add3A_259 : vector<16xi32>
        %select_n3A_261 = arith.select %eq3A_248, %sub3A_257, %add3A_260 : vector<16xi1>, vector<16xi32>
        %mul3A_262 = arith.mulf %gather3A_241, %gather3A_242 : vector<16xf32>
        %add3A_263 = arith.addf %scan3A_207, %mul3A_262 : vector<16xf32>
        %scan3A_264 = arith.constant 2 : i32
        %scan3A_265 = arith.addi %scan3A_205, %scan3A_264 : i32
        %gather3A_266 = tpu.vector_load_idx %arg11[%select_n3A_261] : memref<20992xi32, #tpu.memory_space<vmem>>[vector<16xi32>], vector<16xi32>,
        %gather3A_267 = tpu.vector_load_idx %arg13[%select_n3A_261] : memref<20992xf32, #tpu.memory_space<vmem>>[vector<16xi32>], vector<16xf32>,
        %gather3A_268 = tpu.vector_load_idx %arg7[%gather3A_266] : memref<16384xf32, #tpu.memory_space<vmem>>[vector<16xi32>], vector<16xf32>,
        %add3A_269 = arith.constant 1 : i32
        %add3A_270 = vector.broadcast %add3A_269 : i32 to vector<16xi32>
        %add3A_271 = arith.addi %select_n3A_251, %add3A_270 : vector<16xi32>
        %eq3A_272 = arith.constant 164 : i32
        %eq3A_273 = vector.broadcast %eq3A_272 : i32 to vector<16xi32>
        %eq3A_274 = arith.cmpi eq, %add3A_271, %eq3A_273 : vector<16xi32>
        %jit3A_275 = arith.constant 0 : i32
        %broadcast_in_dim3A_276 = vector.broadcast %jit3A_275 : i32 to vector<16xi32>
        %select_n3A_277 = arith.select %eq3A_274, %broadcast_in_dim3A_276, %add3A_271 : vector<16xi1>, vector<16xi32>
        %add3A_278 = arith.constant 1 : i32
        %add3A_279 = vector.broadcast %add3A_278 : i32 to vector<16xi32>
        %add3A_280 = arith.addi %select_n3A_261, %add3A_279 : vector<16xi32>
        %sub3A_281 = arith.constant 164 : i32
        %sub3A_282 = vector.broadcast %sub3A_281 : i32 to vector<16xi32>
        %sub3A_283 = arith.subi %add3A_280, %sub3A_282 : vector<16xi32>
        %add3A_284 = arith.constant 1 : i32
        %add3A_285 = vector.broadcast %add3A_284 : i32 to vector<16xi32>
        %add3A_286 = arith.addi %select_n3A_261, %add3A_285 : vector<16xi32>
        %select_n3A_287 = arith.select %eq3A_274, %sub3A_283, %add3A_286 : vector<16xi1>, vector<16xi32>
        %mul3A_288 = arith.mulf %gather3A_267, %gather3A_268 : vector<16xf32>
        %add3A_289 = arith.addf %scan3A_208, %mul3A_288 : vector<16xf32>
        %scan3A_290 = arith.constant 3 : i32
        %scan3A_291 = arith.addi %scan3A_205, %scan3A_290 : i32
        %gather3A_292 = tpu.vector_load_idx %arg11[%select_n3A_287] : memref<20992xi32, #tpu.memory_space<vmem>>[vector<16xi32>], vector<16xi32>,
        %gather3A_293 = tpu.vector_load_idx %arg13[%select_n3A_287] : memref<20992xf32, #tpu.memory_space<vmem>>[vector<16xi32>], vector<16xf32>,
        %gather3A_294 = tpu.vector_load_idx %arg7[%gather3A_292] : memref<16384xf32, #tpu.memory_space<vmem>>[vector<16xi32>], vector<16xf32>,
        %add3A_295 = arith.constant 1 : i32
        %add3A_296 = vector.broadcast %add3A_295 : i32 to vector<16xi32>
        %add3A_297 = arith.addi %select_n3A_277, %add3A_296 : vector<16xi32>
        %eq3A_298 = arith.constant 164 : i32
        %eq3A_299 = vector.broadcast %eq3A_298 : i32 to vector<16xi32>
        %eq3A_300 = arith.cmpi eq, %add3A_297, %eq3A_299 : vector<16xi32>
        %jit3A_301 = arith.constant 0 : i32
        %broadcast_in_dim3A_302 = vector.broadcast %jit3A_301 : i32 to vector<16xi32>
        %select_n3A_303 = arith.select %eq3A_300, %broadcast_in_dim3A_302, %add3A_297 : vector<16xi1>, vector<16xi32>
        %add3A_304 = arith.constant 1 : i32
        %add3A_305 = vector.broadcast %add3A_304 : i32 to vector<16xi32>
        %add3A_306 = arith.addi %select_n3A_287, %add3A_305 : vector<16xi32>
        %sub3A_307 = arith.constant 164 : i32
        %sub3A_308 = vector.broadcast %sub3A_307 : i32 to vector<16xi32>
        %sub3A_309 = arith.subi %add3A_306, %sub3A_308 : vector<16xi32>
        %add3A_310 = arith.constant 1 : i32
        %add3A_311 = vector.broadcast %add3A_310 : i32 to vector<16xi32>
        %add3A_312 = arith.addi %select_n3A_287, %add3A_311 : vector<16xi32>
        %select_n3A_313 = arith.select %eq3A_300, %sub3A_309, %add3A_312 : vector<16xi1>, vector<16xi32>
        %mul3A_314 = arith.mulf %gather3A_293, %gather3A_294 : vector<16xf32>
        %add3A_315 = arith.addf %scan3A_209, %mul3A_314 : vector<16xf32>
        %scan3A_316 = arith.constant 4 : i32
        %scan3A_317 = arith.addi %scan3A_205, %scan3A_316 : i32
        %gather3A_318 = tpu.vector_load_idx %arg11[%select_n3A_313] : memref<20992xi32, #tpu.memory_space<vmem>>[vector<16xi32>], vector<16xi32>,
        %gather3A_319 = tpu.vector_load_idx %arg13[%select_n3A_313] : memref<20992xf32, #tpu.memory_space<vmem>>[vector<16xi32>], vector<16xf32>,
        %gather3A_320 = tpu.vector_load_idx %arg7[%gather3A_318] : memref<16384xf32, #tpu.memory_space<vmem>>[vector<16xi32>], vector<16xf32>,
        %add3A_321 = arith.constant 1 : i32
        %add3A_322 = vector.broadcast %add3A_321 : i32 to vector<16xi32>
        %add3A_323 = arith.addi %select_n3A_303, %add3A_322 : vector<16xi32>
        %eq3A_324 = arith.constant 164 : i32
        %eq3A_325 = vector.broadcast %eq3A_324 : i32 to vector<16xi32>
        %eq3A_326 = arith.cmpi eq, %add3A_323, %eq3A_325 : vector<16xi32>
        %jit3A_327 = arith.constant 0 : i32
        %broadcast_in_dim3A_328 = vector.broadcast %jit3A_327 : i32 to vector<16xi32>
        %select_n3A_329 = arith.select %eq3A_326, %broadcast_in_dim3A_328, %add3A_323 : vector<16xi1>, vector<16xi32>
        %add3A_330 = arith.constant 1 : i32
        %add3A_331 = vector.broadcast %add3A_330 : i32 to vector<16xi32>
        %add3A_332 = arith.addi %select_n3A_313, %add3A_331 : vector<16xi32>
        %sub3A_333 = arith.constant 164 : i32
        %sub3A_334 = vector.broadcast %sub3A_333 : i32 to vector<16xi32>
        %sub3A_335 = arith.subi %add3A_332, %sub3A_334 : vector<16xi32>
        %add3A_336 = arith.constant 1 : i32
        %add3A_337 = vector.broadcast %add3A_336 : i32 to vector<16xi32>
        %add3A_338 = arith.addi %select_n3A_313, %add3A_337 : vector<16xi32>
        %select_n3A_339 = arith.select %eq3A_326, %sub3A_335, %add3A_338 : vector<16xi1>, vector<16xi32>
        %mul3A_340 = arith.mulf %gather3A_319, %gather3A_320 : vector<16xf32>
        %add3A_341 = arith.addf %scan3A_210, %mul3A_340 : vector<16xf32>
        %scan3A_342 = arith.constant 5 : i32
        %scan3A_343 = arith.addi %scan3A_205, %scan3A_342 : i32
        %gather3A_344 = tpu.vector_load_idx %arg11[%select_n3A_339] : memref<20992xi32, #tpu.memory_space<vmem>>[vector<16xi32>], vector<16xi32>,
        %gather3A_345 = tpu.vector_load_idx %arg13[%select_n3A_339] : memref<20992xf32, #tpu.memory_space<vmem>>[vector<16xi32>], vector<16xf32>,
        %gather3A_346 = tpu.vector_load_idx %arg7[%gather3A_344] : memref<16384xf32, #tpu.memory_space<vmem>>[vector<16xi32>], vector<16xf32>,
        %add3A_347 = arith.constant 1 : i32
        %add3A_348 = vector.broadcast %add3A_347 : i32 to vector<16xi32>
        %add3A_349 = arith.addi %select_n3A_329, %add3A_348 : vector<16xi32>
        %eq3A_350 = arith.constant 164 : i32
        %eq3A_351 = vector.broadcast %eq3A_350 : i32 to vector<16xi32>
        %eq3A_352 = arith.cmpi eq, %add3A_349, %eq3A_351 : vector<16xi32>
        %jit3A_353 = arith.constant 0 : i32
        %broadcast_in_dim3A_354 = vector.broadcast %jit3A_353 : i32 to vector<16xi32>
        %select_n3A_355 = arith.select %eq3A_352, %broadcast_in_dim3A_354, %add3A_349 : vector<16xi1>, vector<16xi32>
        %add3A_356 = arith.constant 1 : i32
        %add3A_357 = vector.broadcast %add3A_356 : i32 to vector<16xi32>
        %add3A_358 = arith.addi %select_n3A_339, %add3A_357 : vector<16xi32>
        %sub3A_359 = arith.constant 164 : i32
        %sub3A_360 = vector.broadcast %sub3A_359 : i32 to vector<16xi32>
        %sub3A_361 = arith.subi %add3A_358, %sub3A_360 : vector<16xi32>
        %add3A_362 = arith.constant 1 : i32
        %add3A_363 = vector.broadcast %add3A_362 : i32 to vector<16xi32>
        %add3A_364 = arith.addi %select_n3A_339, %add3A_363 : vector<16xi32>
        %select_n3A_365 = arith.select %eq3A_352, %sub3A_361, %add3A_364 : vector<16xi1>, vector<16xi32>
        %mul3A_366 = arith.mulf %gather3A_345, %gather3A_346 : vector<16xf32>
        %add3A_367 = arith.addf %scan3A_211, %mul3A_366 : vector<16xf32>
        %scan3A_368 = arith.constant 6 : i32
        %scan3A_369 = arith.addi %scan3A_205, %scan3A_368 : i32
        %gather3A_370 = tpu.vector_load_idx %arg11[%select_n3A_365] : memref<20992xi32, #tpu.memory_space<vmem>>[vector<16xi32>], vector<16xi32>,
        %gather3A_371 = tpu.vector_load_idx %arg13[%select_n3A_365] : memref<20992xf32, #tpu.memory_space<vmem>>[vector<16xi32>], vector<16xf32>,
        %gather3A_372 = tpu.vector_load_idx %arg7[%gather3A_370] : memref<16384xf32, #tpu.memory_space<vmem>>[vector<16xi32>], vector<16xf32>,
        %add3A_373 = arith.constant 1 : i32
        %add3A_374 = vector.broadcast %add3A_373 : i32 to vector<16xi32>
        %add3A_375 = arith.addi %select_n3A_355, %add3A_374 : vector<16xi32>
        %eq3A_376 = arith.constant 164 : i32
        %eq3A_377 = vector.broadcast %eq3A_376 : i32 to vector<16xi32>
        %eq3A_378 = arith.cmpi eq, %add3A_375, %eq3A_377 : vector<16xi32>
        %jit3A_379 = arith.constant 0 : i32
        %broadcast_in_dim3A_380 = vector.broadcast %jit3A_379 : i32 to vector<16xi32>
        %select_n3A_381 = arith.select %eq3A_378, %broadcast_in_dim3A_380, %add3A_375 : vector<16xi1>, vector<16xi32>
        %add3A_382 = arith.constant 1 : i32
        %add3A_383 = vector.broadcast %add3A_382 : i32 to vector<16xi32>
        %add3A_384 = arith.addi %select_n3A_365, %add3A_383 : vector<16xi32>
        %sub3A_385 = arith.constant 164 : i32
        %sub3A_386 = vector.broadcast %sub3A_385 : i32 to vector<16xi32>
        %sub3A_387 = arith.subi %add3A_384, %sub3A_386 : vector<16xi32>
        %add3A_388 = arith.constant 1 : i32
        %add3A_389 = vector.broadcast %add3A_388 : i32 to vector<16xi32>
        %add3A_390 = arith.addi %select_n3A_365, %add3A_389 : vector<16xi32>
        %select_n3A_391 = arith.select %eq3A_378, %sub3A_387, %add3A_390 : vector<16xi1>, vector<16xi32>
        %mul3A_392 = arith.mulf %gather3A_371, %gather3A_372 : vector<16xf32>
        %add3A_393 = arith.addf %add3A_237, %mul3A_392 : vector<16xf32>
        %scan3A_394 = arith.constant 7 : i32
        %scan3A_395 = arith.addi %scan3A_205, %scan3A_394 : i32
        %gather3A_396 = tpu.vector_load_idx %arg11[%select_n3A_391] : memref<20992xi32, #tpu.memory_space<vmem>>[vector<16xi32>], vector<16xi32>,
        %gather3A_397 = tpu.vector_load_idx %arg13[%select_n3A_391] : memref<20992xf32, #tpu.memory_space<vmem>>[vector<16xi32>], vector<16xf32>,
        %gather3A_398 = tpu.vector_load_idx %arg7[%gather3A_396] : memref<16384xf32, #tpu.memory_space<vmem>>[vector<16xi32>], vector<16xf32>,
        %add3A_399 = arith.constant 1 : i32
        %add3A_400 = vector.broadcast %add3A_399 : i32 to vector<16xi32>
        %add3A_401 = arith.addi %select_n3A_381, %add3A_400 : vector<16xi32>
        %eq3A_402 = arith.constant 164 : i32
        %eq3A_403 = vector.broadcast %eq3A_402 : i32 to vector<16xi32>
        %eq3A_404 = arith.cmpi eq, %add3A_401, %eq3A_403 : vector<16xi32>
        %jit3A_405 = arith.constant 0 : i32
        %broadcast_in_dim3A_406 = vector.broadcast %jit3A_405 : i32 to vector<16xi32>
        %select_n3A_407 = arith.select %eq3A_404, %broadcast_in_dim3A_406, %add3A_401 : vector<16xi1>, vector<16xi32>
        %add3A_408 = arith.constant 1 : i32
        %add3A_409 = vector.broadcast %add3A_408 : i32 to vector<16xi32>
        %add3A_410 = arith.addi %select_n3A_391, %add3A_409 : vector<16xi32>
        %sub3A_411 = arith.constant 164 : i32
        %sub3A_412 = vector.broadcast %sub3A_411 : i32 to vector<16xi32>
        %sub3A_413 = arith.subi %add3A_410, %sub3A_412 : vector<16xi32>
        %add3A_414 = arith.constant 1 : i32
        %add3A_415 = vector.broadcast %add3A_414 : i32 to vector<16xi32>
        %add3A_416 = arith.addi %select_n3A_391, %add3A_415 : vector<16xi32>
        %select_n3A_417 = arith.select %eq3A_404, %sub3A_413, %add3A_416 : vector<16xi1>, vector<16xi32>
        %mul3A_418 = arith.mulf %gather3A_397, %gather3A_398 : vector<16xf32>
        %add3A_419 = arith.addf %add3A_263, %mul3A_418 : vector<16xf32>
        scf.yield %add3A_289, %add3A_315, %add3A_341, %add3A_367, %add3A_393, %add3A_419, %select_n3A_417, %select_n3A_407 : vector<16xf32>, vector<16xf32>, vector<16xf32>, vector<16xf32>, vector<16xf32>, vector<16xf32>, vector<16xi32>, vector<16xi32>
      }
      %scan3A_95 = arith.constant 160 : i32
      %scan3A_96 = arith.addi %scan3A_90, %scan3A_95 : i32
      %gather3A = tpu.vector_load_idx %arg11[%scan3A_94#6] : memref<20992xi32, #tpu.memory_space<vmem>>[vector<16xi32>], vector<16xi32>,
      %gather3A_97 = tpu.vector_load_idx %arg13[%scan3A_94#6] : memref<20992xf32, #tpu.memory_space<vmem>>[vector<16xi32>], vector<16xf32>,
      %gather3A_98 = tpu.vector_load_idx %arg7[%gather3A] : memref<16384xf32, #tpu.memory_space<vmem>>[vector<16xi32>], vector<16xf32>,
      %add3A_99 = arith.constant 1 : i32
      %add3A_100 = vector.broadcast %add3A_99 : i32 to vector<16xi32>
      %add3A_101 = arith.addi %scan3A_94#7, %add3A_100 : vector<16xi32>
      %eq3A = arith.constant 164 : i32
      %eq3A_102 = vector.broadcast %eq3A : i32 to vector<16xi32>
      %eq3A_103 = arith.cmpi eq, %add3A_101, %eq3A_102 : vector<16xi32>
      %jit3A = arith.constant 0 : i32
      %broadcast_in_dim3A_104 = vector.broadcast %jit3A : i32 to vector<16xi32>
      %select_n3A = arith.select %eq3A_103, %broadcast_in_dim3A_104, %add3A_101 : vector<16xi1>, vector<16xi32>
      %add3A_105 = arith.constant 1 : i32
      %add3A_106 = vector.broadcast %add3A_105 : i32 to vector<16xi32>
      %add3A_107 = arith.addi %scan3A_94#6, %add3A_106 : vector<16xi32>
      %sub3A = arith.constant 164 : i32
      %sub3A_108 = vector.broadcast %sub3A : i32 to vector<16xi32>
      %sub3A_109 = arith.subi %add3A_107, %sub3A_108 : vector<16xi32>
      %add3A_110 = arith.constant 1 : i32
      %add3A_111 = vector.broadcast %add3A_110 : i32 to vector<16xi32>
      %add3A_112 = arith.addi %scan3A_94#6, %add3A_111 : vector<16xi32>
      %select_n3A_113 = arith.select %eq3A_103, %sub3A_109, %add3A_112 : vector<16xi1>, vector<16xi32>
      %mul3A_114 = arith.mulf %gather3A_97, %gather3A_98 : vector<16xf32>
      %add3A_115 = arith.addf %scan3A_94#0, %mul3A_114 : vector<16xf32>
      %scan3A_116 = arith.constant 161 : i32
      %scan3A_117 = arith.addi %scan3A_90, %scan3A_116 : i32
      %gather3A_118 = tpu.vector_load_idx %arg11[%select_n3A_113] : memref<20992xi32, #tpu.memory_space<vmem>>[vector<16xi32>], vector<16xi32>,
      %gather3A_119 = tpu.vector_load_idx %arg13[%select_n3A_113] : memref<20992xf32, #tpu.memory_space<vmem>>[vector<16xi32>], vector<16xf32>,
      %gather3A_120 = tpu.vector_load_idx %arg7[%gather3A_118] : memref<16384xf32, #tpu.memory_space<vmem>>[vector<16xi32>], vector<16xf32>,
      %add3A_121 = arith.constant 1 : i32
      %add3A_122 = vector.broadcast %add3A_121 : i32 to vector<16xi32>
      %add3A_123 = arith.addi %select_n3A, %add3A_122 : vector<16xi32>
      %eq3A_124 = arith.constant 164 : i32
      %eq3A_125 = vector.broadcast %eq3A_124 : i32 to vector<16xi32>
      %eq3A_126 = arith.cmpi eq, %add3A_123, %eq3A_125 : vector<16xi32>
      %jit3A_127 = arith.constant 0 : i32
      %broadcast_in_dim3A_128 = vector.broadcast %jit3A_127 : i32 to vector<16xi32>
      %select_n3A_129 = arith.select %eq3A_126, %broadcast_in_dim3A_128, %add3A_123 : vector<16xi1>, vector<16xi32>
      %add3A_130 = arith.constant 1 : i32
      %add3A_131 = vector.broadcast %add3A_130 : i32 to vector<16xi32>
      %add3A_132 = arith.addi %select_n3A_113, %add3A_131 : vector<16xi32>
      %sub3A_133 = arith.constant 164 : i32
      %sub3A_134 = vector.broadcast %sub3A_133 : i32 to vector<16xi32>
      %sub3A_135 = arith.subi %add3A_132, %sub3A_134 : vector<16xi32>
      %add3A_136 = arith.constant 1 : i32
      %add3A_137 = vector.broadcast %add3A_136 : i32 to vector<16xi32>
      %add3A_138 = arith.addi %select_n3A_113, %add3A_137 : vector<16xi32>
      %select_n3A_139 = arith.select %eq3A_126, %sub3A_135, %add3A_138 : vector<16xi1>, vector<16xi32>
      %mul3A_140 = arith.mulf %gather3A_119, %gather3A_120 : vector<16xf32>
      %add3A_141 = arith.addf %scan3A_94#1, %mul3A_140 : vector<16xf32>
      %scan3A_142 = arith.constant 162 : i32
      %scan3A_143 = arith.addi %scan3A_90, %scan3A_142 : i32
      %gather3A_144 = tpu.vector_load_idx %arg11[%select_n3A_139] : memref<20992xi32, #tpu.memory_space<vmem>>[vector<16xi32>], vector<16xi32>,
      %gather3A_145 = tpu.vector_load_idx %arg13[%select_n3A_139] : memref<20992xf32, #tpu.memory_space<vmem>>[vector<16xi32>], vector<16xf32>,
      %gather3A_146 = tpu.vector_load_idx %arg7[%gather3A_144] : memref<16384xf32, #tpu.memory_space<vmem>>[vector<16xi32>], vector<16xf32>,
      %add3A_147 = arith.constant 1 : i32
      %add3A_148 = vector.broadcast %add3A_147 : i32 to vector<16xi32>
      %add3A_149 = arith.addi %select_n3A_129, %add3A_148 : vector<16xi32>
      %eq3A_150 = arith.constant 164 : i32
      %eq3A_151 = vector.broadcast %eq3A_150 : i32 to vector<16xi32>
      %eq3A_152 = arith.cmpi eq, %add3A_149, %eq3A_151 : vector<16xi32>
      %jit3A_153 = arith.constant 0 : i32
      %broadcast_in_dim3A_154 = vector.broadcast %jit3A_153 : i32 to vector<16xi32>
      %select_n3A_155 = arith.select %eq3A_152, %broadcast_in_dim3A_154, %add3A_149 : vector<16xi1>, vector<16xi32>
      %add3A_156 = arith.constant 1 : i32
      %add3A_157 = vector.broadcast %add3A_156 : i32 to vector<16xi32>
      %add3A_158 = arith.addi %select_n3A_139, %add3A_157 : vector<16xi32>
      %sub3A_159 = arith.constant 164 : i32
      %sub3A_160 = vector.broadcast %sub3A_159 : i32 to vector<16xi32>
      %sub3A_161 = arith.subi %add3A_158, %sub3A_160 : vector<16xi32>
      %add3A_162 = arith.constant 1 : i32
      %add3A_163 = vector.broadcast %add3A_162 : i32 to vector<16xi32>
      %add3A_164 = arith.addi %select_n3A_139, %add3A_163 : vector<16xi32>
      %select_n3A_165 = arith.select %eq3A_152, %sub3A_161, %add3A_164 : vector<16xi1>, vector<16xi32>
      %mul3A_166 = arith.mulf %gather3A_145, %gather3A_146 : vector<16xf32>
      %add3A_167 = arith.addf %scan3A_94#2, %mul3A_166 : vector<16xf32>
      %scan3A_168 = arith.constant 163 : i32
      %scan3A_169 = arith.addi %scan3A_90, %scan3A_168 : i32
      %gather3A_170 = tpu.vector_load_idx %arg11[%select_n3A_165] : memref<20992xi32, #tpu.memory_space<vmem>>[vector<16xi32>], vector<16xi32>,
      %gather3A_171 = tpu.vector_load_idx %arg13[%select_n3A_165] : memref<20992xf32, #tpu.memory_space<vmem>>[vector<16xi32>], vector<16xf32>,
      %gather3A_172 = tpu.vector_load_idx %arg7[%gather3A_170] : memref<16384xf32, #tpu.memory_space<vmem>>[vector<16xi32>], vector<16xf32>,
      %add3A_173 = arith.constant 1 : i32
      %add3A_174 = vector.broadcast %add3A_173 : i32 to vector<16xi32>
      %add3A_175 = arith.addi %select_n3A_155, %add3A_174 : vector<16xi32>
      %eq3A_176 = arith.constant 164 : i32
      %eq3A_177 = vector.broadcast %eq3A_176 : i32 to vector<16xi32>
      %eq3A_178 = arith.cmpi eq, %add3A_175, %eq3A_177 : vector<16xi32>
      %jit3A_179 = arith.constant 0 : i32
      %broadcast_in_dim3A_180 = vector.broadcast %jit3A_179 : i32 to vector<16xi32>
      %select_n3A_181 = arith.select %eq3A_178, %broadcast_in_dim3A_180, %add3A_175 : vector<16xi1>, vector<16xi32>
      %add3A_182 = arith.constant 1 : i32
      %add3A_183 = vector.broadcast %add3A_182 : i32 to vector<16xi32>
      %add3A_184 = arith.addi %select_n3A_165, %add3A_183 : vector<16xi32>
      %sub3A_185 = arith.constant 164 : i32
      %sub3A_186 = vector.broadcast %sub3A_185 : i32 to vector<16xi32>
      %sub3A_187 = arith.subi %add3A_184, %sub3A_186 : vector<16xi32>
      %add3A_188 = arith.constant 1 : i32
      %add3A_189 = vector.broadcast %add3A_188 : i32 to vector<16xi32>
      %add3A_190 = arith.addi %select_n3A_165, %add3A_189 : vector<16xi32>
      %select_n3A_191 = arith.select %eq3A_178, %sub3A_187, %add3A_190 : vector<16xi1>, vector<16xi32>
      %mul3A_192 = arith.mulf %gather3A_171, %gather3A_172 : vector<16xf32>
      %add3A_193 = arith.addf %scan3A_94#3, %mul3A_192 : vector<16xf32>
      %scan3A_194 = arith.constant 164 : i32
      %add3A_195 = arith.addf %scan3A_94#4, %scan3A_94#5 : vector<16xf32>
      %add3A_196 = arith.addf %add3A_115, %add3A_141 : vector<16xf32>
      %add3A_197 = arith.addf %add3A_195, %add3A_196 : vector<16xf32>
      %add3A_198 = arith.addf %add3A_167, %add3A_193 : vector<16xf32>
      %add3A_199 = arith.addf %add3A_197, %add3A_198 : vector<16xf32>
      %mul3A_200 = arith.constant 16 : i32
      %mul3A_201 = arith.muli %scan3A_84, %mul3A_200 : i32
      %add3A_202 = arith.constant 384 : i32
      %add3A_203 = arith.addi %add3A_202, %mul3A_201 : i32
      %swap3A = arith.index_cast %add3A_203 : i32 to index
      %swap3A_204 = tpu.vector_load %arg14[%swap3A] {strides = array<i32>} : memref<512xf32, #tpu.memory_space<vmem>>, vector<16xf32>,
      tpu.vector_store %arg14[%swap3A], %add3A_199 {strides = array<i32>} : memref<512xf32, #tpu.memory_space<vmem>>, vector<16xf32>,
    }
    %scan3A_83 = arith.constant 8 : i32
    "tpu.region"() ({
      %run_scoped3A = tpu.sem_alloc : memref<!tpu.dma_semaphore, #tpu.memory_space<semaphore_mem>>
      %dma_start3A_84 = tpu.memref_slice %arg6[%mul3A_2] : memref<16384xf32, #tpu.memory_space<hbm>> -> memref<512xf32, #tpu.memory_space<hbm>>
      %dma_start3A_85 = tpu.memref_slice %arg6[%mul3A_2] : memref<16384xf32, #tpu.memory_space<hbm>> -> memref<512xf32, #tpu.memory_space<hbm>>
      tpu.enqueue_dma source(%arg14 : memref<512xf32, #tpu.memory_space<vmem>>) target(%dma_start3A_85 : memref<512xf32, #tpu.memory_space<hbm>>) target_semaphore(%run_scoped3A : memref<!tpu.dma_semaphore, #tpu.memory_space<semaphore_mem>>)
      %dma_wait3A_86 = tpu.memref_slice %arg6[%mul3A_2] : memref<16384xf32, #tpu.memory_space<hbm>> -> memref<512xf32, #tpu.memory_space<hbm>>
      %dma_wait3A_87 = tpu.memref_slice %arg6[%mul3A_2] : memref<16384xf32, #tpu.memory_space<hbm>> -> memref<512xf32, #tpu.memory_space<hbm>>
      tpu.wait_dma2 semaphore(%run_scoped3A : memref<!tpu.dma_semaphore, #tpu.memory_space<semaphore_mem>>) src(%arg14 : memref<512xf32, #tpu.memory_space<vmem>>) dst(%dma_wait3A_87 : memref<512xf32, #tpu.memory_space<hbm>>)
      tpu.yield
    }) : () -> ()
    return
  }
}

module attributes {stable_mosaic.version = 14 : i64} {
  func.func @_topk_body(%arg0: memref<128x128xf32, #tpu.memory_space<vmem>>, %arg1: memref<10xf32, #tpu.memory_space<vmem>>, %arg2: memref<10xi32, #tpu.memory_space<vmem>>) attributes {dimension_semantics = [], scalar_prefetch = 0 : i64, scratch_operands = 0 : i64, tpu.core_type = #tpu.core_type<tc>} {
    %get3A = arith.constant 0 : index
    %get3A_0 = arith.constant 0 : index
    %get3A_1 = vector.load %arg0[%get3A, %get3A_0] : memref<128x128xf32, #tpu.memory_space<vmem>>, vector<128x128xf32>
    %iota3A = tpu.iota {dimensions = array<i32: 0>} : vector<128x128xi32>
    %reduce_max3A = arith.constant dense<0xFF800000> : vector<128xf32>
    %reduce_max3A_2 = vector.multi_reduction <maximumf>, %get3A_1, %reduce_max3A [0] : vector<128x128xf32> to vector<128xf32>
    %broadcast_in_dim3A = vector.shape_cast %reduce_max3A_2 : vector<128xf32> to vector<1x128xf32>
    %eq3A = vector.broadcast %broadcast_in_dim3A : vector<1x128xf32> to vector<128x128xf32>
    %eq3A_3 = arith.cmpf oeq, %get3A_1, %eq3A : vector<128x128xf32>
    %jit3A = arith.constant 128 : i32
    %broadcast_in_dim3A_4 = vector.broadcast %jit3A : i32 to vector<128x128xi32>
    %select_n3A = arith.select %eq3A_3, %iota3A, %broadcast_in_dim3A_4 : vector<128x128xi1>, vector<128x128xi32>
    %reduce_min3A = arith.constant dense<2147483647> : vector<128xi32>
    %reduce_min3A_5 = vector.multi_reduction <minsi>, %select_n3A, %reduce_min3A [0] : vector<128x128xi32> to vector<128xi32>
    %broadcast_in_dim3A_6 = vector.shape_cast %reduce_min3A_5 : vector<128xi32> to vector<1x128xi32>
    %eq3A_7 = vector.broadcast %broadcast_in_dim3A_6 : vector<1x128xi32> to vector<128x128xi32>
    %eq3A_8 = arith.cmpi eq, %iota3A, %eq3A_7 : vector<128x128xi32>
    %jit3A_9 = arith.constant 0xFF800000 : f32
    %broadcast_in_dim3A_10 = vector.broadcast %jit3A_9 : f32 to vector<128x128xf32>
    %select_n3A_11 = arith.select %eq3A_8, %broadcast_in_dim3A_10, %get3A_1 : vector<128x128xi1>, vector<128x128xf32>
    %reduce_max3A_12 = arith.constant dense<0xFF800000> : vector<128xf32>
    %reduce_max3A_13 = vector.multi_reduction <maximumf>, %select_n3A_11, %reduce_max3A_12 [0] : vector<128x128xf32> to vector<128xf32>
    %broadcast_in_dim3A_14 = vector.shape_cast %reduce_max3A_13 : vector<128xf32> to vector<1x128xf32>
    %eq3A_15 = vector.broadcast %broadcast_in_dim3A_14 : vector<1x128xf32> to vector<128x128xf32>
    %eq3A_16 = arith.cmpf oeq, %select_n3A_11, %eq3A_15 : vector<128x128xf32>
    %jit3A_17 = arith.constant 128 : i32
    %broadcast_in_dim3A_18 = vector.broadcast %jit3A_17 : i32 to vector<128x128xi32>
    %select_n3A_19 = arith.select %eq3A_16, %iota3A, %broadcast_in_dim3A_18 : vector<128x128xi1>, vector<128x128xi32>
    %reduce_min3A_20 = arith.constant dense<2147483647> : vector<128xi32>
    %reduce_min3A_21 = vector.multi_reduction <minsi>, %select_n3A_19, %reduce_min3A_20 [0] : vector<128x128xi32> to vector<128xi32>
    %broadcast_in_dim3A_22 = vector.shape_cast %reduce_min3A_21 : vector<128xi32> to vector<1x128xi32>
    %eq3A_23 = vector.broadcast %broadcast_in_dim3A_22 : vector<1x128xi32> to vector<128x128xi32>
    %eq3A_24 = arith.cmpi eq, %iota3A, %eq3A_23 : vector<128x128xi32>
    %jit3A_25 = arith.constant 0xFF800000 : f32
    %broadcast_in_dim3A_26 = vector.broadcast %jit3A_25 : f32 to vector<128x128xf32>
    %select_n3A_27 = arith.select %eq3A_24, %broadcast_in_dim3A_26, %select_n3A_11 : vector<128x128xi1>, vector<128x128xf32>
    %reduce_max3A_28 = arith.constant dense<0xFF800000> : vector<128xf32>
    %reduce_max3A_29 = vector.multi_reduction <maximumf>, %select_n3A_27, %reduce_max3A_28 [0] : vector<128x128xf32> to vector<128xf32>
    %broadcast_in_dim3A_30 = vector.shape_cast %reduce_max3A_29 : vector<128xf32> to vector<1x128xf32>
    %eq3A_31 = vector.broadcast %broadcast_in_dim3A_30 : vector<1x128xf32> to vector<128x128xf32>
    %eq3A_32 = arith.cmpf oeq, %select_n3A_27, %eq3A_31 : vector<128x128xf32>
    %jit3A_33 = arith.constant 128 : i32
    %broadcast_in_dim3A_34 = vector.broadcast %jit3A_33 : i32 to vector<128x128xi32>
    %select_n3A_35 = arith.select %eq3A_32, %iota3A, %broadcast_in_dim3A_34 : vector<128x128xi1>, vector<128x128xi32>
    %reduce_min3A_36 = arith.constant dense<2147483647> : vector<128xi32>
    %reduce_min3A_37 = vector.multi_reduction <minsi>, %select_n3A_35, %reduce_min3A_36 [0] : vector<128x128xi32> to vector<128xi32>
    %broadcast_in_dim3A_38 = vector.shape_cast %reduce_min3A_37 : vector<128xi32> to vector<1x128xi32>
    %eq3A_39 = vector.broadcast %broadcast_in_dim3A_38 : vector<1x128xi32> to vector<128x128xi32>
    %eq3A_40 = arith.cmpi eq, %iota3A, %eq3A_39 : vector<128x128xi32>
    %jit3A_41 = arith.constant 0xFF800000 : f32
    %broadcast_in_dim3A_42 = vector.broadcast %jit3A_41 : f32 to vector<128x128xf32>
    %select_n3A_43 = arith.select %eq3A_40, %broadcast_in_dim3A_42, %select_n3A_27 : vector<128x128xi1>, vector<128x128xf32>
    %reduce_max3A_44 = arith.constant dense<0xFF800000> : vector<128xf32>
    %reduce_max3A_45 = vector.multi_reduction <maximumf>, %select_n3A_43, %reduce_max3A_44 [0] : vector<128x128xf32> to vector<128xf32>
    %broadcast_in_dim3A_46 = vector.shape_cast %reduce_max3A_45 : vector<128xf32> to vector<1x128xf32>
    %eq3A_47 = vector.broadcast %broadcast_in_dim3A_46 : vector<1x128xf32> to vector<128x128xf32>
    %eq3A_48 = arith.cmpf oeq, %select_n3A_43, %eq3A_47 : vector<128x128xf32>
    %jit3A_49 = arith.constant 128 : i32
    %broadcast_in_dim3A_50 = vector.broadcast %jit3A_49 : i32 to vector<128x128xi32>
    %select_n3A_51 = arith.select %eq3A_48, %iota3A, %broadcast_in_dim3A_50 : vector<128x128xi1>, vector<128x128xi32>
    %reduce_min3A_52 = arith.constant dense<2147483647> : vector<128xi32>
    %reduce_min3A_53 = vector.multi_reduction <minsi>, %select_n3A_51, %reduce_min3A_52 [0] : vector<128x128xi32> to vector<128xi32>
    %broadcast_in_dim3A_54 = vector.shape_cast %reduce_min3A_53 : vector<128xi32> to vector<1x128xi32>
    %eq3A_55 = vector.broadcast %broadcast_in_dim3A_54 : vector<1x128xi32> to vector<128x128xi32>
    %eq3A_56 = arith.cmpi eq, %iota3A, %eq3A_55 : vector<128x128xi32>
    %jit3A_57 = arith.constant 0xFF800000 : f32
    %broadcast_in_dim3A_58 = vector.broadcast %jit3A_57 : f32 to vector<128x128xf32>
    %select_n3A_59 = arith.select %eq3A_56, %broadcast_in_dim3A_58, %select_n3A_43 : vector<128x128xi1>, vector<128x128xf32>
    %reduce_max3A_60 = arith.constant dense<0xFF800000> : vector<128xf32>
    %reduce_max3A_61 = vector.multi_reduction <maximumf>, %select_n3A_59, %reduce_max3A_60 [0] : vector<128x128xf32> to vector<128xf32>
    %broadcast_in_dim3A_62 = vector.shape_cast %reduce_max3A_61 : vector<128xf32> to vector<1x128xf32>
    %eq3A_63 = vector.broadcast %broadcast_in_dim3A_62 : vector<1x128xf32> to vector<128x128xf32>
    %eq3A_64 = arith.cmpf oeq, %select_n3A_59, %eq3A_63 : vector<128x128xf32>
    %jit3A_65 = arith.constant 128 : i32
    %broadcast_in_dim3A_66 = vector.broadcast %jit3A_65 : i32 to vector<128x128xi32>
    %select_n3A_67 = arith.select %eq3A_64, %iota3A, %broadcast_in_dim3A_66 : vector<128x128xi1>, vector<128x128xi32>
    %reduce_min3A_68 = arith.constant dense<2147483647> : vector<128xi32>
    %reduce_min3A_69 = vector.multi_reduction <minsi>, %select_n3A_67, %reduce_min3A_68 [0] : vector<128x128xi32> to vector<128xi32>
    %broadcast_in_dim3A_70 = vector.shape_cast %reduce_min3A_69 : vector<128xi32> to vector<1x128xi32>
    %eq3A_71 = vector.broadcast %broadcast_in_dim3A_70 : vector<1x128xi32> to vector<128x128xi32>
    %eq3A_72 = arith.cmpi eq, %iota3A, %eq3A_71 : vector<128x128xi32>
    %jit3A_73 = arith.constant 0xFF800000 : f32
    %broadcast_in_dim3A_74 = vector.broadcast %jit3A_73 : f32 to vector<128x128xf32>
    %select_n3A_75 = arith.select %eq3A_72, %broadcast_in_dim3A_74, %select_n3A_59 : vector<128x128xi1>, vector<128x128xf32>
    %reduce_max3A_76 = arith.constant dense<0xFF800000> : vector<128xf32>
    %reduce_max3A_77 = vector.multi_reduction <maximumf>, %select_n3A_75, %reduce_max3A_76 [0] : vector<128x128xf32> to vector<128xf32>
    %broadcast_in_dim3A_78 = vector.shape_cast %reduce_max3A_77 : vector<128xf32> to vector<1x128xf32>
    %eq3A_79 = vector.broadcast %broadcast_in_dim3A_78 : vector<1x128xf32> to vector<128x128xf32>
    %eq3A_80 = arith.cmpf oeq, %select_n3A_75, %eq3A_79 : vector<128x128xf32>
    %jit3A_81 = arith.constant 128 : i32
    %broadcast_in_dim3A_82 = vector.broadcast %jit3A_81 : i32 to vector<128x128xi32>
    %select_n3A_83 = arith.select %eq3A_80, %iota3A, %broadcast_in_dim3A_82 : vector<128x128xi1>, vector<128x128xi32>
    %reduce_min3A_84 = arith.constant dense<2147483647> : vector<128xi32>
    %reduce_min3A_85 = vector.multi_reduction <minsi>, %select_n3A_83, %reduce_min3A_84 [0] : vector<128x128xi32> to vector<128xi32>
    %broadcast_in_dim3A_86 = vector.shape_cast %reduce_min3A_85 : vector<128xi32> to vector<1x128xi32>
    %eq3A_87 = vector.broadcast %broadcast_in_dim3A_86 : vector<1x128xi32> to vector<128x128xi32>
    %eq3A_88 = arith.cmpi eq, %iota3A, %eq3A_87 : vector<128x128xi32>
    %jit3A_89 = arith.constant 0xFF800000 : f32
    %broadcast_in_dim3A_90 = vector.broadcast %jit3A_89 : f32 to vector<128x128xf32>
    %select_n3A_91 = arith.select %eq3A_88, %broadcast_in_dim3A_90, %select_n3A_75 : vector<128x128xi1>, vector<128x128xf32>
    %reduce_max3A_92 = arith.constant dense<0xFF800000> : vector<128xf32>
    %reduce_max3A_93 = vector.multi_reduction <maximumf>, %select_n3A_91, %reduce_max3A_92 [0] : vector<128x128xf32> to vector<128xf32>
    %broadcast_in_dim3A_94 = vector.shape_cast %reduce_max3A_93 : vector<128xf32> to vector<1x128xf32>
    %eq3A_95 = vector.broadcast %broadcast_in_dim3A_94 : vector<1x128xf32> to vector<128x128xf32>
    %eq3A_96 = arith.cmpf oeq, %select_n3A_91, %eq3A_95 : vector<128x128xf32>
    %jit3A_97 = arith.constant 128 : i32
    %broadcast_in_dim3A_98 = vector.broadcast %jit3A_97 : i32 to vector<128x128xi32>
    %select_n3A_99 = arith.select %eq3A_96, %iota3A, %broadcast_in_dim3A_98 : vector<128x128xi1>, vector<128x128xi32>
    %reduce_min3A_100 = arith.constant dense<2147483647> : vector<128xi32>
    %reduce_min3A_101 = vector.multi_reduction <minsi>, %select_n3A_99, %reduce_min3A_100 [0] : vector<128x128xi32> to vector<128xi32>
    %broadcast_in_dim3A_102 = vector.shape_cast %reduce_min3A_101 : vector<128xi32> to vector<1x128xi32>
    %eq3A_103 = vector.broadcast %broadcast_in_dim3A_102 : vector<1x128xi32> to vector<128x128xi32>
    %eq3A_104 = arith.cmpi eq, %iota3A, %eq3A_103 : vector<128x128xi32>
    %jit3A_105 = arith.constant 0xFF800000 : f32
    %broadcast_in_dim3A_106 = vector.broadcast %jit3A_105 : f32 to vector<128x128xf32>
    %select_n3A_107 = arith.select %eq3A_104, %broadcast_in_dim3A_106, %select_n3A_91 : vector<128x128xi1>, vector<128x128xf32>
    %reduce_max3A_108 = arith.constant dense<0xFF800000> : vector<128xf32>
    %reduce_max3A_109 = vector.multi_reduction <maximumf>, %select_n3A_107, %reduce_max3A_108 [0] : vector<128x128xf32> to vector<128xf32>
    %broadcast_in_dim3A_110 = vector.shape_cast %reduce_max3A_109 : vector<128xf32> to vector<1x128xf32>
    %eq3A_111 = vector.broadcast %broadcast_in_dim3A_110 : vector<1x128xf32> to vector<128x128xf32>
    %eq3A_112 = arith.cmpf oeq, %select_n3A_107, %eq3A_111 : vector<128x128xf32>
    %jit3A_113 = arith.constant 128 : i32
    %broadcast_in_dim3A_114 = vector.broadcast %jit3A_113 : i32 to vector<128x128xi32>
    %select_n3A_115 = arith.select %eq3A_112, %iota3A, %broadcast_in_dim3A_114 : vector<128x128xi1>, vector<128x128xi32>
    %reduce_min3A_116 = arith.constant dense<2147483647> : vector<128xi32>
    %reduce_min3A_117 = vector.multi_reduction <minsi>, %select_n3A_115, %reduce_min3A_116 [0] : vector<128x128xi32> to vector<128xi32>
    %broadcast_in_dim3A_118 = vector.shape_cast %reduce_min3A_117 : vector<128xi32> to vector<1x128xi32>
    %eq3A_119 = vector.broadcast %broadcast_in_dim3A_118 : vector<1x128xi32> to vector<128x128xi32>
    %eq3A_120 = arith.cmpi eq, %iota3A, %eq3A_119 : vector<128x128xi32>
    %jit3A_121 = arith.constant 0xFF800000 : f32
    %broadcast_in_dim3A_122 = vector.broadcast %jit3A_121 : f32 to vector<128x128xf32>
    %select_n3A_123 = arith.select %eq3A_120, %broadcast_in_dim3A_122, %select_n3A_107 : vector<128x128xi1>, vector<128x128xf32>
    %reduce_max3A_124 = arith.constant dense<0xFF800000> : vector<128xf32>
    %reduce_max3A_125 = vector.multi_reduction <maximumf>, %select_n3A_123, %reduce_max3A_124 [0] : vector<128x128xf32> to vector<128xf32>
    %broadcast_in_dim3A_126 = vector.shape_cast %reduce_max3A_125 : vector<128xf32> to vector<1x128xf32>
    %eq3A_127 = vector.broadcast %broadcast_in_dim3A_126 : vector<1x128xf32> to vector<128x128xf32>
    %eq3A_128 = arith.cmpf oeq, %select_n3A_123, %eq3A_127 : vector<128x128xf32>
    %jit3A_129 = arith.constant 128 : i32
    %broadcast_in_dim3A_130 = vector.broadcast %jit3A_129 : i32 to vector<128x128xi32>
    %select_n3A_131 = arith.select %eq3A_128, %iota3A, %broadcast_in_dim3A_130 : vector<128x128xi1>, vector<128x128xi32>
    %reduce_min3A_132 = arith.constant dense<2147483647> : vector<128xi32>
    %reduce_min3A_133 = vector.multi_reduction <minsi>, %select_n3A_131, %reduce_min3A_132 [0] : vector<128x128xi32> to vector<128xi32>
    %broadcast_in_dim3A_134 = vector.shape_cast %reduce_min3A_133 : vector<128xi32> to vector<1x128xi32>
    %eq3A_135 = vector.broadcast %broadcast_in_dim3A_134 : vector<1x128xi32> to vector<128x128xi32>
    %eq3A_136 = arith.cmpi eq, %iota3A, %eq3A_135 : vector<128x128xi32>
    %jit3A_137 = arith.constant 0xFF800000 : f32
    %broadcast_in_dim3A_138 = vector.broadcast %jit3A_137 : f32 to vector<128x128xf32>
    %select_n3A_139 = arith.select %eq3A_136, %broadcast_in_dim3A_138, %select_n3A_123 : vector<128x128xi1>, vector<128x128xf32>
    %reduce_max3A_140 = arith.constant dense<0xFF800000> : vector<128xf32>
    %reduce_max3A_141 = vector.multi_reduction <maximumf>, %select_n3A_139, %reduce_max3A_140 [0] : vector<128x128xf32> to vector<128xf32>
    %broadcast_in_dim3A_142 = vector.shape_cast %reduce_max3A_141 : vector<128xf32> to vector<1x128xf32>
    %eq3A_143 = vector.broadcast %broadcast_in_dim3A_142 : vector<1x128xf32> to vector<128x128xf32>
    %eq3A_144 = arith.cmpf oeq, %select_n3A_139, %eq3A_143 : vector<128x128xf32>
    %jit3A_145 = arith.constant 128 : i32
    %broadcast_in_dim3A_146 = vector.broadcast %jit3A_145 : i32 to vector<128x128xi32>
    %select_n3A_147 = arith.select %eq3A_144, %iota3A, %broadcast_in_dim3A_146 : vector<128x128xi1>, vector<128x128xi32>
    %reduce_min3A_148 = arith.constant dense<2147483647> : vector<128xi32>
    %reduce_min3A_149 = vector.multi_reduction <minsi>, %select_n3A_147, %reduce_min3A_148 [0] : vector<128x128xi32> to vector<128xi32>
    %broadcast_in_dim3A_150 = vector.shape_cast %reduce_min3A_149 : vector<128xi32> to vector<1x128xi32>
    %iota3A_151 = tpu.iota {dimensions = array<i32: 0>} : vector<16x128xi32>
    %iota3A_152 = tpu.iota {dimensions = array<i32: 1>} : vector<16x128xi32>
    %broadcast_in_dim3A_153 = arith.constant 0xFF800000 : f32
    %broadcast_in_dim3A_154 = vector.broadcast %broadcast_in_dim3A_153 : f32 to vector<16x128xf32>
    %broadcast_in_dim3A_155 = arith.constant 1073741824 : i32
    %broadcast_in_dim3A_156 = vector.broadcast %broadcast_in_dim3A_155 : i32 to vector<16x128xi32>
    %eq3A_157 = arith.constant 0 : i32
    %eq3A_158 = vector.broadcast %eq3A_157 : i32 to vector<16x128xi32>
    %eq3A_159 = arith.cmpi eq, %iota3A_151, %eq3A_158 : vector<16x128xi32>
    %broadcast_in_dim3A_160 = vector.shape_cast %broadcast_in_dim3A : vector<1x128xf32> to vector<1x128xf32>
    %broadcast_in_dim3A_161 = vector.broadcast %broadcast_in_dim3A_160 : vector<1x128xf32> to vector<16x128xf32>
    %select_n3A_162 = arith.select %eq3A_159, %broadcast_in_dim3A_161, %broadcast_in_dim3A_154 : vector<16x128xi1>, vector<16x128xf32>
    %eq3A_163 = arith.constant 0 : i32
    %eq3A_164 = vector.broadcast %eq3A_163 : i32 to vector<16x128xi32>
    %eq3A_165 = arith.cmpi eq, %iota3A_151, %eq3A_164 : vector<16x128xi32>
    %mul3A = arith.constant 128 : i32
    %mul3A_166 = vector.broadcast %mul3A : i32 to vector<1x128xi32>
    %mul3A_167 = arith.muli %broadcast_in_dim3A_6, %mul3A_166 : vector<1x128xi32>
    %add3A = vector.broadcast %mul3A_167 : vector<1x128xi32> to vector<16x128xi32>
    %add3A_168 = arith.addi %add3A, %iota3A_152 : vector<16x128xi32>
    %select_n3A_169 = arith.select %eq3A_165, %add3A_168, %broadcast_in_dim3A_156 : vector<16x128xi1>, vector<16x128xi32>
    %eq3A_170 = arith.constant 1 : i32
    %eq3A_171 = vector.broadcast %eq3A_170 : i32 to vector<16x128xi32>
    %eq3A_172 = arith.cmpi eq, %iota3A_151, %eq3A_171 : vector<16x128xi32>
    %broadcast_in_dim3A_173 = vector.shape_cast %broadcast_in_dim3A_14 : vector<1x128xf32> to vector<1x128xf32>
    %broadcast_in_dim3A_174 = vector.broadcast %broadcast_in_dim3A_173 : vector<1x128xf32> to vector<16x128xf32>
    %select_n3A_175 = arith.select %eq3A_172, %broadcast_in_dim3A_174, %select_n3A_162 : vector<16x128xi1>, vector<16x128xf32>
    %eq3A_176 = arith.constant 1 : i32
    %eq3A_177 = vector.broadcast %eq3A_176 : i32 to vector<16x128xi32>
    %eq3A_178 = arith.cmpi eq, %iota3A_151, %eq3A_177 : vector<16x128xi32>
    %mul3A_179 = arith.constant 128 : i32
    %mul3A_180 = vector.broadcast %mul3A_179 : i32 to vector<1x128xi32>
    %mul3A_181 = arith.muli %broadcast_in_dim3A_22, %mul3A_180 : vector<1x128xi32>
    %add3A_182 = vector.broadcast %mul3A_181 : vector<1x128xi32> to vector<16x128xi32>
    %add3A_183 = arith.addi %add3A_182, %iota3A_152 : vector<16x128xi32>
    %select_n3A_184 = arith.select %eq3A_178, %add3A_183, %select_n3A_169 : vector<16x128xi1>, vector<16x128xi32>
    %eq3A_185 = arith.constant 2 : i32
    %eq3A_186 = vector.broadcast %eq3A_185 : i32 to vector<16x128xi32>
    %eq3A_187 = arith.cmpi eq, %iota3A_151, %eq3A_186 : vector<16x128xi32>
    %broadcast_in_dim3A_188 = vector.shape_cast %broadcast_in_dim3A_30 : vector<1x128xf32> to vector<1x128xf32>
    %broadcast_in_dim3A_189 = vector.broadcast %broadcast_in_dim3A_188 : vector<1x128xf32> to vector<16x128xf32>
    %select_n3A_190 = arith.select %eq3A_187, %broadcast_in_dim3A_189, %select_n3A_175 : vector<16x128xi1>, vector<16x128xf32>
    %eq3A_191 = arith.constant 2 : i32
    %eq3A_192 = vector.broadcast %eq3A_191 : i32 to vector<16x128xi32>
    %eq3A_193 = arith.cmpi eq, %iota3A_151, %eq3A_192 : vector<16x128xi32>
    %mul3A_194 = arith.constant 128 : i32
    %mul3A_195 = vector.broadcast %mul3A_194 : i32 to vector<1x128xi32>
    %mul3A_196 = arith.muli %broadcast_in_dim3A_38, %mul3A_195 : vector<1x128xi32>
    %add3A_197 = vector.broadcast %mul3A_196 : vector<1x128xi32> to vector<16x128xi32>
    %add3A_198 = arith.addi %add3A_197, %iota3A_152 : vector<16x128xi32>
    %select_n3A_199 = arith.select %eq3A_193, %add3A_198, %select_n3A_184 : vector<16x128xi1>, vector<16x128xi32>
    %eq3A_200 = arith.constant 3 : i32
    %eq3A_201 = vector.broadcast %eq3A_200 : i32 to vector<16x128xi32>
    %eq3A_202 = arith.cmpi eq, %iota3A_151, %eq3A_201 : vector<16x128xi32>
    %broadcast_in_dim3A_203 = vector.shape_cast %broadcast_in_dim3A_46 : vector<1x128xf32> to vector<1x128xf32>
    %broadcast_in_dim3A_204 = vector.broadcast %broadcast_in_dim3A_203 : vector<1x128xf32> to vector<16x128xf32>
    %select_n3A_205 = arith.select %eq3A_202, %broadcast_in_dim3A_204, %select_n3A_190 : vector<16x128xi1>, vector<16x128xf32>
    %eq3A_206 = arith.constant 3 : i32
    %eq3A_207 = vector.broadcast %eq3A_206 : i32 to vector<16x128xi32>
    %eq3A_208 = arith.cmpi eq, %iota3A_151, %eq3A_207 : vector<16x128xi32>
    %mul3A_209 = arith.constant 128 : i32
    %mul3A_210 = vector.broadcast %mul3A_209 : i32 to vector<1x128xi32>
    %mul3A_211 = arith.muli %broadcast_in_dim3A_54, %mul3A_210 : vector<1x128xi32>
    %add3A_212 = vector.broadcast %mul3A_211 : vector<1x128xi32> to vector<16x128xi32>
    %add3A_213 = arith.addi %add3A_212, %iota3A_152 : vector<16x128xi32>
    %select_n3A_214 = arith.select %eq3A_208, %add3A_213, %select_n3A_199 : vector<16x128xi1>, vector<16x128xi32>
    %eq3A_215 = arith.constant 4 : i32
    %eq3A_216 = vector.broadcast %eq3A_215 : i32 to vector<16x128xi32>
    %eq3A_217 = arith.cmpi eq, %iota3A_151, %eq3A_216 : vector<16x128xi32>
    %broadcast_in_dim3A_218 = vector.shape_cast %broadcast_in_dim3A_62 : vector<1x128xf32> to vector<1x128xf32>
    %broadcast_in_dim3A_219 = vector.broadcast %broadcast_in_dim3A_218 : vector<1x128xf32> to vector<16x128xf32>
    %select_n3A_220 = arith.select %eq3A_217, %broadcast_in_dim3A_219, %select_n3A_205 : vector<16x128xi1>, vector<16x128xf32>
    %eq3A_221 = arith.constant 4 : i32
    %eq3A_222 = vector.broadcast %eq3A_221 : i32 to vector<16x128xi32>
    %eq3A_223 = arith.cmpi eq, %iota3A_151, %eq3A_222 : vector<16x128xi32>
    %mul3A_224 = arith.constant 128 : i32
    %mul3A_225 = vector.broadcast %mul3A_224 : i32 to vector<1x128xi32>
    %mul3A_226 = arith.muli %broadcast_in_dim3A_70, %mul3A_225 : vector<1x128xi32>
    %add3A_227 = vector.broadcast %mul3A_226 : vector<1x128xi32> to vector<16x128xi32>
    %add3A_228 = arith.addi %add3A_227, %iota3A_152 : vector<16x128xi32>
    %select_n3A_229 = arith.select %eq3A_223, %add3A_228, %select_n3A_214 : vector<16x128xi1>, vector<16x128xi32>
    %eq3A_230 = arith.constant 5 : i32
    %eq3A_231 = vector.broadcast %eq3A_230 : i32 to vector<16x128xi32>
    %eq3A_232 = arith.cmpi eq, %iota3A_151, %eq3A_231 : vector<16x128xi32>
    %broadcast_in_dim3A_233 = vector.shape_cast %broadcast_in_dim3A_78 : vector<1x128xf32> to vector<1x128xf32>
    %broadcast_in_dim3A_234 = vector.broadcast %broadcast_in_dim3A_233 : vector<1x128xf32> to vector<16x128xf32>
    %select_n3A_235 = arith.select %eq3A_232, %broadcast_in_dim3A_234, %select_n3A_220 : vector<16x128xi1>, vector<16x128xf32>
    %eq3A_236 = arith.constant 5 : i32
    %eq3A_237 = vector.broadcast %eq3A_236 : i32 to vector<16x128xi32>
    %eq3A_238 = arith.cmpi eq, %iota3A_151, %eq3A_237 : vector<16x128xi32>
    %mul3A_239 = arith.constant 128 : i32
    %mul3A_240 = vector.broadcast %mul3A_239 : i32 to vector<1x128xi32>
    %mul3A_241 = arith.muli %broadcast_in_dim3A_86, %mul3A_240 : vector<1x128xi32>
    %add3A_242 = vector.broadcast %mul3A_241 : vector<1x128xi32> to vector<16x128xi32>
    %add3A_243 = arith.addi %add3A_242, %iota3A_152 : vector<16x128xi32>
    %select_n3A_244 = arith.select %eq3A_238, %add3A_243, %select_n3A_229 : vector<16x128xi1>, vector<16x128xi32>
    %eq3A_245 = arith.constant 6 : i32
    %eq3A_246 = vector.broadcast %eq3A_245 : i32 to vector<16x128xi32>
    %eq3A_247 = arith.cmpi eq, %iota3A_151, %eq3A_246 : vector<16x128xi32>
    %broadcast_in_dim3A_248 = vector.shape_cast %broadcast_in_dim3A_94 : vector<1x128xf32> to vector<1x128xf32>
    %broadcast_in_dim3A_249 = vector.broadcast %broadcast_in_dim3A_248 : vector<1x128xf32> to vector<16x128xf32>
    %select_n3A_250 = arith.select %eq3A_247, %broadcast_in_dim3A_249, %select_n3A_235 : vector<16x128xi1>, vector<16x128xf32>
    %eq3A_251 = arith.constant 6 : i32
    %eq3A_252 = vector.broadcast %eq3A_251 : i32 to vector<16x128xi32>
    %eq3A_253 = arith.cmpi eq, %iota3A_151, %eq3A_252 : vector<16x128xi32>
    %mul3A_254 = arith.constant 128 : i32
    %mul3A_255 = vector.broadcast %mul3A_254 : i32 to vector<1x128xi32>
    %mul3A_256 = arith.muli %broadcast_in_dim3A_102, %mul3A_255 : vector<1x128xi32>
    %add3A_257 = vector.broadcast %mul3A_256 : vector<1x128xi32> to vector<16x128xi32>
    %add3A_258 = arith.addi %add3A_257, %iota3A_152 : vector<16x128xi32>
    %select_n3A_259 = arith.select %eq3A_253, %add3A_258, %select_n3A_244 : vector<16x128xi1>, vector<16x128xi32>
    %eq3A_260 = arith.constant 7 : i32
    %eq3A_261 = vector.broadcast %eq3A_260 : i32 to vector<16x128xi32>
    %eq3A_262 = arith.cmpi eq, %iota3A_151, %eq3A_261 : vector<16x128xi32>
    %broadcast_in_dim3A_263 = vector.shape_cast %broadcast_in_dim3A_110 : vector<1x128xf32> to vector<1x128xf32>
    %broadcast_in_dim3A_264 = vector.broadcast %broadcast_in_dim3A_263 : vector<1x128xf32> to vector<16x128xf32>
    %select_n3A_265 = arith.select %eq3A_262, %broadcast_in_dim3A_264, %select_n3A_250 : vector<16x128xi1>, vector<16x128xf32>
    %eq3A_266 = arith.constant 7 : i32
    %eq3A_267 = vector.broadcast %eq3A_266 : i32 to vector<16x128xi32>
    %eq3A_268 = arith.cmpi eq, %iota3A_151, %eq3A_267 : vector<16x128xi32>
    %mul3A_269 = arith.constant 128 : i32
    %mul3A_270 = vector.broadcast %mul3A_269 : i32 to vector<1x128xi32>
    %mul3A_271 = arith.muli %broadcast_in_dim3A_118, %mul3A_270 : vector<1x128xi32>
    %add3A_272 = vector.broadcast %mul3A_271 : vector<1x128xi32> to vector<16x128xi32>
    %add3A_273 = arith.addi %add3A_272, %iota3A_152 : vector<16x128xi32>
    %select_n3A_274 = arith.select %eq3A_268, %add3A_273, %select_n3A_259 : vector<16x128xi1>, vector<16x128xi32>
    %eq3A_275 = arith.constant 8 : i32
    %eq3A_276 = vector.broadcast %eq3A_275 : i32 to vector<16x128xi32>
    %eq3A_277 = arith.cmpi eq, %iota3A_151, %eq3A_276 : vector<16x128xi32>
    %broadcast_in_dim3A_278 = vector.shape_cast %broadcast_in_dim3A_126 : vector<1x128xf32> to vector<1x128xf32>
    %broadcast_in_dim3A_279 = vector.broadcast %broadcast_in_dim3A_278 : vector<1x128xf32> to vector<16x128xf32>
    %select_n3A_280 = arith.select %eq3A_277, %broadcast_in_dim3A_279, %select_n3A_265 : vector<16x128xi1>, vector<16x128xf32>
    %eq3A_281 = arith.constant 8 : i32
    %eq3A_282 = vector.broadcast %eq3A_281 : i32 to vector<16x128xi32>
    %eq3A_283 = arith.cmpi eq, %iota3A_151, %eq3A_282 : vector<16x128xi32>
    %mul3A_284 = arith.constant 128 : i32
    %mul3A_285 = vector.broadcast %mul3A_284 : i32 to vector<1x128xi32>
    %mul3A_286 = arith.muli %broadcast_in_dim3A_134, %mul3A_285 : vector<1x128xi32>
    %add3A_287 = vector.broadcast %mul3A_286 : vector<1x128xi32> to vector<16x128xi32>
    %add3A_288 = arith.addi %add3A_287, %iota3A_152 : vector<16x128xi32>
    %select_n3A_289 = arith.select %eq3A_283, %add3A_288, %select_n3A_274 : vector<16x128xi1>, vector<16x128xi32>
    %eq3A_290 = arith.constant 9 : i32
    %eq3A_291 = vector.broadcast %eq3A_290 : i32 to vector<16x128xi32>
    %eq3A_292 = arith.cmpi eq, %iota3A_151, %eq3A_291 : vector<16x128xi32>
    %broadcast_in_dim3A_293 = vector.shape_cast %broadcast_in_dim3A_142 : vector<1x128xf32> to vector<1x128xf32>
    %broadcast_in_dim3A_294 = vector.broadcast %broadcast_in_dim3A_293 : vector<1x128xf32> to vector<16x128xf32>
    %select_n3A_295 = arith.select %eq3A_292, %broadcast_in_dim3A_294, %select_n3A_280 : vector<16x128xi1>, vector<16x128xf32>
    %eq3A_296 = arith.constant 9 : i32
    %eq3A_297 = vector.broadcast %eq3A_296 : i32 to vector<16x128xi32>
    %eq3A_298 = arith.cmpi eq, %iota3A_151, %eq3A_297 : vector<16x128xi32>
    %mul3A_299 = arith.constant 128 : i32
    %mul3A_300 = vector.broadcast %mul3A_299 : i32 to vector<1x128xi32>
    %mul3A_301 = arith.muli %broadcast_in_dim3A_150, %mul3A_300 : vector<1x128xi32>
    %add3A_302 = vector.broadcast %mul3A_301 : vector<1x128xi32> to vector<16x128xi32>
    %add3A_303 = arith.addi %add3A_302, %iota3A_152 : vector<16x128xi32>
    %select_n3A_304 = arith.select %eq3A_298, %add3A_303, %select_n3A_289 : vector<16x128xi1>, vector<16x128xi32>
    %iota3A_305 = tpu.iota {dimensions = array<i32: 1>} : vector<1x128xi32>
    %broadcast_in_dim3A_306 = arith.constant 0.000000e+00 : f32
    %broadcast_in_dim3A_307 = vector.broadcast %broadcast_in_dim3A_306 : f32 to vector<1x128xf32>
    %broadcast_in_dim3A_308 = arith.constant 0 : i32
    %broadcast_in_dim3A_309 = vector.broadcast %broadcast_in_dim3A_308 : i32 to vector<1x128xi32>
    %reduce_max3A_310 = vector.shape_cast %select_n3A_295 : vector<16x128xf32> to vector<1x16x128xf32>
    %reduce_max3A_311 = arith.constant dense<0xFF800000> : vector<1xf32>
    %reduce_max3A_312 = vector.multi_reduction <maximumf>, %reduce_max3A_310, %reduce_max3A_311 [1, 2] : vector<1x16x128xf32> to vector<1xf32>
    %reduce_max3A_313 = vector.shape_cast %reduce_max3A_312 : vector<1xf32> to vector<1x1x1xf32>
    %reduce_max3A_314 = vector.extract %reduce_max3A_313[0, 0, 0] : f32 from vector<1x1x1xf32>
    %broadcast_in_dim3A_315 = vector.broadcast %reduce_max3A_314 : f32 to vector<1x1xf32>
    %eq3A_316 = vector.broadcast %broadcast_in_dim3A_315 : vector<1x1xf32> to vector<16x128xf32>
    %eq3A_317 = arith.cmpf oeq, %select_n3A_295, %eq3A_316 : vector<16x128xf32>
    %jit3A_318 = arith.constant 1073741824 : i32
    %broadcast_in_dim3A_319 = vector.broadcast %jit3A_318 : i32 to vector<16x128xi32>
    %select_n3A_320 = arith.select %eq3A_317, %select_n3A_304, %broadcast_in_dim3A_319 : vector<16x128xi1>, vector<16x128xi32>
    %reduce_min3A_321 = vector.shape_cast %select_n3A_320 : vector<16x128xi32> to vector<1x16x128xi32>
    %reduce_min3A_322 = arith.constant dense<2147483647> : vector<1xi32>
    %reduce_min3A_323 = vector.multi_reduction <minsi>, %reduce_min3A_321, %reduce_min3A_322 [1, 2] : vector<1x16x128xi32> to vector<1xi32>
    %reduce_min3A_324 = vector.shape_cast %reduce_min3A_323 : vector<1xi32> to vector<1x1x1xi32>
    %reduce_min3A_325 = vector.extract %reduce_min3A_324[0, 0, 0] : i32 from vector<1x1x1xi32>
    %broadcast_in_dim3A_326 = vector.broadcast %reduce_min3A_325 : i32 to vector<1x1xi32>
    %eq3A_327 = arith.constant 0 : i32
    %eq3A_328 = vector.broadcast %eq3A_327 : i32 to vector<1x128xi32>
    %eq3A_329 = arith.cmpi eq, %iota3A_305, %eq3A_328 : vector<1x128xi32>
    %broadcast_in_dim3A_330 = vector.shape_cast %broadcast_in_dim3A_315 : vector<1x1xf32> to vector<1x1xf32>
    %broadcast_in_dim3A_331 = vector.broadcast %broadcast_in_dim3A_330 : vector<1x1xf32> to vector<1x128xf32>
    %select_n3A_332 = arith.select %eq3A_329, %broadcast_in_dim3A_331, %broadcast_in_dim3A_307 : vector<1x128xi1>, vector<1x128xf32>
    %eq3A_333 = arith.constant 0 : i32
    %eq3A_334 = vector.broadcast %eq3A_333 : i32 to vector<1x128xi32>
    %eq3A_335 = arith.cmpi eq, %iota3A_305, %eq3A_334 : vector<1x128xi32>
    %broadcast_in_dim3A_336 = vector.shape_cast %broadcast_in_dim3A_326 : vector<1x1xi32> to vector<1x1xi32>
    %broadcast_in_dim3A_337 = vector.broadcast %broadcast_in_dim3A_336 : vector<1x1xi32> to vector<1x128xi32>
    %select_n3A_338 = arith.select %eq3A_335, %broadcast_in_dim3A_337, %broadcast_in_dim3A_309 : vector<1x128xi1>, vector<1x128xi32>
    %eq3A_339 = vector.broadcast %broadcast_in_dim3A_326 : vector<1x1xi32> to vector<16x128xi32>
    %eq3A_340 = arith.cmpi eq, %select_n3A_304, %eq3A_339 : vector<16x128xi32>
    %jit3A_341 = arith.constant 0xFF800000 : f32
    %broadcast_in_dim3A_342 = vector.broadcast %jit3A_341 : f32 to vector<16x128xf32>
    %select_n3A_343 = arith.select %eq3A_340, %broadcast_in_dim3A_342, %select_n3A_295 : vector<16x128xi1>, vector<16x128xf32>
    %reduce_max3A_344 = vector.shape_cast %select_n3A_343 : vector<16x128xf32> to vector<1x16x128xf32>
    %reduce_max3A_345 = arith.constant dense<0xFF800000> : vector<1xf32>
    %reduce_max3A_346 = vector.multi_reduction <maximumf>, %reduce_max3A_344, %reduce_max3A_345 [1, 2] : vector<1x16x128xf32> to vector<1xf32>
    %reduce_max3A_347 = vector.shape_cast %reduce_max3A_346 : vector<1xf32> to vector<1x1x1xf32>
    %reduce_max3A_348 = vector.extract %reduce_max3A_347[0, 0, 0] : f32 from vector<1x1x1xf32>
    %broadcast_in_dim3A_349 = vector.broadcast %reduce_max3A_348 : f32 to vector<1x1xf32>
    %eq3A_350 = vector.broadcast %broadcast_in_dim3A_349 : vector<1x1xf32> to vector<16x128xf32>
    %eq3A_351 = arith.cmpf oeq, %select_n3A_343, %eq3A_350 : vector<16x128xf32>
    %jit3A_352 = arith.constant 1073741824 : i32
    %broadcast_in_dim3A_353 = vector.broadcast %jit3A_352 : i32 to vector<16x128xi32>
    %select_n3A_354 = arith.select %eq3A_351, %select_n3A_304, %broadcast_in_dim3A_353 : vector<16x128xi1>, vector<16x128xi32>
    %reduce_min3A_355 = vector.shape_cast %select_n3A_354 : vector<16x128xi32> to vector<1x16x128xi32>
    %reduce_min3A_356 = arith.constant dense<2147483647> : vector<1xi32>
    %reduce_min3A_357 = vector.multi_reduction <minsi>, %reduce_min3A_355, %reduce_min3A_356 [1, 2] : vector<1x16x128xi32> to vector<1xi32>
    %reduce_min3A_358 = vector.shape_cast %reduce_min3A_357 : vector<1xi32> to vector<1x1x1xi32>
    %reduce_min3A_359 = vector.extract %reduce_min3A_358[0, 0, 0] : i32 from vector<1x1x1xi32>
    %broadcast_in_dim3A_360 = vector.broadcast %reduce_min3A_359 : i32 to vector<1x1xi32>
    %eq3A_361 = arith.constant 1 : i32
    %eq3A_362 = vector.broadcast %eq3A_361 : i32 to vector<1x128xi32>
    %eq3A_363 = arith.cmpi eq, %iota3A_305, %eq3A_362 : vector<1x128xi32>
    %broadcast_in_dim3A_364 = vector.shape_cast %broadcast_in_dim3A_349 : vector<1x1xf32> to vector<1x1xf32>
    %broadcast_in_dim3A_365 = vector.broadcast %broadcast_in_dim3A_364 : vector<1x1xf32> to vector<1x128xf32>
    %select_n3A_366 = arith.select %eq3A_363, %broadcast_in_dim3A_365, %select_n3A_332 : vector<1x128xi1>, vector<1x128xf32>
    %eq3A_367 = arith.constant 1 : i32
    %eq3A_368 = vector.broadcast %eq3A_367 : i32 to vector<1x128xi32>
    %eq3A_369 = arith.cmpi eq, %iota3A_305, %eq3A_368 : vector<1x128xi32>
    %broadcast_in_dim3A_370 = vector.shape_cast %broadcast_in_dim3A_360 : vector<1x1xi32> to vector<1x1xi32>
    %broadcast_in_dim3A_371 = vector.broadcast %broadcast_in_dim3A_370 : vector<1x1xi32> to vector<1x128xi32>
    %select_n3A_372 = arith.select %eq3A_369, %broadcast_in_dim3A_371, %select_n3A_338 : vector<1x128xi1>, vector<1x128xi32>
    %eq3A_373 = vector.broadcast %broadcast_in_dim3A_360 : vector<1x1xi32> to vector<16x128xi32>
    %eq3A_374 = arith.cmpi eq, %select_n3A_304, %eq3A_373 : vector<16x128xi32>
    %jit3A_375 = arith.constant 0xFF800000 : f32
    %broadcast_in_dim3A_376 = vector.broadcast %jit3A_375 : f32 to vector<16x128xf32>
    %select_n3A_377 = arith.select %eq3A_374, %broadcast_in_dim3A_376, %select_n3A_343 : vector<16x128xi1>, vector<16x128xf32>
    %reduce_max3A_378 = vector.shape_cast %select_n3A_377 : vector<16x128xf32> to vector<1x16x128xf32>
    %reduce_max3A_379 = arith.constant dense<0xFF800000> : vector<1xf32>
    %reduce_max3A_380 = vector.multi_reduction <maximumf>, %reduce_max3A_378, %reduce_max3A_379 [1, 2] : vector<1x16x128xf32> to vector<1xf32>
    %reduce_max3A_381 = vector.shape_cast %reduce_max3A_380 : vector<1xf32> to vector<1x1x1xf32>
    %reduce_max3A_382 = vector.extract %reduce_max3A_381[0, 0, 0] : f32 from vector<1x1x1xf32>
    %broadcast_in_dim3A_383 = vector.broadcast %reduce_max3A_382 : f32 to vector<1x1xf32>
    %eq3A_384 = vector.broadcast %broadcast_in_dim3A_383 : vector<1x1xf32> to vector<16x128xf32>
    %eq3A_385 = arith.cmpf oeq, %select_n3A_377, %eq3A_384 : vector<16x128xf32>
    %jit3A_386 = arith.constant 1073741824 : i32
    %broadcast_in_dim3A_387 = vector.broadcast %jit3A_386 : i32 to vector<16x128xi32>
    %select_n3A_388 = arith.select %eq3A_385, %select_n3A_304, %broadcast_in_dim3A_387 : vector<16x128xi1>, vector<16x128xi32>
    %reduce_min3A_389 = vector.shape_cast %select_n3A_388 : vector<16x128xi32> to vector<1x16x128xi32>
    %reduce_min3A_390 = arith.constant dense<2147483647> : vector<1xi32>
    %reduce_min3A_391 = vector.multi_reduction <minsi>, %reduce_min3A_389, %reduce_min3A_390 [1, 2] : vector<1x16x128xi32> to vector<1xi32>
    %reduce_min3A_392 = vector.shape_cast %reduce_min3A_391 : vector<1xi32> to vector<1x1x1xi32>
    %reduce_min3A_393 = vector.extract %reduce_min3A_392[0, 0, 0] : i32 from vector<1x1x1xi32>
    %broadcast_in_dim3A_394 = vector.broadcast %reduce_min3A_393 : i32 to vector<1x1xi32>
    %eq3A_395 = arith.constant 2 : i32
    %eq3A_396 = vector.broadcast %eq3A_395 : i32 to vector<1x128xi32>
    %eq3A_397 = arith.cmpi eq, %iota3A_305, %eq3A_396 : vector<1x128xi32>
    %broadcast_in_dim3A_398 = vector.shape_cast %broadcast_in_dim3A_383 : vector<1x1xf32> to vector<1x1xf32>
    %broadcast_in_dim3A_399 = vector.broadcast %broadcast_in_dim3A_398 : vector<1x1xf32> to vector<1x128xf32>
    %select_n3A_400 = arith.select %eq3A_397, %broadcast_in_dim3A_399, %select_n3A_366 : vector<1x128xi1>, vector<1x128xf32>
    %eq3A_401 = arith.constant 2 : i32
    %eq3A_402 = vector.broadcast %eq3A_401 : i32 to vector<1x128xi32>
    %eq3A_403 = arith.cmpi eq, %iota3A_305, %eq3A_402 : vector<1x128xi32>
    %broadcast_in_dim3A_404 = vector.shape_cast %broadcast_in_dim3A_394 : vector<1x1xi32> to vector<1x1xi32>
    %broadcast_in_dim3A_405 = vector.broadcast %broadcast_in_dim3A_404 : vector<1x1xi32> to vector<1x128xi32>
    %select_n3A_406 = arith.select %eq3A_403, %broadcast_in_dim3A_405, %select_n3A_372 : vector<1x128xi1>, vector<1x128xi32>
    %eq3A_407 = vector.broadcast %broadcast_in_dim3A_394 : vector<1x1xi32> to vector<16x128xi32>
    %eq3A_408 = arith.cmpi eq, %select_n3A_304, %eq3A_407 : vector<16x128xi32>
    %jit3A_409 = arith.constant 0xFF800000 : f32
    %broadcast_in_dim3A_410 = vector.broadcast %jit3A_409 : f32 to vector<16x128xf32>
    %select_n3A_411 = arith.select %eq3A_408, %broadcast_in_dim3A_410, %select_n3A_377 : vector<16x128xi1>, vector<16x128xf32>
    %reduce_max3A_412 = vector.shape_cast %select_n3A_411 : vector<16x128xf32> to vector<1x16x128xf32>
    %reduce_max3A_413 = arith.constant dense<0xFF800000> : vector<1xf32>
    %reduce_max3A_414 = vector.multi_reduction <maximumf>, %reduce_max3A_412, %reduce_max3A_413 [1, 2] : vector<1x16x128xf32> to vector<1xf32>
    %reduce_max3A_415 = vector.shape_cast %reduce_max3A_414 : vector<1xf32> to vector<1x1x1xf32>
    %reduce_max3A_416 = vector.extract %reduce_max3A_415[0, 0, 0] : f32 from vector<1x1x1xf32>
    %broadcast_in_dim3A_417 = vector.broadcast %reduce_max3A_416 : f32 to vector<1x1xf32>
    %eq3A_418 = vector.broadcast %broadcast_in_dim3A_417 : vector<1x1xf32> to vector<16x128xf32>
    %eq3A_419 = arith.cmpf oeq, %select_n3A_411, %eq3A_418 : vector<16x128xf32>
    %jit3A_420 = arith.constant 1073741824 : i32
    %broadcast_in_dim3A_421 = vector.broadcast %jit3A_420 : i32 to vector<16x128xi32>
    %select_n3A_422 = arith.select %eq3A_419, %select_n3A_304, %broadcast_in_dim3A_421 : vector<16x128xi1>, vector<16x128xi32>
    %reduce_min3A_423 = vector.shape_cast %select_n3A_422 : vector<16x128xi32> to vector<1x16x128xi32>
    %reduce_min3A_424 = arith.constant dense<2147483647> : vector<1xi32>
    %reduce_min3A_425 = vector.multi_reduction <minsi>, %reduce_min3A_423, %reduce_min3A_424 [1, 2] : vector<1x16x128xi32> to vector<1xi32>
    %reduce_min3A_426 = vector.shape_cast %reduce_min3A_425 : vector<1xi32> to vector<1x1x1xi32>
    %reduce_min3A_427 = vector.extract %reduce_min3A_426[0, 0, 0] : i32 from vector<1x1x1xi32>
    %broadcast_in_dim3A_428 = vector.broadcast %reduce_min3A_427 : i32 to vector<1x1xi32>
    %eq3A_429 = arith.constant 3 : i32
    %eq3A_430 = vector.broadcast %eq3A_429 : i32 to vector<1x128xi32>
    %eq3A_431 = arith.cmpi eq, %iota3A_305, %eq3A_430 : vector<1x128xi32>
    %broadcast_in_dim3A_432 = vector.shape_cast %broadcast_in_dim3A_417 : vector<1x1xf32> to vector<1x1xf32>
    %broadcast_in_dim3A_433 = vector.broadcast %broadcast_in_dim3A_432 : vector<1x1xf32> to vector<1x128xf32>
    %select_n3A_434 = arith.select %eq3A_431, %broadcast_in_dim3A_433, %select_n3A_400 : vector<1x128xi1>, vector<1x128xf32>
    %eq3A_435 = arith.constant 3 : i32
    %eq3A_436 = vector.broadcast %eq3A_435 : i32 to vector<1x128xi32>
    %eq3A_437 = arith.cmpi eq, %iota3A_305, %eq3A_436 : vector<1x128xi32>
    %broadcast_in_dim3A_438 = vector.shape_cast %broadcast_in_dim3A_428 : vector<1x1xi32> to vector<1x1xi32>
    %broadcast_in_dim3A_439 = vector.broadcast %broadcast_in_dim3A_438 : vector<1x1xi32> to vector<1x128xi32>
    %select_n3A_440 = arith.select %eq3A_437, %broadcast_in_dim3A_439, %select_n3A_406 : vector<1x128xi1>, vector<1x128xi32>
    %eq3A_441 = vector.broadcast %broadcast_in_dim3A_428 : vector<1x1xi32> to vector<16x128xi32>
    %eq3A_442 = arith.cmpi eq, %select_n3A_304, %eq3A_441 : vector<16x128xi32>
    %jit3A_443 = arith.constant 0xFF800000 : f32
    %broadcast_in_dim3A_444 = vector.broadcast %jit3A_443 : f32 to vector<16x128xf32>
    %select_n3A_445 = arith.select %eq3A_442, %broadcast_in_dim3A_444, %select_n3A_411 : vector<16x128xi1>, vector<16x128xf32>
    %reduce_max3A_446 = vector.shape_cast %select_n3A_445 : vector<16x128xf32> to vector<1x16x128xf32>
    %reduce_max3A_447 = arith.constant dense<0xFF800000> : vector<1xf32>
    %reduce_max3A_448 = vector.multi_reduction <maximumf>, %reduce_max3A_446, %reduce_max3A_447 [1, 2] : vector<1x16x128xf32> to vector<1xf32>
    %reduce_max3A_449 = vector.shape_cast %reduce_max3A_448 : vector<1xf32> to vector<1x1x1xf32>
    %reduce_max3A_450 = vector.extract %reduce_max3A_449[0, 0, 0] : f32 from vector<1x1x1xf32>
    %broadcast_in_dim3A_451 = vector.broadcast %reduce_max3A_450 : f32 to vector<1x1xf32>
    %eq3A_452 = vector.broadcast %broadcast_in_dim3A_451 : vector<1x1xf32> to vector<16x128xf32>
    %eq3A_453 = arith.cmpf oeq, %select_n3A_445, %eq3A_452 : vector<16x128xf32>
    %jit3A_454 = arith.constant 1073741824 : i32
    %broadcast_in_dim3A_455 = vector.broadcast %jit3A_454 : i32 to vector<16x128xi32>
    %select_n3A_456 = arith.select %eq3A_453, %select_n3A_304, %broadcast_in_dim3A_455 : vector<16x128xi1>, vector<16x128xi32>
    %reduce_min3A_457 = vector.shape_cast %select_n3A_456 : vector<16x128xi32> to vector<1x16x128xi32>
    %reduce_min3A_458 = arith.constant dense<2147483647> : vector<1xi32>
    %reduce_min3A_459 = vector.multi_reduction <minsi>, %reduce_min3A_457, %reduce_min3A_458 [1, 2] : vector<1x16x128xi32> to vector<1xi32>
    %reduce_min3A_460 = vector.shape_cast %reduce_min3A_459 : vector<1xi32> to vector<1x1x1xi32>
    %reduce_min3A_461 = vector.extract %reduce_min3A_460[0, 0, 0] : i32 from vector<1x1x1xi32>
    %broadcast_in_dim3A_462 = vector.broadcast %reduce_min3A_461 : i32 to vector<1x1xi32>
    %eq3A_463 = arith.constant 4 : i32
    %eq3A_464 = vector.broadcast %eq3A_463 : i32 to vector<1x128xi32>
    %eq3A_465 = arith.cmpi eq, %iota3A_305, %eq3A_464 : vector<1x128xi32>
    %broadcast_in_dim3A_466 = vector.shape_cast %broadcast_in_dim3A_451 : vector<1x1xf32> to vector<1x1xf32>
    %broadcast_in_dim3A_467 = vector.broadcast %broadcast_in_dim3A_466 : vector<1x1xf32> to vector<1x128xf32>
    %select_n3A_468 = arith.select %eq3A_465, %broadcast_in_dim3A_467, %select_n3A_434 : vector<1x128xi1>, vector<1x128xf32>
    %eq3A_469 = arith.constant 4 : i32
    %eq3A_470 = vector.broadcast %eq3A_469 : i32 to vector<1x128xi32>
    %eq3A_471 = arith.cmpi eq, %iota3A_305, %eq3A_470 : vector<1x128xi32>
    %broadcast_in_dim3A_472 = vector.shape_cast %broadcast_in_dim3A_462 : vector<1x1xi32> to vector<1x1xi32>
    %broadcast_in_dim3A_473 = vector.broadcast %broadcast_in_dim3A_472 : vector<1x1xi32> to vector<1x128xi32>
    %select_n3A_474 = arith.select %eq3A_471, %broadcast_in_dim3A_473, %select_n3A_440 : vector<1x128xi1>, vector<1x128xi32>
    %eq3A_475 = vector.broadcast %broadcast_in_dim3A_462 : vector<1x1xi32> to vector<16x128xi32>
    %eq3A_476 = arith.cmpi eq, %select_n3A_304, %eq3A_475 : vector<16x128xi32>
    %jit3A_477 = arith.constant 0xFF800000 : f32
    %broadcast_in_dim3A_478 = vector.broadcast %jit3A_477 : f32 to vector<16x128xf32>
    %select_n3A_479 = arith.select %eq3A_476, %broadcast_in_dim3A_478, %select_n3A_445 : vector<16x128xi1>, vector<16x128xf32>
    %reduce_max3A_480 = vector.shape_cast %select_n3A_479 : vector<16x128xf32> to vector<1x16x128xf32>
    %reduce_max3A_481 = arith.constant dense<0xFF800000> : vector<1xf32>
    %reduce_max3A_482 = vector.multi_reduction <maximumf>, %reduce_max3A_480, %reduce_max3A_481 [1, 2] : vector<1x16x128xf32> to vector<1xf32>
    %reduce_max3A_483 = vector.shape_cast %reduce_max3A_482 : vector<1xf32> to vector<1x1x1xf32>
    %reduce_max3A_484 = vector.extract %reduce_max3A_483[0, 0, 0] : f32 from vector<1x1x1xf32>
    %broadcast_in_dim3A_485 = vector.broadcast %reduce_max3A_484 : f32 to vector<1x1xf32>
    %eq3A_486 = vector.broadcast %broadcast_in_dim3A_485 : vector<1x1xf32> to vector<16x128xf32>
    %eq3A_487 = arith.cmpf oeq, %select_n3A_479, %eq3A_486 : vector<16x128xf32>
    %jit3A_488 = arith.constant 1073741824 : i32
    %broadcast_in_dim3A_489 = vector.broadcast %jit3A_488 : i32 to vector<16x128xi32>
    %select_n3A_490 = arith.select %eq3A_487, %select_n3A_304, %broadcast_in_dim3A_489 : vector<16x128xi1>, vector<16x128xi32>
    %reduce_min3A_491 = vector.shape_cast %select_n3A_490 : vector<16x128xi32> to vector<1x16x128xi32>
    %reduce_min3A_492 = arith.constant dense<2147483647> : vector<1xi32>
    %reduce_min3A_493 = vector.multi_reduction <minsi>, %reduce_min3A_491, %reduce_min3A_492 [1, 2] : vector<1x16x128xi32> to vector<1xi32>
    %reduce_min3A_494 = vector.shape_cast %reduce_min3A_493 : vector<1xi32> to vector<1x1x1xi32>
    %reduce_min3A_495 = vector.extract %reduce_min3A_494[0, 0, 0] : i32 from vector<1x1x1xi32>
    %broadcast_in_dim3A_496 = vector.broadcast %reduce_min3A_495 : i32 to vector<1x1xi32>
    %eq3A_497 = arith.constant 5 : i32
    %eq3A_498 = vector.broadcast %eq3A_497 : i32 to vector<1x128xi32>
    %eq3A_499 = arith.cmpi eq, %iota3A_305, %eq3A_498 : vector<1x128xi32>
    %broadcast_in_dim3A_500 = vector.shape_cast %broadcast_in_dim3A_485 : vector<1x1xf32> to vector<1x1xf32>
    %broadcast_in_dim3A_501 = vector.broadcast %broadcast_in_dim3A_500 : vector<1x1xf32> to vector<1x128xf32>
    %select_n3A_502 = arith.select %eq3A_499, %broadcast_in_dim3A_501, %select_n3A_468 : vector<1x128xi1>, vector<1x128xf32>
    %eq3A_503 = arith.constant 5 : i32
    %eq3A_504 = vector.broadcast %eq3A_503 : i32 to vector<1x128xi32>
    %eq3A_505 = arith.cmpi eq, %iota3A_305, %eq3A_504 : vector<1x128xi32>
    %broadcast_in_dim3A_506 = vector.shape_cast %broadcast_in_dim3A_496 : vector<1x1xi32> to vector<1x1xi32>
    %broadcast_in_dim3A_507 = vector.broadcast %broadcast_in_dim3A_506 : vector<1x1xi32> to vector<1x128xi32>
    %select_n3A_508 = arith.select %eq3A_505, %broadcast_in_dim3A_507, %select_n3A_474 : vector<1x128xi1>, vector<1x128xi32>
    %eq3A_509 = vector.broadcast %broadcast_in_dim3A_496 : vector<1x1xi32> to vector<16x128xi32>
    %eq3A_510 = arith.cmpi eq, %select_n3A_304, %eq3A_509 : vector<16x128xi32>
    %jit3A_511 = arith.constant 0xFF800000 : f32
    %broadcast_in_dim3A_512 = vector.broadcast %jit3A_511 : f32 to vector<16x128xf32>
    %select_n3A_513 = arith.select %eq3A_510, %broadcast_in_dim3A_512, %select_n3A_479 : vector<16x128xi1>, vector<16x128xf32>
    %reduce_max3A_514 = vector.shape_cast %select_n3A_513 : vector<16x128xf32> to vector<1x16x128xf32>
    %reduce_max3A_515 = arith.constant dense<0xFF800000> : vector<1xf32>
    %reduce_max3A_516 = vector.multi_reduction <maximumf>, %reduce_max3A_514, %reduce_max3A_515 [1, 2] : vector<1x16x128xf32> to vector<1xf32>
    %reduce_max3A_517 = vector.shape_cast %reduce_max3A_516 : vector<1xf32> to vector<1x1x1xf32>
    %reduce_max3A_518 = vector.extract %reduce_max3A_517[0, 0, 0] : f32 from vector<1x1x1xf32>
    %broadcast_in_dim3A_519 = vector.broadcast %reduce_max3A_518 : f32 to vector<1x1xf32>
    %eq3A_520 = vector.broadcast %broadcast_in_dim3A_519 : vector<1x1xf32> to vector<16x128xf32>
    %eq3A_521 = arith.cmpf oeq, %select_n3A_513, %eq3A_520 : vector<16x128xf32>
    %jit3A_522 = arith.constant 1073741824 : i32
    %broadcast_in_dim3A_523 = vector.broadcast %jit3A_522 : i32 to vector<16x128xi32>
    %select_n3A_524 = arith.select %eq3A_521, %select_n3A_304, %broadcast_in_dim3A_523 : vector<16x128xi1>, vector<16x128xi32>
    %reduce_min3A_525 = vector.shape_cast %select_n3A_524 : vector<16x128xi32> to vector<1x16x128xi32>
    %reduce_min3A_526 = arith.constant dense<2147483647> : vector<1xi32>
    %reduce_min3A_527 = vector.multi_reduction <minsi>, %reduce_min3A_525, %reduce_min3A_526 [1, 2] : vector<1x16x128xi32> to vector<1xi32>
    %reduce_min3A_528 = vector.shape_cast %reduce_min3A_527 : vector<1xi32> to vector<1x1x1xi32>
    %reduce_min3A_529 = vector.extract %reduce_min3A_528[0, 0, 0] : i32 from vector<1x1x1xi32>
    %broadcast_in_dim3A_530 = vector.broadcast %reduce_min3A_529 : i32 to vector<1x1xi32>
    %eq3A_531 = arith.constant 6 : i32
    %eq3A_532 = vector.broadcast %eq3A_531 : i32 to vector<1x128xi32>
    %eq3A_533 = arith.cmpi eq, %iota3A_305, %eq3A_532 : vector<1x128xi32>
    %broadcast_in_dim3A_534 = vector.shape_cast %broadcast_in_dim3A_519 : vector<1x1xf32> to vector<1x1xf32>
    %broadcast_in_dim3A_535 = vector.broadcast %broadcast_in_dim3A_534 : vector<1x1xf32> to vector<1x128xf32>
    %select_n3A_536 = arith.select %eq3A_533, %broadcast_in_dim3A_535, %select_n3A_502 : vector<1x128xi1>, vector<1x128xf32>
    %eq3A_537 = arith.constant 6 : i32
    %eq3A_538 = vector.broadcast %eq3A_537 : i32 to vector<1x128xi32>
    %eq3A_539 = arith.cmpi eq, %iota3A_305, %eq3A_538 : vector<1x128xi32>
    %broadcast_in_dim3A_540 = vector.shape_cast %broadcast_in_dim3A_530 : vector<1x1xi32> to vector<1x1xi32>
    %broadcast_in_dim3A_541 = vector.broadcast %broadcast_in_dim3A_540 : vector<1x1xi32> to vector<1x128xi32>
    %select_n3A_542 = arith.select %eq3A_539, %broadcast_in_dim3A_541, %select_n3A_508 : vector<1x128xi1>, vector<1x128xi32>
    %eq3A_543 = vector.broadcast %broadcast_in_dim3A_530 : vector<1x1xi32> to vector<16x128xi32>
    %eq3A_544 = arith.cmpi eq, %select_n3A_304, %eq3A_543 : vector<16x128xi32>
    %jit3A_545 = arith.constant 0xFF800000 : f32
    %broadcast_in_dim3A_546 = vector.broadcast %jit3A_545 : f32 to vector<16x128xf32>
    %select_n3A_547 = arith.select %eq3A_544, %broadcast_in_dim3A_546, %select_n3A_513 : vector<16x128xi1>, vector<16x128xf32>
    %reduce_max3A_548 = vector.shape_cast %select_n3A_547 : vector<16x128xf32> to vector<1x16x128xf32>
    %reduce_max3A_549 = arith.constant dense<0xFF800000> : vector<1xf32>
    %reduce_max3A_550 = vector.multi_reduction <maximumf>, %reduce_max3A_548, %reduce_max3A_549 [1, 2] : vector<1x16x128xf32> to vector<1xf32>
    %reduce_max3A_551 = vector.shape_cast %reduce_max3A_550 : vector<1xf32> to vector<1x1x1xf32>
    %reduce_max3A_552 = vector.extract %reduce_max3A_551[0, 0, 0] : f32 from vector<1x1x1xf32>
    %broadcast_in_dim3A_553 = vector.broadcast %reduce_max3A_552 : f32 to vector<1x1xf32>
    %eq3A_554 = vector.broadcast %broadcast_in_dim3A_553 : vector<1x1xf32> to vector<16x128xf32>
    %eq3A_555 = arith.cmpf oeq, %select_n3A_547, %eq3A_554 : vector<16x128xf32>
    %jit3A_556 = arith.constant 1073741824 : i32
    %broadcast_in_dim3A_557 = vector.broadcast %jit3A_556 : i32 to vector<16x128xi32>
    %select_n3A_558 = arith.select %eq3A_555, %select_n3A_304, %broadcast_in_dim3A_557 : vector<16x128xi1>, vector<16x128xi32>
    %reduce_min3A_559 = vector.shape_cast %select_n3A_558 : vector<16x128xi32> to vector<1x16x128xi32>
    %reduce_min3A_560 = arith.constant dense<2147483647> : vector<1xi32>
    %reduce_min3A_561 = vector.multi_reduction <minsi>, %reduce_min3A_559, %reduce_min3A_560 [1, 2] : vector<1x16x128xi32> to vector<1xi32>
    %reduce_min3A_562 = vector.shape_cast %reduce_min3A_561 : vector<1xi32> to vector<1x1x1xi32>
    %reduce_min3A_563 = vector.extract %reduce_min3A_562[0, 0, 0] : i32 from vector<1x1x1xi32>
    %broadcast_in_dim3A_564 = vector.broadcast %reduce_min3A_563 : i32 to vector<1x1xi32>
    %eq3A_565 = arith.constant 7 : i32
    %eq3A_566 = vector.broadcast %eq3A_565 : i32 to vector<1x128xi32>
    %eq3A_567 = arith.cmpi eq, %iota3A_305, %eq3A_566 : vector<1x128xi32>
    %broadcast_in_dim3A_568 = vector.shape_cast %broadcast_in_dim3A_553 : vector<1x1xf32> to vector<1x1xf32>
    %broadcast_in_dim3A_569 = vector.broadcast %broadcast_in_dim3A_568 : vector<1x1xf32> to vector<1x128xf32>
    %select_n3A_570 = arith.select %eq3A_567, %broadcast_in_dim3A_569, %select_n3A_536 : vector<1x128xi1>, vector<1x128xf32>
    %eq3A_571 = arith.constant 7 : i32
    %eq3A_572 = vector.broadcast %eq3A_571 : i32 to vector<1x128xi32>
    %eq3A_573 = arith.cmpi eq, %iota3A_305, %eq3A_572 : vector<1x128xi32>
    %broadcast_in_dim3A_574 = vector.shape_cast %broadcast_in_dim3A_564 : vector<1x1xi32> to vector<1x1xi32>
    %broadcast_in_dim3A_575 = vector.broadcast %broadcast_in_dim3A_574 : vector<1x1xi32> to vector<1x128xi32>
    %select_n3A_576 = arith.select %eq3A_573, %broadcast_in_dim3A_575, %select_n3A_542 : vector<1x128xi1>, vector<1x128xi32>
    %eq3A_577 = vector.broadcast %broadcast_in_dim3A_564 : vector<1x1xi32> to vector<16x128xi32>
    %eq3A_578 = arith.cmpi eq, %select_n3A_304, %eq3A_577 : vector<16x128xi32>
    %jit3A_579 = arith.constant 0xFF800000 : f32
    %broadcast_in_dim3A_580 = vector.broadcast %jit3A_579 : f32 to vector<16x128xf32>
    %select_n3A_581 = arith.select %eq3A_578, %broadcast_in_dim3A_580, %select_n3A_547 : vector<16x128xi1>, vector<16x128xf32>
    %reduce_max3A_582 = vector.shape_cast %select_n3A_581 : vector<16x128xf32> to vector<1x16x128xf32>
    %reduce_max3A_583 = arith.constant dense<0xFF800000> : vector<1xf32>
    %reduce_max3A_584 = vector.multi_reduction <maximumf>, %reduce_max3A_582, %reduce_max3A_583 [1, 2] : vector<1x16x128xf32> to vector<1xf32>
    %reduce_max3A_585 = vector.shape_cast %reduce_max3A_584 : vector<1xf32> to vector<1x1x1xf32>
    %reduce_max3A_586 = vector.extract %reduce_max3A_585[0, 0, 0] : f32 from vector<1x1x1xf32>
    %broadcast_in_dim3A_587 = vector.broadcast %reduce_max3A_586 : f32 to vector<1x1xf32>
    %eq3A_588 = vector.broadcast %broadcast_in_dim3A_587 : vector<1x1xf32> to vector<16x128xf32>
    %eq3A_589 = arith.cmpf oeq, %select_n3A_581, %eq3A_588 : vector<16x128xf32>
    %jit3A_590 = arith.constant 1073741824 : i32
    %broadcast_in_dim3A_591 = vector.broadcast %jit3A_590 : i32 to vector<16x128xi32>
    %select_n3A_592 = arith.select %eq3A_589, %select_n3A_304, %broadcast_in_dim3A_591 : vector<16x128xi1>, vector<16x128xi32>
    %reduce_min3A_593 = vector.shape_cast %select_n3A_592 : vector<16x128xi32> to vector<1x16x128xi32>
    %reduce_min3A_594 = arith.constant dense<2147483647> : vector<1xi32>
    %reduce_min3A_595 = vector.multi_reduction <minsi>, %reduce_min3A_593, %reduce_min3A_594 [1, 2] : vector<1x16x128xi32> to vector<1xi32>
    %reduce_min3A_596 = vector.shape_cast %reduce_min3A_595 : vector<1xi32> to vector<1x1x1xi32>
    %reduce_min3A_597 = vector.extract %reduce_min3A_596[0, 0, 0] : i32 from vector<1x1x1xi32>
    %broadcast_in_dim3A_598 = vector.broadcast %reduce_min3A_597 : i32 to vector<1x1xi32>
    %eq3A_599 = arith.constant 8 : i32
    %eq3A_600 = vector.broadcast %eq3A_599 : i32 to vector<1x128xi32>
    %eq3A_601 = arith.cmpi eq, %iota3A_305, %eq3A_600 : vector<1x128xi32>
    %broadcast_in_dim3A_602 = vector.shape_cast %broadcast_in_dim3A_587 : vector<1x1xf32> to vector<1x1xf32>
    %broadcast_in_dim3A_603 = vector.broadcast %broadcast_in_dim3A_602 : vector<1x1xf32> to vector<1x128xf32>
    %select_n3A_604 = arith.select %eq3A_601, %broadcast_in_dim3A_603, %select_n3A_570 : vector<1x128xi1>, vector<1x128xf32>
    %eq3A_605 = arith.constant 8 : i32
    %eq3A_606 = vector.broadcast %eq3A_605 : i32 to vector<1x128xi32>
    %eq3A_607 = arith.cmpi eq, %iota3A_305, %eq3A_606 : vector<1x128xi32>
    %broadcast_in_dim3A_608 = vector.shape_cast %broadcast_in_dim3A_598 : vector<1x1xi32> to vector<1x1xi32>
    %broadcast_in_dim3A_609 = vector.broadcast %broadcast_in_dim3A_608 : vector<1x1xi32> to vector<1x128xi32>
    %select_n3A_610 = arith.select %eq3A_607, %broadcast_in_dim3A_609, %select_n3A_576 : vector<1x128xi1>, vector<1x128xi32>
    %eq3A_611 = vector.broadcast %broadcast_in_dim3A_598 : vector<1x1xi32> to vector<16x128xi32>
    %eq3A_612 = arith.cmpi eq, %select_n3A_304, %eq3A_611 : vector<16x128xi32>
    %jit3A_613 = arith.constant 0xFF800000 : f32
    %broadcast_in_dim3A_614 = vector.broadcast %jit3A_613 : f32 to vector<16x128xf32>
    %select_n3A_615 = arith.select %eq3A_612, %broadcast_in_dim3A_614, %select_n3A_581 : vector<16x128xi1>, vector<16x128xf32>
    %reduce_max3A_616 = vector.shape_cast %select_n3A_615 : vector<16x128xf32> to vector<1x16x128xf32>
    %reduce_max3A_617 = arith.constant dense<0xFF800000> : vector<1xf32>
    %reduce_max3A_618 = vector.multi_reduction <maximumf>, %reduce_max3A_616, %reduce_max3A_617 [1, 2] : vector<1x16x128xf32> to vector<1xf32>
    %reduce_max3A_619 = vector.shape_cast %reduce_max3A_618 : vector<1xf32> to vector<1x1x1xf32>
    %reduce_max3A_620 = vector.extract %reduce_max3A_619[0, 0, 0] : f32 from vector<1x1x1xf32>
    %broadcast_in_dim3A_621 = vector.broadcast %reduce_max3A_620 : f32 to vector<1x1xf32>
    %eq3A_622 = vector.broadcast %broadcast_in_dim3A_621 : vector<1x1xf32> to vector<16x128xf32>
    %eq3A_623 = arith.cmpf oeq, %select_n3A_615, %eq3A_622 : vector<16x128xf32>
    %jit3A_624 = arith.constant 1073741824 : i32
    %broadcast_in_dim3A_625 = vector.broadcast %jit3A_624 : i32 to vector<16x128xi32>
    %select_n3A_626 = arith.select %eq3A_623, %select_n3A_304, %broadcast_in_dim3A_625 : vector<16x128xi1>, vector<16x128xi32>
    %reduce_min3A_627 = vector.shape_cast %select_n3A_626 : vector<16x128xi32> to vector<1x16x128xi32>
    %reduce_min3A_628 = arith.constant dense<2147483647> : vector<1xi32>
    %reduce_min3A_629 = vector.multi_reduction <minsi>, %reduce_min3A_627, %reduce_min3A_628 [1, 2] : vector<1x16x128xi32> to vector<1xi32>
    %reduce_min3A_630 = vector.shape_cast %reduce_min3A_629 : vector<1xi32> to vector<1x1x1xi32>
    %reduce_min3A_631 = vector.extract %reduce_min3A_630[0, 0, 0] : i32 from vector<1x1x1xi32>
    %broadcast_in_dim3A_632 = vector.broadcast %reduce_min3A_631 : i32 to vector<1x1xi32>
    %eq3A_633 = arith.constant 9 : i32
    %eq3A_634 = vector.broadcast %eq3A_633 : i32 to vector<1x128xi32>
    %eq3A_635 = arith.cmpi eq, %iota3A_305, %eq3A_634 : vector<1x128xi32>
    %broadcast_in_dim3A_636 = vector.shape_cast %broadcast_in_dim3A_621 : vector<1x1xf32> to vector<1x1xf32>
    %broadcast_in_dim3A_637 = vector.broadcast %broadcast_in_dim3A_636 : vector<1x1xf32> to vector<1x128xf32>
    %select_n3A_638 = arith.select %eq3A_635, %broadcast_in_dim3A_637, %select_n3A_604 : vector<1x128xi1>, vector<1x128xf32>
    %eq3A_639 = arith.constant 9 : i32
    %eq3A_640 = vector.broadcast %eq3A_639 : i32 to vector<1x128xi32>
    %eq3A_641 = arith.cmpi eq, %iota3A_305, %eq3A_640 : vector<1x128xi32>
    %broadcast_in_dim3A_642 = vector.shape_cast %broadcast_in_dim3A_632 : vector<1x1xi32> to vector<1x1xi32>
    %broadcast_in_dim3A_643 = vector.broadcast %broadcast_in_dim3A_642 : vector<1x1xi32> to vector<1x128xi32>
    %select_n3A_644 = arith.select %eq3A_641, %broadcast_in_dim3A_643, %select_n3A_610 : vector<1x128xi1>, vector<1x128xi32>
    %slice3A = vector.extract_strided_slice %select_n3A_638 {offsets = [0, 0], sizes = [1, 10], strides = [1, 1]} : vector<1x128xf32> to vector<1x10xf32>
    %squeeze3A = vector.shape_cast %slice3A : vector<1x10xf32> to vector<10xf32>
    %swap3A = arith.constant 0 : index
    %swap3A_645 = vector.load %arg1[%swap3A] : memref<10xf32, #tpu.memory_space<vmem>>, vector<10xf32>
    tpu.vector_store %arg1[%swap3A], %squeeze3A {strides = array<i32>} : memref<10xf32, #tpu.memory_space<vmem>>, vector<10xf32>,
    %slice3A_646 = vector.extract_strided_slice %select_n3A_644 {offsets = [0, 0], sizes = [1, 10], strides = [1, 1]} : vector<1x128xi32> to vector<1x10xi32>
    %squeeze3A_647 = vector.shape_cast %slice3A_646 : vector<1x10xi32> to vector<10xi32>
    %swap3A_648 = arith.constant 0 : index
    %swap3A_649 = vector.load %arg2[%swap3A_648] : memref<10xi32, #tpu.memory_space<vmem>>, vector<10xi32>
    tpu.vector_store %arg2[%swap3A_648], %squeeze3A_647 {strides = array<i32>} : memref<10xi32, #tpu.memory_space<vmem>>, vector<10xi32>,
    return
  }
}

</mosaic_0001>

<sc_bundles>
// kernel: kernel.4.cloned.1.call-start
scs
__scs_entry_jumppad:
0x0: {  	(pc) =	sbr.rel $0x88, $3  }
0x1: {  	(tag) =	ssettag $0x0;
	lr =	simm.s32 $0x1  }
0x2: {  	[smem:$0x3F9D] =	sst lr;
	_ =	strace $0xD0000000  }
0x3: {  	_ = 	snop  }
0x4: {  	_ = 	snop  }
0x5: {  	_ = 	snop  }
0x6: {  	_ = 	snop  }
0x7: {  	_ = 	snop  }
__scs_overlays_trampoline_lowered:
0x8: {  	[smem:$0x3FAC] =	sst s0  }
0x9: {  	[smem:$0x3FAD] =	sst s1  }
0xa: {  	[smem:$0x3FAE] =	sst s2  }
0xb: {  	[smem:$0x3FAF] =	sst s3  }
0xc: {  	[smem:$0x3FB0] =	sst s4  }
0xd: {  	[smem:$0x3FB1] =	sst s5  }
0xe: {  	[smem:$0x3FB2] =	sst s6  }
0xf: {  	[smem:$0x3FB3] =	sst s7  }
0x10: {  	[smem:$0x3FB4] =	sst s8  }
0x11: {  	[smem:$0x3FB5] =	sst s9;
	s0 =	simm.s32 @!p0 $0x0  }
0x12: {  	s1 =	sld [smem:$0x3F9B];
	s0 =	simm.s32 @p0 $0x1  }
0x13: {  	[smem:$0x3FB6] =	sst s0;
	s0 =	simm.s32 @!p1 $0x0  }
0x14: {  	s2 =	sld [smem:$0x3F9A];
	s0 =	simm.s32 @p1 $0x1  }
0x15: {  	[smem:$0x3FB7] =	sst s0;
	s0 =	simm.s32 @!p2 $0x0  }
0x16: {  	s3 =	sld [smem:$0x3FDB];
	s0 =	simm.s32 @p2 $0x1  }
0x17: {  	s4 =	simm.s32 $0x1BF5;
	[smem:$0x3FB9] =	sst s0  }
0x18: {  	s0 =	sld [smem:$0x3F9C];
	_ =	swait.ge [sflag:s4], $0x0  }
0x19: {  	s7 =	sld [smem:$0x3F9D]  }
0x1a: {  	s8 =	sadd.s32 $0xFFFFE003, lr  }
0x1b: {  	s9 =	sadd.s32 $0xFFFFFEF7, lr;
	s5 =	simm.s32 $0xFFFFFFFF;
	p2 =	slt.u32 s8, $0xFFFFF086  }
0x1c: {  	p1 =	slt.u32 s9, $0xF7A;
	s5 =	simm.s32 @!p2 $0x0  }
0x1d: {  	s5 =	simm.s32 @p1 $0x1;
	p0 =	seq.s32 s7, s2  }
0x1e: {  	s7 =	smul.u32 @!p0 $0xF7A, s2;
	p2 =	seq.s32 @!p0 s5, $0x0  }
0x1f: {  	s9 =	smul.u32 $0xF7A, s1;
	s8 =	simm.s32 @!p0 $0x1BF5;
	p2 =	por !p2, p0  }
0x20: {  	[sflag:s8] =	ssyncset.s32 @!p0 $0xFFFFF086;
	s6 =	sadd.s32 @!p0 s3, s7;
	s7 =	simm.s32 @!p0 $0x108  }
0x21: {  	s3 =	sadd.s32 s3, s9;
	s6 =	sadd.s32 @!p0 $0x88, s6;
	s7 =	simm.s32 @p2 $0x1082  }
0x22: {  	[simem:s7], [sflag:s8] =	dma.local @!p0 [hbm:s6], $0xF7A  }
0x23: {  	s9 =	sor.u32 $0xD0000000, s2;
	s6 =	simm.s32 $0x108;
	_ =	swait.ge @!p0 [sflag:s8], $0x0  }
0x24: {  	s3 =	sadd.s32 $0x88, s3;
	s6 =	simm.s32 @!p1 $0x1082;
	[sflag:s4] =	ssyncset.s32 $0xFFFFF086  }
0x25: {  	[simem:s6], [sflag:s4] =	dma.local [hbm:s3], $0xF7A  }
0x26: {  	[smem:$0x3F9D] =	sst s1;
	(tag) =	ssettag s2;
	_ =	strace s9  }
0x27: {  	s1 =	sld [smem:$0x3FAD]  }
0x28: {  	s2 =	sld [smem:$0x3FAE]  }
0x29: {  	s4 =	sld [smem:$0x3FB0]  }
0x2a: {  	p0 =	seq.s32 s5, $0x0;
	s5 =	sld [smem:$0x3FB1]  }
0x2b: {  	s6 =	sld [smem:$0x3FB2]  }
0x2c: {  	s7 =	sld [smem:$0x3FB3]  }
0x2d: {  	s3 =	simm.s32 $0x108;
	s8 =	sld [smem:$0x3FB4]  }
0x2e: {  	s3 =	simm.s32 @!p0 $0x1082;
	s9 =	sld [smem:$0x3FB5]  }
0x2f: {  	lr =	sadd.s32 s0, s3;
	s0 =	sld [smem:$0x3FAC]  }
0x30: {  	s3 =	sld [smem:$0x3FAF]  }
0x31: {  	[smem:$0x3FB8] =	sst s10  }
0x32: {  	s10 =	sld [smem:$0x3FB6];
	_ =	sdelay $0x3  }
0x33: {  	p0 =	seq.s32 s10, $0x1;
	s10 =	sld [smem:$0x3FB8];
	_ =	sdelay $0x3  }
0x34: {  	[smem:$0x3FB8] =	sst s10  }
0x35: {  	s10 =	sld [smem:$0x3FB7];
	_ =	sdelay $0x3  }
0x36: {  	p1 =	seq.s32 s10, $0x1;
	s10 =	sld [smem:$0x3FB8];
	_ =	sdelay $0x3  }
0x37: {  	[smem:$0x3FB8] =	sst s10  }
0x38: {  	s10 =	sld [smem:$0x3FB9]  }
0x39: {  	_ = 	snop;
	(pc) =	sbr.ind lr, $3  }
0x3a: {  	_ = 	snop  }
0x3b: {  	_ = 	snop  }
0x3c: {  	p2 =	seq.s32 s10, $0x1;
	s10 =	sld [smem:$0x3FB8]  }
0x3d: {  	_ =	shalt  }
0x3e: {  	_ =	shalt  }
0x3f: {  	_ =	shalt  }
0x40: {  	_ =	shalt  }
0x41: {  	_ =	shalt  }
0x42: {  	_ =	shalt  }
0x43: {  	_ =	shalt  }
0x44: {  	_ =	shalt  }
0x45: {  	_ =	shalt  }
0x46: {  	_ =	shalt  }
0x47: {  	_ =	shalt  }
0x48: {  	_ =	shalt  }
0x49: {  	_ =	shalt  }
0x4a: {  	_ =	shalt  }
0x4b: {  	_ =	shalt  }
0x4c: {  	_ =	shalt  }
0x4d: {  	_ =	shalt  }
0x4e: {  	_ =	shalt  }
0x4f: {  	_ =	shalt  }
0x50: {  	_ =	shalt  }
0x51: {  	_ =	shalt  }
0x52: {  	_ =	shalt  }
0x53: {  	_ =	shalt  }
0x54: {  	_ =	shalt  }
0x55: {  	_ =	shalt  }
0x56: {  	_ =	shalt  }
0x57: {  	_ =	shalt  }
0x58: {  	_ =	shalt  }
0x59: {  	_ =	shalt  }
0x5a: {  	_ =	shalt  }
0x5b: {  	_ =	shalt  }
0x5c: {  	_ =	shalt  }
0x5d: {  	_ =	shalt  }
0x5e: {  	_ =	shalt  }
0x5f: {  	_ =	shalt  }
0x60: {  	_ =	shalt  }
0x61: {  	_ =	shalt  }
0x62: {  	_ =	shalt  }
0x63: {  	_ =	shalt  }
0x64: {  	_ =	shalt  }
0x65: {  	_ =	shalt  }
0x66: {  	_ =	shalt  }
0x67: {  	_ =	shalt  }
0x68: {  	_ =	shalt  }
0x69: {  	_ =	shalt  }
0x6a: {  	_ =	shalt  }
0x6b: {  	_ =	shalt  }
0x6c: {  	_ =	shalt  }
0x6d: {  	_ =	shalt  }
0x6e: {  	_ =	shalt  }
0x6f: {  	_ =	shalt  }
0x70: {  	_ =	shalt  }
0x71: {  	_ =	shalt  }
0x72: {  	_ =	shalt  }
0x73: {  	_ =	shalt  }
0x74: {  	_ =	shalt  }
0x75: {  	_ =	shalt  }
0x76: {  	_ =	shalt  }
0x77: {  	_ =	shalt  }
0x78: {  	_ =	shalt  }
0x79: {  	_ =	shalt  }
0x7a: {  	_ =	shalt  }
0x7b: {  	_ =	shalt  }
0x7c: {  	_ =	shalt  }
0x7d: {  	_ =	shalt  }
0x7e: {  	_ =	shalt  }
0x7f: {  	_ =	shalt  }
0x80: {  	_ =	shalt  }
0x81: {  	_ =	shalt  }
0x82: {  	_ =	shalt  }
0x83: {  	_ =	shalt  }
0x84: {  	_ =	shalt  }
0x85: {  	_ =	shalt  }
0x86: {  	_ =	shalt  }
0x87: {  	_ =	shalt  }
.Lfunc_end0:
.L_simem_size_0:
called_computation_lowered:
.L_overlay_start_0:
0x88: {  	s2 =	sld [smem:$0x3FD9]  }
0x89: {  	s3 =	sld [smem:$0x3FFE];
	_ =	sdelay $0x1  }
0x8a: {  	s1 =	srdreg.scid  }
0x8b: {  	s0 =	sand.u32 $0x1, s1  }
0x8c: {  	s17 =	sshll.u32 s0, $0xA;
	s2 =	sadd.s32 s3, s2  }
0x8d: {  	s2 =	sadd.s32 s2, s17  }
0x8e: {  	[smem:$0x3FC4] =	sst s2  }
0x8f: {  	_ = 	snop  }
0x90: {  	s2 =	sld [smem:$0x3FC9]  }
0x91: {  	s18 =	sld [smem:$0x3FC8]  }
0x92: {  	s4 =	sld [smem:$0x3FC7]  }
0x93: {  	s5 =	sld [smem:$0x3FC6];
	(tm) =	ssettm $0x1  }
0x94: {  	s6 =	sld [smem:$0x3FFB];
	_ =	sdelay $0x3  }
0x95: {  	_ =	strace s6  }
0x96: {  	s6 =	sld [smem:$0x3FFC];
	_ =	sdelay $0x3  }
0x97: {  	_ =	strace s6  }
0x98: {  	s6 =	sld [smem:$0x3FFD];
	_ =	sdelay $0x3  }
0x99: {  	_ =	strace s6  }
0x9a: {  	_ =	strace $0x8FFFFFFF  }
0x9b: {  	s19 =	sld [smem:$0x3FDB];
	_ =	sdelay $0x1  }
0x9c: {  	s7 =	simm.s32 $_scs_section_size  }
0x9d: {  	s8 =	simm.s32 $_size__tile_overlayer_lowered;
	s9 =	simm.s32 $_tile_overlayer_lowered  }
0x9e: {  	s22 =	simm.s32 $0x1BFF;
	s21 =	sshll.u32 s9, $0x1;
	s6 =	sadd.s32 s7, s19  }
0x9f: {  	s10 =	simm.s32 $0x0;
	s20 =	sshll.u32 s8, $0x1;
	s8 =	sadd.s32 s21, s6  }
0xa0: {  	[timem:s10], [sflag:s22] =	dma.local [hbm:s8], s20  }
0xa1: {  	_ =	swait.ge [sflag:s22], s20  }
0xa2: {  	s7 =	ssub.s32 $0x0, s20;
	[sflag:s22] =	ssyncset.done $0x0  }
0xa3: {  	[sflag:s22] =	ssyncadd.s32 s7;
	_ =	sdelay $0x1  }
0xa4: {  	s23 =	simm.s32 $0x1B8B  }
0xa5: {  	_ =	swait.ge [sflag:s23], $0x1  }
0xa6: {  	[sflag:s23] =	ssyncset.done $0x0  }
0xa7: {  	s25 =	simm.s32 $0x1B8E;
	s24 =	sld [smem:$0x3FFE];
	[sflag:s23] =	ssyncadd.s32 $0xFFFFFFFF  }
0xa8: {  	s26 =	simm.s32 $execute0_lowered;
	[smem:$0x3FD2] =	sst s25  }
0xa9: {  	s8 =	sshll.u32 s26, $0x1;
	_ =	strace $0x80000046;
	[dreg:$0x1] =	wrdreg $0xFFFFFFFF  }
0xaa: {  	s28 =	simm.s32 $_size_execute0_lowered;
	s6 =	sadd.s32 s6, s8;
	[dreg:$0x0] =	wrdreg $0x0  }
0xab: {  	s8 =	sshll.u32 s28, $0x1;
	[dreg:$0x2] =	wrdreg s6  }
0xac: {  	[dreg:$0x3] =	wrdreg s8  }
0xad: {  	[dreg:$0x4] =	wrdreg $0xC0  }
0xae: {  	_ =	task [dreg:s10], $0x5FFFF  }
0xaf: {  	[dreg:$0x1] =	wrdreg $0xFFFFFFFF  }
0xb0: {  	[dreg:$0x0] =	wrdreg $0x60  }
0xb1: {  	[dreg:$0x2] =	wrdreg s2  }
0xb2: {  	[dreg:$0x3] =	wrdreg s18  }
0xb3: {  	[dreg:$0x4] =	wrdreg s4  }
0xb4: {  	[dreg:$0x5] =	wrdreg s5  }
0xb5: {  	[dreg:$0x6] =	wrdreg s24  }
0xb6: {  	[dreg:$0x7] =	wrdreg $0x9  }
0xb7: {  	_ =	task.clear_ibuf [dreg:s10], $0x8FFFF;
	_ =	strace $0x90000046  }
0xb8: {  	s29 =	simm.s32 $0x9;
	_ =	strace $0x80000048  }
0xb9: {  	_ =	swait.ge [sflag:s29], $0x1  }
0xba: {  	[sflag:s29] =	ssyncadd.s32 $0xFFFFFFFF  }
0xbb: {  	_ =	strace $0x90000048  }
0xbc: {  	_ =	sfence  }
0xbd: {  	s30 =	sld [smem:$0x0];
	_ =	sdelay $0x2  }
0xbe: {  	s31 =	sshll.u32 s1, $0xD;
	s1 =	sshrl.u32 s1, $0x2  }
0xbf: {  	s3 =	sand.u32 $0x4000, s31;
	s1 =	sadd.s32 s1, s30  }
0xc0: {  	s0 =	sor.u32 s3, s0;
	s1 =	sshll.u32 s1, $0x11  }
0xc1: {  	s0 =	sor.u32 s1, s0  }
0xc2: {  	s0 =	sadd.s32 $0x8F2B, s0  }
0xc3: {  	[sflag:s0] =	ssyncadd.remote.s32 $0x1  }
0xc4: {  	_ =	sfence.sel $0xFFFF  }
0xc5: {  	[dreg:$0x0] =	wrdreg $0xFFFFFFFF;
	(pc) =	sbr.abs _section_cstart, $3  }
0xc6: {  	[dreg:$0x1] =	wrdreg $0xFFFFFFFF  }
0xc7: {  	_ =	task.clear_ibuf [dreg:s10], $0x2FFFF;
	_ =	strace $0x9FFFFFFF  }
0xc8: {  	(tm) =	ssettm $0x7FFFFFFF  }
0xc9: {  	_ =	shalt  }
tec
execute0_lowered:
.L_overlay_start_1:
0x0: {  	(tag) =	ssettag $0x1  }
0x1: {  	s0 =	rddreg [dreg:$0x0]  }
0x2: {  	s2 =	rddreg [dreg:$0x1]  }
0x3: {  	s11 =	rddreg [dreg:$0x2]  }
0x4: {  	s12 =	rddreg [dreg:$0x3]  }
0x5: {  	s3 =	srdreg.scid;
	s1 =	stileid.u32  }
0x6: {  	s5 =	rddreg [dreg:$0x4];
	s4 =	simm.s32 $0x0;
	s16 =	simm.s32 $0xE500  }
0x7: {  	s17 =	simm.s32 $0x9300;
	s18 =	simm.s32 $0x13700;
	s19 =	simm.s32 $0x4000  }
0x8: {  	s20 =	simm.s32 $0x3;
	s21 =	simm.s32 $0x4080;
	s22 =	simm.s32 $0x1  }
0x9: {  	s23 =	simm.s32 $0x2;
	s24 =	simm.s32 $0x18900;
	s25 =	simm.s32 $0x0  }
0xa: {  	s6 =	sand.u32 $0x1, s3;
	s7 =	sshll.u32 s1, $0x1;
	s3 =	rddreg [dreg:$0x5]  }
0xb: {  	[smem:$0x7FF] =	sst s4;
	s7 =	sor.u32 s6, s7;
	s6 =	ssub.s32 $0x2, s6  }
0xc: {  	s8 =	smul.u32 $0x14800, s7;
	s7 =	sshll.u32 s7, $0x6;
	s9 =	sshrl.u32 s6, $0x1  }
0xd: {  	v0 =	vimm.f32 $0.0e+00;
	_ =	strace $0x80000047;
	s13 =	sadd.s32 s7, s5;
	s14 =	ssub.s32 s6, s9  }
0xe: {  	vm1 =	vcmask $0xB08;
	vm2 =	vcmask $0xF0C;
	vm3 =	vcmask $0x1310;
	s15 =	sshrl.u32 s8, $0x3;
	s13 =	sadd.s32 $0x600, s13;
	s14 =	smax.u32 s14, $0x1  }
0xf: {  	vm4 =	vcmask $0x1714;
	vm5 =	vcmask $0x1B18;
	vm6 =	vcmask $0x1F1C;
	s5 =	sadd.s32 s11, s15;
	s6 =	sadd.s32 s12, s15;
	s8 =	sadd.s32 $0xA40, s15  }
0x10: {  	vm7 =	vcmask $0x2320;
	vm8 =	vcmask $0x2724;
	vm9 =	vcmask $0x2B28;
	s10 =	sadd.s32 $0x1480, s15;
	s15 =	sadd.s32 $0x1EC0, s15;
	s7 =	sadd.s32 s11, s8  }
0x11: {  	vm10 =	vcmask $0x2F2C;
	vm11 =	vcmask $0x3330;
	vm12 =	vcmask $0x3734;
	s8 =	sadd.s32 s12, s8;
	s9 =	sadd.s32 s11, s10;
	s10 =	sadd.s32 s12, s10  }
0x12: {  	vm13 =	vcmask $0x3B38;
	vm14 =	vcmask $0x3F3C;
	v1 =	vimm.s32 $0x1;
	s11 =	sadd.s32 s11, s15;
	s12 =	sadd.s32 s12, s15;
	s15 =	simm.s32 $0x4100  }
.LBB2_1:
0x13: {  	[tilespmem:s15], [sflag:$0x1] =	stream.linear.gather [hbm4b:s5+s4], $0x5200, $0x38;
	[tilespmem:$0x18B00] =	vst v63  }
0x14: {  	_ = 	snop  }
0x15: {  	[tilespmem:s16], [sflag:$0x1] =	stream.linear.gather [hbm4b:s6+s4], $0x5200, $0x38;
	[tilespmem:$0x18B00] =	vst v63  }
0x16: {  	_ = 	snop  }
0x17: {  	[tilespmem:s17], [sflag:$0x2] =	stream.linear.gather [hbm4b:s7+s4], $0x5200, $0x38;
	[tilespmem:$0x18B00] =	vst v63  }
0x18: {  	_ = 	snop  }
0x19: {  	[tilespmem:s18], [sflag:$0x2] =	stream.linear.gather [hbm4b:s8+s4], $0x5200, $0x38;
	[tilespmem:$0x18B00] =	vst v63  }
0x1a: {  	_ = 	snop  }
0x1b: {  	[tilespmem:s19], [sflag:$0x3] =	stream.linear.gather [hbm4b:s0+s4], $0x80, $0x38;
	[tilespmem:$0x18B00] =	vst v63  }
0x1c: {  	_ =	swait.ge [sflag:s20], $0x80  }
0x1d: {  	[sflag:s20] =	ssyncset.done $0x0  }
0x1e: {  	[sflag:s20] =	ssyncadd.s32 $0xFFFFFF80  }
0x1f: {  	[tilespmem:s21], [sflag:$0x3] =	stream.linear.gather [hbm4b:s2+s4], $0x80, $0x38;
	[tilespmem:$0x18B00] =	vst v63  }
0x20: {  	_ =	swait.ge [sflag:s20], $0x80  }
0x21: {  	[sflag:s20] =	ssyncset.done $0x0  }
0x22: {  	s26 =	simm.s32 $0x20;
	[sflag:s20] =	ssyncadd.s32 $0xFFFFFF80  }
0x23: {  	[tilespmem:s26+$0xFFFFFFE0] =	vst v0  }
0x24: {  	[tilespmem:s26+$0x10] =	vst v0  }
0x25: {  	s28 =	simm.s32 $0x0;
	[tilespmem:s26+$0x0] =	vst v0  }
.LBB2_2:
0x26: {  	s28 =	sadd.s32 $0x4, s28  }
0x27: {  	[tilespmem:s26+$0xFFFFFFF0] =	vst v0;
	s26 =	sadd.s32 $0x40, s26;
	p0 =	slt.u32 s28, $0x3FC  }
.Ltmp0:
0x28: {  	[tilespmem:s26+$0xFFFFFFE0] =	vst v0;
	(pc) =	sbr.rel @p0 .LBB2_2-.Ltmp0, $3  }
0x29: {  	_ =	sdelay $0x1  }
0x2a: {  	[tilespmem:s26+$0x10] =	vst v0  }
0x2b: {  	[tilespmem:s26+$0x0] =	vst v0  }
0x2c: {  	[tilespmem:s26+$0xFFFFFFF0] =	vst v0  }
0x2d: {  	v2 =	vld [tilespmem:$0x4000];
	_ =	sdelay $0x2  }
0x2e: {  	vm0 =	vcmask $0x704;
	v3 =	vld [tilespmem:$0x4080];
	_ =	sdelay $0x3  }
0x2f: {  	s26 =	simm.s32 $0x0  }
0x30: {  	[tilespmem:v2+s26+$0x0] =	vst.idx.add.f32.msk $0x1, v3  }
0x31: {  	[tilespmem:v2+s26+$0x0] =	vst.idx.add.f32.msk vm0, v3  }
0x32: {  	[tilespmem:v2+s26+$0x0] =	vst.idx.add.f32.msk vm1, v3  }
0x33: {  	[tilespmem:v2+s26+$0x0] =	vst.idx.add.f32.msk vm2, v3  }
0x34: {  	[tilespmem:v2+s26+$0x0] =	vst.idx.add.f32.msk vm3, v3  }
0x35: {  	[tilespmem:v2+s26+$0x0] =	vst.idx.add.f32.msk vm4, v3  }
0x36: {  	[tilespmem:v2+s26+$0x0] =	vst.idx.add.f32.msk vm5, v3  }
0x37: {  	[tilespmem:v2+s26+$0x0] =	vst.idx.add.f32.msk vm6, v3  }
0x38: {  	[tilespmem:v2+s26+$0x0] =	vst.idx.add.f32.msk vm7, v3  }
0x39: {  	[tilespmem:v2+s26+$0x0] =	vst.idx.add.f32.msk vm8, v3  }
0x3a: {  	[tilespmem:v2+s26+$0x0] =	vst.idx.add.f32.msk vm9, v3  }
0x3b: {  	[tilespmem:v2+s26+$0x0] =	vst.idx.add.f32.msk vm10, v3  }
0x3c: {  	[tilespmem:v2+s26+$0x0] =	vst.idx.add.f32.msk vm11, v3  }
0x3d: {  	[tilespmem:v2+s26+$0x0] =	vst.idx.add.f32.msk vm12, v3  }
0x3e: {  	[tilespmem:v2+s26+$0x0] =	vst.idx.add.f32.msk vm13, v3  }
0x3f: {  	[tilespmem:v2+s26+$0x0] =	vst.idx.add.f32.msk vm14, v3  }
0x40: {  	v2 =	vld [tilespmem:$0x4010];
	_ =	sdelay $0x2  }
0x41: {  	v3 =	vld [tilespmem:$0x4090];
	_ =	sdelay $0x4  }
0x42: {  	[tilespmem:v2+s26+$0x0] =	vst.idx.add.f32.msk $0x1, v3  }
0x43: {  	[tilespmem:v2+s26+$0x0] =	vst.idx.add.f32.msk vm0, v3  }
0x44: {  	[tilespmem:v2+s26+$0x0] =	vst.idx.add.f32.msk vm1, v3  }
0x45: {  	[tilespmem:v2+s26+$0x0] =	vst.idx.add.f32.msk vm2, v3  }
0x46: {  	[tilespmem:v2+s26+$0x0] =	vst.idx.add.f32.msk vm3, v3  }
0x47: {  	[tilespmem:v2+s26+$0x0] =	vst.idx.add.f32.msk vm4, v3  }
0x48: {  	[tilespmem:v2+s26+$0x0] =	vst.idx.add.f32.msk vm5, v3  }
0x49: {  	[tilespmem:v2+s26+$0x0] =	vst.idx.add.f32.msk vm6, v3  }
0x4a: {  	[tilespmem:v2+s26+$0x0] =	vst.idx.add.f32.msk vm7, v3  }
0x4b: {  	[tilespmem:v2+s26+$0x0] =	vst.idx.add.f32.msk vm8, v3  }
0x4c: {  	[tilespmem:v2+s26+$0x0] =	vst.idx.add.f32.msk vm9, v3  }
0x4d: {  	[tilespmem:v2+s26+$0x0] =	vst.idx.add.f32.msk vm10, v3  }
0x4e: {  	[tilespmem:v2+s26+$0x0] =	vst.idx.add.f32.msk vm11, v3  }
0x4f: {  	[tilespmem:v2+s26+$0x0] =	vst.idx.add.f32.msk vm12, v3  }
0x50: {  	[tilespmem:v2+s26+$0x0] =	vst.idx.add.f32.msk vm13, v3  }
0x51: {  	[tilespmem:v2+s26+$0x0] =	vst.idx.add.f32.msk vm14, v3  }
0x52: {  	v2 =	vld [tilespmem:$0x4020];
	_ =	sdelay $0x2  }
0x53: {  	v3 =	vld [tilespmem:$0x40A0];
	_ =	sdelay $0x4  }
0x54: {  	[tilespmem:v2+s26+$0x0] =	vst.idx.add.f32.msk $0x1, v3  }
0x55: {  	[tilespmem:v2+s26+$0x0] =	vst.idx.add.f32.msk vm0, v3  }
0x56: {  	[tilespmem:v2+s26+$0x0] =	vst.idx.add.f32.msk vm1, v3  }
0x57: {  	[tilespmem:v2+s26+$0x0] =	vst.idx.add.f32.msk vm2, v3  }
0x58: {  	[tilespmem:v2+s26+$0x0] =	vst.idx.add.f32.msk vm3, v3  }
0x59: {  	[tilespmem:v2+s26+$0x0] =	vst.idx.add.f32.msk vm4, v3  }
0x5a: {  	[tilespmem:v2+s26+$0x0] =	vst.idx.add.f32.msk vm5, v3  }
0x5b: {  	[tilespmem:v2+s26+$0x0] =	vst.idx.add.f32.msk vm6, v3  }
0x5c: {  	[tilespmem:v2+s26+$0x0] =	vst.idx.add.f32.msk vm7, v3  }
0x5d: {  	[tilespmem:v2+s26+$0x0] =	vst.idx.add.f32.msk vm8, v3  }
0x5e: {  	[tilespmem:v2+s26+$0x0] =	vst.idx.add.f32.msk vm9, v3  }
0x5f: {  	[tilespmem:v2+s26+$0x0] =	vst.idx.add.f32.msk vm10, v3  }
0x60: {  	[tilespmem:v2+s26+$0x0] =	vst.idx.add.f32.msk vm11, v3  }
0x61: {  	[tilespmem:v2+s26+$0x0] =	vst.idx.add.f32.msk vm12, v3  }
0x62: {  	[tilespmem:v2+s26+$0x0] =	vst.idx.add.f32.msk vm13, v3  }
0x63: {  	[tilespmem:v2+s26+$0x0] =	vst.idx.add.f32.msk vm14, v3  }
0x64: {  	v2 =	vld [tilespmem:$0x4030];
	_ =	sdelay $0x2  }
0x65: {  	v3 =	vld [tilespmem:$0x40B0];
	_ =	sdelay $0x4  }
0x66: {  	[tilespmem:v2+s26+$0x0] =	vst.idx.add.f32.msk $0x1, v3  }
0x67: {  	[tilespmem:v2+s26+$0x0] =	vst.idx.add.f32.msk vm0, v3  }
0x68: {  	[tilespmem:v2+s26+$0x0] =	vst.idx.add.f32.msk vm1, v3  }
0x69: {  	[tilespmem:v2+s26+$0x0] =	vst.idx.add.f32.msk vm2, v3  }
0x6a: {  	[tilespmem:v2+s26+$0x0] =	vst.idx.add.f32.msk vm3, v3  }
0x6b: {  	[tilespmem:v2+s26+$0x0] =	vst.idx.add.f32.msk vm4, v3  }
0x6c: {  	[tilespmem:v2+s26+$0x0] =	vst.idx.add.f32.msk vm5, v3  }
0x6d: {  	[tilespmem:v2+s26+$0x0] =	vst.idx.add.f32.msk vm6, v3  }
0x6e: {  	[tilespmem:v2+s26+$0x0] =	vst.idx.add.f32.msk vm7, v3  }
0x6f: {  	[tilespmem:v2+s26+$0x0] =	vst.idx.add.f32.msk vm8, v3  }
0x70: {  	[tilespmem:v2+s26+$0x0] =	vst.idx.add.f32.msk vm9, v3  }
0x71: {  	[tilespmem:v2+s26+$0x0] =	vst.idx.add.f32.msk vm10, v3  }
0x72: {  	[tilespmem:v2+s26+$0x0] =	vst.idx.add.f32.msk vm11, v3  }
0x73: {  	[tilespmem:v2+s26+$0x0] =	vst.idx.add.f32.msk vm12, v3  }
0x74: {  	[tilespmem:v2+s26+$0x0] =	vst.idx.add.f32.msk vm13, v3  }
0x75: {  	[tilespmem:v2+s26+$0x0] =	vst.idx.add.f32.msk vm14, v3  }
0x76: {  	v2 =	vld [tilespmem:$0x4040];
	_ =	sdelay $0x2  }
0x77: {  	v3 =	vld [tilespmem:$0x40C0];
	_ =	sdelay $0x4  }
0x78: {  	[tilespmem:v2+s26+$0x0] =	vst.idx.add.f32.msk $0x1, v3  }
0x79: {  	[tilespmem:v2+s26+$0x0] =	vst.idx.add.f32.msk vm0, v3  }
0x7a: {  	[tilespmem:v2+s26+$0x0] =	vst.idx.add.f32.msk vm1, v3  }
0x7b: {  	[tilespmem:v2+s26+$0x0] =	vst.idx.add.f32.msk vm2, v3  }
0x7c: {  	[tilespmem:v2+s26+$0x0] =	vst.idx.add.f32.msk vm3, v3  }
0x7d: {  	[tilespmem:v2+s26+$0x0] =	vst.idx.add.f32.msk vm4, v3  }
0x7e: {  	[tilespmem:v2+s26+$0x0] =	vst.idx.add.f32.msk vm5, v3  }
0x7f: {  	[tilespmem:v2+s26+$0x0] =	vst.idx.add.f32.msk vm6, v3  }
0x80: {  	[tilespmem:v2+s26+$0x0] =	vst.idx.add.f32.msk vm7, v3  }
0x81: {  	[tilespmem:v2+s26+$0x0] =	vst.idx.add.f32.msk vm8, v3  }
0x82: {  	[tilespmem:v2+s26+$0x0] =	vst.idx.add.f32.msk vm9, v3  }
0x83: {  	[tilespmem:v2+s26+$0x0] =	vst.idx.add.f32.msk vm10, v3  }
0x84: {  	[tilespmem:v2+s26+$0x0] =	vst.idx.add.f32.msk vm11, v3  }
0x85: {  	[tilespmem:v2+s26+$0x0] =	vst.idx.add.f32.msk vm12, v3  }
0x86: {  	[tilespmem:v2+s26+$0x0] =	vst.idx.add.f32.msk vm13, v3  }
0x87: {  	[tilespmem:v2+s26+$0x0] =	vst.idx.add.f32.msk vm14, v3  }
0x88: {  	v2 =	vld [tilespmem:$0x4050];
	_ =	sdelay $0x2  }
0x89: {  	v3 =	vld [tilespmem:$0x40D0];
	_ =	sdelay $0x4  }
0x8a: {  	[tilespmem:v2+s26+$0x0] =	vst.idx.add.f32.msk $0x1, v3  }
0x8b: {  	[tilespmem:v2+s26+$0x0] =	vst.idx.add.f32.msk vm0, v3  }
0x8c: {  	[tilespmem:v2+s26+$0x0] =	vst.idx.add.f32.msk vm1, v3  }
0x8d: {  	[tilespmem:v2+s26+$0x0] =	vst.idx.add.f32.msk vm2, v3  }
0x8e: {  	[tilespmem:v2+s26+$0x0] =	vst.idx.add.f32.msk vm3, v3  }
0x8f: {  	[tilespmem:v2+s26+$0x0] =	vst.idx.add.f32.msk vm4, v3  }
0x90: {  	[tilespmem:v2+s26+$0x0] =	vst.idx.add.f32.msk vm5, v3  }
0x91: {  	[tilespmem:v2+s26+$0x0] =	vst.idx.add.f32.msk vm6, v3  }
0x92: {  	[tilespmem:v2+s26+$0x0] =	vst.idx.add.f32.msk vm7, v3  }
0x93: {  	[tilespmem:v2+s26+$0x0] =	vst.idx.add.f32.msk vm8, v3  }
0x94: {  	[tilespmem:v2+s26+$0x0] =	vst.idx.add.f32.msk vm9, v3  }
0x95: {  	[tilespmem:v2+s26+$0x0] =	vst.idx.add.f32.msk vm10, v3  }
0x96: {  	[tilespmem:v2+s26+$0x0] =	vst.idx.add.f32.msk vm11, v3  }
0x97: {  	[tilespmem:v2+s26+$0x0] =	vst.idx.add.f32.msk vm12, v3  }
0x98: {  	[tilespmem:v2+s26+$0x0] =	vst.idx.add.f32.msk vm13, v3  }
0x99: {  	[tilespmem:v2+s26+$0x0] =	vst.idx.add.f32.msk vm14, v3  }
0x9a: {  	v2 =	vld [tilespmem:$0x4060];
	_ =	sdelay $0x2  }
0x9b: {  	v3 =	vld [tilespmem:$0x40E0];
	_ =	sdelay $0x4  }
0x9c: {  	[tilespmem:v2+s26+$0x0] =	vst.idx.add.f32.msk $0x1, v3  }
0x9d: {  	[tilespmem:v2+s26+$0x0] =	vst.idx.add.f32.msk vm0, v3  }
0x9e: {  	[tilespmem:v2+s26+$0x0] =	vst.idx.add.f32.msk vm1, v3  }
0x9f: {  	[tilespmem:v2+s26+$0x0] =	vst.idx.add.f32.msk vm2, v3  }
0xa0: {  	[tilespmem:v2+s26+$0x0] =	vst.idx.add.f32.msk vm3, v3  }
0xa1: {  	[tilespmem:v2+s26+$0x0] =	vst.idx.add.f32.msk vm4, v3  }
0xa2: {  	[tilespmem:v2+s26+$0x0] =	vst.idx.add.f32.msk vm5, v3  }
0xa3: {  	[tilespmem:v2+s26+$0x0] =	vst.idx.add.f32.msk vm6, v3  }
0xa4: {  	[tilespmem:v2+s26+$0x0] =	vst.idx.add.f32.msk vm7, v3  }
0xa5: {  	[tilespmem:v2+s26+$0x0] =	vst.idx.add.f32.msk vm8, v3  }
0xa6: {  	[tilespmem:v2+s26+$0x0] =	vst.idx.add.f32.msk vm9, v3  }
0xa7: {  	[tilespmem:v2+s26+$0x0] =	vst.idx.add.f32.msk vm10, v3  }
0xa8: {  	[tilespmem:v2+s26+$0x0] =	vst.idx.add.f32.msk vm11, v3  }
0xa9: {  	[tilespmem:v2+s26+$0x0] =	vst.idx.add.f32.msk vm12, v3  }
0xaa: {  	[tilespmem:v2+s26+$0x0] =	vst.idx.add.f32.msk vm13, v3  }
0xab: {  	[tilespmem:v2+s26+$0x0] =	vst.idx.add.f32.msk vm14, v3  }
0xac: {  	v2 =	vld [tilespmem:$0x4070];
	_ =	sdelay $0x2  }
0xad: {  	v3 =	vld [tilespmem:$0x40F0];
	_ =	sdelay $0x4  }
0xae: {  	[tilespmem:v2+s26+$0x0] =	vst.idx.add.f32.msk $0x1, v3  }
0xaf: {  	[tilespmem:v2+s26+$0x0] =	vst.idx.add.f32.msk vm0, v3  }
0xb0: {  	[tilespmem:v2+s26+$0x0] =	vst.idx.add.f32.msk vm1, v3  }
0xb1: {  	[tilespmem:v2+s26+$0x0] =	vst.idx.add.f32.msk vm2, v3  }
0xb2: {  	[tilespmem:v2+s26+$0x0] =	vst.idx.add.f32.msk vm3, v3  }
0xb3: {  	[tilespmem:v2+s26+$0x0] =	vst.idx.add.f32.msk vm4, v3  }
0xb4: {  	[tilespmem:v2+s26+$0x0] =	vst.idx.add.f32.msk vm5, v3  }
0xb5: {  	[tilespmem:v2+s26+$0x0] =	vst.idx.add.f32.msk vm6, v3  }
0xb6: {  	[tilespmem:v2+s26+$0x0] =	vst.idx.add.f32.msk vm7, v3  }
0xb7: {  	[tilespmem:v2+s26+$0x0] =	vst.idx.add.f32.msk vm8, v3  }
0xb8: {  	[tilespmem:v2+s26+$0x0] =	vst.idx.add.f32.msk vm9, v3  }
0xb9: {  	[tilespmem:v2+s26+$0x0] =	vst.idx.add.f32.msk vm10, v3  }
0xba: {  	[tilespmem:v2+s26+$0x0] =	vst.idx.add.f32.msk vm11, v3  }
0xbb: {  	[tilespmem:v2+s26+$0x0] =	vst.idx.add.f32.msk vm12, v3  }
0xbc: {  	[tilespmem:v2+s26+$0x0] =	vst.idx.add.f32.msk vm13, v3  }
0xbd: {  	[tilespmem:v2+s26+$0x0] =	vst.idx.add.f32.msk vm14, v3  }
0xbe: {  	_ =	swait.ge [sflag:s22], $0x5200  }
0xbf: {  	[sflag:s22] =	ssyncset.done $0x0  }
0xc0: {  	[sflag:s22] =	ssyncadd.s32 $0xFFFFAE00  }
0xc1: {  	_ =	swait.ge [sflag:s22], $0x5200  }
0xc2: {  	[sflag:s22] =	ssyncset.done $0x0  }
0xc3: {  	[sflag:s22] =	ssyncadd.s32 $0xFFFFAE00  }
.LBB2_4:
0xc4: {  	v2 =	vlaneseq.u32  }
0xc5: {  	s28 =	smul.u32 $0xA40, s26;
	v3 =	vmul.u32 $0xA5, v2;
	vm15 =	veq.s32 v2, $0xA3;
	v2 =	vadd.s32 $0x2, v2  }
0xc6: {  	v2 =	vsel vm15, $0x1, v2  }
0xc7: {  	v4 =	vadd.s32 s28, v3;
	vm0 =	veq.s32 v2, $0xA4;
	v2 =	vadd.s32 $0x1, v2  }
0xc8: {  	v3 =	vsel vm15, $0xFFFFFF5D, v1;
	v5 =	vsel vm0, $0xFFFFFF5D, v1;
	v2 =	vsel vm0, $0x1, v2  }
0xc9: {  	v6 =	vadd.s32 v4, v3;
	vm0 =	veq.s32 v2, $0xA4;
	v3 =	vadd.s32 $0x1, v2  }
0xca: {  	v2 =	vadd.s32 v6, v5;
	v5 =	vsel vm0, $0xFFFFFF5D, v1;
	v7 =	vsel vm0, $0x1, v3  }
0xcb: {  	v3 =	vadd.s32 v2, v5;
	vm0 =	veq.s32 v7, $0xA4;
	v5 =	vadd.s32 $0x1, v7  }
0xcc: {  	v7 =	vld.idx.msk [tilespmem:v4+s16+$0x0], $0xffff;
	v8 =	vsel vm0, $0xFFFFFF5D, v1;
	v5 =	vsel vm0, $0x1, v5  }
0xcd: {  	v9 =	vld.idx.msk [tilespmem:v4+s15+$0x0], $0xffff;
	v4 =	vadd.s32 v3, v8;
	vm0 =	veq.s32 v5, $0xA4;
	v5 =	vadd.s32 $0x1, v5  }
0xce: {  	v8 =	vld.idx.msk [tilespmem:v6+s15+$0x0], $0xffff;
	v10 =	vsel vm0, $0xFFFFFF5D, v1;
	v5 =	vsel vm0, $0x1, v5  }
0xcf: {  	v13 =	vld.idx.msk [tilespmem:v6+s16+$0x0], $0xffff;
	v10 =	vadd.s32 v4, v10;
	vm0 =	veq.s32 v5, $0xA4;
	v5 =	vadd.s32 $0x1, v5  }
0xd0: {  	v16 =	vld.idx.msk [tilespmem:v2+s15+$0x0], $0xffff;
	v12 =	vsel vm0, $0xFFFFFF5D, v1;
	v5 =	vsel vm0, $0x1, v5  }
0xd1: {  	v11 =	vld.idx.msk [tilespmem:v3+s15+$0x0], $0xffff;
	v17 =	vadd.s32 v10, v12;
	vm0 =	veq.s32 v5, $0xA4  }
0xd2: {  	v6 =	vld.idx.msk [tilespmem:v4+s15+$0x0], $0xffff;
	v12 =	vsel vm0, $0xFFFFFF5D, v1  }
0xd3: {  	v4 =	vld.idx.msk [tilespmem:v4+s16+$0x0], $0xffff;
	v12 =	vadd.s32 v17, v12  }
0xd4: {  	v25 =	vld.idx.msk [tilespmem:v10+s15+$0x0], $0xffff  }
0xd5: {  	v9 =	vld.idx.msk [tilespmem:v9+s4+$0x0], $0xffff  }
0xd6: {  	v22 =	vld.idx.msk [tilespmem:v17+s15+$0x0], $0xffff  }
0xd7: {  	v5 =	vadd.s32 $0x1, v5;
	v19 =	vld.idx.msk [tilespmem:v8+s4+$0x0], $0xffff  }
0xd8: {  	v5 =	vsel vm0, $0x1, v5;
	v21 =	vld.idx.msk [tilespmem:v12+s15+$0x0], $0xffff  }
0xd9: {  	v20 =	vimm.f32 $0.0e+00;
	vm0 =	veq.s32 v5, $0xA4;
	v11 =	vld.idx.msk [tilespmem:v11+s4+$0x0], $0xffff  }
0xda: {  	v14 =	vimm.f32 $0.0e+00;
	v24 =	vsel vm0, $0x0, v5;
	v8 =	vsel vm0, $0xFFFFFF5D, v1;
	v18 =	vld.idx.msk [tilespmem:v12+s16+$0x0], $0xffff  }
0xdb: {  	v5 =	vimm.f32 $0.0e+00;
	v15 =	vadd.s32 v12, v8;
	v23 =	vmul.f32 v9, v7;
	v8 =	vld.idx.msk [tilespmem:v6+s4+$0x0], $0xffff  }
0xdc: {  	s28 =	simm.s32 $0x0;
	v9 =	vimm.f32 $0.0e+00;
	v7 =	vimm.f32 $0.0e+00;
	v6 =	vimm.f32 $0.0e+00;
	v12 =	vld.idx.msk [tilespmem:v25+s4+$0x0], $0xffff  }
.LBB2_5:
0xdd: {  	vm0 =	veq.s32 v24, $0xA3;
	v24 =	vadd.s32 $0x2, v24;
	s28 =	sadd.s32 $0x8, s28;
	v25 =	vld.idx.msk [tilespmem:v16+s4+$0x0], $0xffff  }
0xde: {  	v20 =	vadd.f32 v23, v20;
	v16 =	vsel vm0, $0x1, v24;
	p0 =	slt.u32 s28, $0x98;
	v22 =	vld.idx.msk [tilespmem:v22+s4+$0x0], $0xffff  }
0xdf: {  	v13 =	vmul.f32 v19, v13;
	vm15 =	veq.s32 v16, $0xA4;
	v16 =	vadd.s32 $0x1, v16;
	v17 =	vld.idx.msk [tilespmem:v17+s16+$0x0], $0xffff  }
0xe0: {  	v19 =	vsel vm0, $0xFFFFFF5D, v1;
	v23 =	vsel vm15, $0xFFFFFF5D, v1;
	v16 =	vsel vm15, $0x1, v16;
	v21 =	vld.idx.msk [tilespmem:v21+s4+$0x0], $0xffff  }
0xe1: {  	v19 =	vadd.s32 v15, v19;
	vm0 =	veq.s32 v16, $0xA4;
	v16 =	vadd.s32 $0x1, v16;
	v24 =	vld.idx.msk [tilespmem:v3+s16+$0x0], $0xffff  }
0xe2: {  	v23 =	vadd.s32 v19, v23;
	v3 =	vsel vm0, $0xFFFFFF5D, v1;
	v16 =	vsel vm0, $0x1, v16;
	v26 =	vld.idx.msk [tilespmem:v10+s16+$0x0], $0xffff  }
0xe3: {  	v3 =	vadd.s32 v23, v3;
	vm0 =	veq.s32 v16, $0xA4;
	v10 =	vadd.s32 $0x1, v16;
	v27 =	vld.idx.msk [tilespmem:v2+s16+$0x0], $0xffff;
	v2 =	vmovc v23  }
0xe4: {  	v29 =	vadd.f32 v13, v14;
	v28 =	vld.idx.msk [tilespmem:v15+s16+$0x0], $0xffff;
	v16 =	vsel vm0, $0xFFFFFF5D, v1;
	v10 =	vsel vm0, $0x1, v10  }
0xe5: {  	v15 =	vld.idx.msk [tilespmem:v15+s15+$0x0], $0xffff;
	v14 =	vadd.s32 v3, v16;
	vm0 =	veq.s32 v10, $0xA4;
	v10 =	vadd.s32 $0x1, v10  }
0xe6: {  	v18 =	vmul.f32 v21, v18;
	v30 =	vld.idx.msk [tilespmem:v19+s15+$0x0], $0xffff;
	v13 =	vsel vm0, $0xFFFFFF5D, v1;
	v31 =	vsel vm0, $0x1, v10  }
0xe7: {  	v16 =	vld.idx.msk [tilespmem:v23+s15+$0x0], $0xffff;
	v10 =	vadd.s32 v14, v13;
	vm0 =	veq.s32 v31, $0xA4;
	v13 =	vadd.s32 $0x1, v31  }
0xe8: {  	v22 =	vmul.f32 v22, v17;
	v23 =	vld.idx.msk [tilespmem:v3+s15+$0x0], $0xffff;
	v21 =	vsel vm0, $0xFFFFFF5D, v1;
	v31 =	vsel vm0, $0x1, v13  }
0xe9: {  	v13 =	vld.idx.msk [tilespmem:v19+s16+$0x0], $0xffff;
	v17 =	vadd.s32 v10, v21;
	vm0 =	veq.s32 v31, $0xA4;
	v19 =	vadd.s32 $0x1, v31  }
0xea: {  	v11 =	vmul.f32 v11, v24;
	v31 =	vld.idx.msk [tilespmem:v14+s15+$0x0], $0xffff;
	v21 =	vsel vm0, $0xFFFFFF5D, v1;
	v19 =	vsel vm0, $0x1, v19  }
0xeb: {  	v34 =	vadd.f32 v22, v20;
	v32 =	vld.idx.msk [tilespmem:v14+s16+$0x0], $0xffff;
	v33 =	vadd.s32 v17, v21;
	vm0 =	veq.s32 v19, $0xA4  }
0xec: {  	v14 =	vadd.f32 v11, v9;
	v35 =	vld.idx.msk [tilespmem:v10+s15+$0x0], $0xffff;
	v24 =	vsel vm0, $0x0, v19;
	v19 =	vsel vm0, $0xFFFFFF5D, v1  }
0xed: {  	v9 =	vmul.f32 v12, v26;
	v11 =	vadd.f32 v18, v29;
	v36 =	vld.idx.msk [tilespmem:v15+s4+$0x0], $0xffff;
	v15 =	vadd.s32 v33, v19  }
0xee: {  	v8 =	vmul.f32 v8, v4;
	v12 =	vmul.f32 v25, v27;
	v22 =	vld.idx.msk [tilespmem:v17+s15+$0x0], $0xffff  }
0xef: {  	v9 =	vadd.f32 v9, v6;
	v6 =	vmov v11;
	v19 =	vld.idx.msk [tilespmem:v30+s4+$0x0], $0xffff  }
.Ltmp1:
0xf0: {  	v20 =	vadd.f32 v12, v7;
	v7 =	vadd.f32 v8, v5;
	v5 =	vmov v34;
	v21 =	vld.idx.msk [tilespmem:v33+s15+$0x0], $0xffff;
	(pc) =	sbr.rel @p0 .LBB2_5-.Ltmp1, $4  }
0xf1: {  	v4 =	vmov v32;
	v11 =	vld.idx.msk [tilespmem:v23+s4+$0x0], $0xffff  }
0xf2: {  	v8 =	vld.idx.msk [tilespmem:v31+s4+$0x0], $0xffff  }
0xf3: {  	v23 =	vmul.f32 v36, v28;
	v18 =	vld.idx.msk [tilespmem:v33+s16+$0x0], $0xffff  }
0xf4: {  	v12 =	vld.idx.msk [tilespmem:v35+s4+$0x0], $0xffff  }
0xf5: {  	_ =	sdelay $0x3  }
0xf6: {  	vm0 =	veq.s32 v24, $0xA3;
	v50 =	vadd.s32 $0x2, v24;
	v16 =	vld.idx.msk [tilespmem:v16+s4+$0x0], $0xffff  }
0xf7: {  	v22 =	vld.idx.msk [tilespmem:v22+s4+$0x0], $0xffff;
	v24 =	vsel vm0, $0x1, v50  }
0xf8: {  	v17 =	vld.idx.msk [tilespmem:v17+s16+$0x0], $0xffff;
	v25 =	vsel vm0, $0xFFFFFF5D, v1;
	vm0 =	veq.s32 v24, $0xA4  }
0xf9: {  	v21 =	vld.idx.msk [tilespmem:v21+s4+$0x0], $0xffff;
	v25 =	vadd.s32 v15, v25;
	v26 =	vsel vm0, $0xFFFFFF5D, v1;
	vm0 =	veq.s32 v24, $0xA3  }
0xfa: {  	v51 =	vld.idx.msk [tilespmem:v15+s15+$0x0], $0xffff;
	v26 =	vadd.s32 v25, v26;
	v27 =	vsel vm0, $0xFFFFFF5D, v1  }
0xfb: {  	v3 =	vld.idx.msk [tilespmem:v3+s16+$0x0], $0xffff;
	v27 =	vadd.s32 v27, v26  }
0xfc: {  	v10 =	vld.idx.msk [tilespmem:v10+s16+$0x0], $0xffff  }
0xfd: {  	v2 =	vld.idx.msk [tilespmem:v2+s16+$0x0], $0xffff  }
0xfe: {  	v28 =	vld.idx.msk [tilespmem:v25+s15+$0x0], $0xffff  }
0xff: {  	v29 =	vld.idx.msk [tilespmem:v26+s15+$0x0], $0xffff  }
0x100: {  	v30 =	vld.idx.msk [tilespmem:v27+s15+$0x0], $0xffff  }
0x101: {  	v52 =	vld.idx.msk [tilespmem:v15+s16+$0x0], $0xffff  }
0x102: {  	v25 =	vld.idx.msk [tilespmem:v25+s16+$0x0], $0xffff  }
0x103: {  	v24 =	vld.idx.msk [tilespmem:v51+s4+$0x0], $0xffff  }
0x104: {  	v26 =	vld.idx.msk [tilespmem:v26+s16+$0x0], $0xffff  }
0x105: {  	v53 =	vld.idx.msk [tilespmem:v27+s16+$0x0], $0xffff  }
0x106: {  	v13 =	vmul.f32 v19, v13;
	v28 =	vld.idx.msk [tilespmem:v28+s4+$0x0], $0xffff  }
0x107: {  	v20 =	vadd.f32 v23, v20;
	v4 =	vmul.f32 v8, v4;
	v29 =	vld.idx.msk [tilespmem:v29+s4+$0x0], $0xffff  }
0x108: {  	v13 =	vadd.f32 v13, v14;
	v17 =	vmul.f32 v22, v17;
	v3 =	vmul.f32 v11, v3;
	v54 =	vld.idx.msk [tilespmem:v30+s4+$0x0], $0xffff  }
0x109: {  	v4 =	vadd.f32 v4, v5;
	v55 =	vmul.f32 v21, v18;
	v2 =	vmul.f32 v16, v2  }
0x10a: {  	v10 =	vmul.f32 v12, v10;
	v56 =	vadd.f32 v17, v20;
	v3 =	vadd.f32 v3, v9  }
0x10b: {  	v2 =	vadd.f32 v2, v7;
	v58 =	vmul.f32 v24, v52;
	v59 =	vmul.f32 v28, v25  }
0x10c: {  	v57 =	vadd.f32 v55, v13;
	v6 =	vadd.f32 v10, v6;
	v60 =	vmul.f32 v29, v26  }
0x10d: {  	v2 =	vadd.f32 v58, v2;
	v3 =	vadd.f32 v59, v3;
	v61 =	vmul.f32 v54, v53  }
0x10e: {  	v63 =	vadd.f32 v57, v56;
	v4 =	vadd.f32 v60, v4  }
0x10f: {  	s28 =	sshll.u32 s26, $0x4;
	s26 =	sadd.s32 $0x1, s26;
	v2 =	vadd.f32 v3, v2;
	v62 =	vadd.f32 v61, v6  }
0x110: {  	p0 =	sne.s32 s26, $0x8  }
.Ltmp2:
0x111: {  	v2 =	vadd.f32 v2, v63;
	v3 =	vadd.f32 v62, v4;
	(pc) =	sbr.rel @p0 .LBB2_4-.Ltmp2, $4  }
0x112: {  	_ = 	snop  }
0x113: {  	v2 =	vadd.f32 v3, v2  }
0x114: {  	s28 =	sand.u32 $0x3FFFFFF0, s28  }
0x115: {  	[tilespmem:s28+$0x18900] =	vst v2  }
0x116: {  	s26 =	simm.s32 $0x0  }
0x117: {  	[tilespmem:s15], [sflag:$0x1] =	stream.linear.gather [hbm4b:s9+s26], $0x5200, $0x38;
	[tilespmem:$0x18B00] =	vst v63  }
0x118: {  	_ = 	snop  }
0x119: {  	[tilespmem:s16], [sflag:$0x1] =	stream.linear.gather [hbm4b:s10+s26], $0x5200, $0x38;
	[tilespmem:$0x18B00] =	vst v63  }
0x11a: {  	_ =	swait.ge [sflag:s23], $0x5200  }
0x11b: {  	[sflag:s23] =	ssyncset.done $0x0  }
0x11c: {  	[sflag:s23] =	ssyncadd.s32 $0xFFFFAE00  }
0x11d: {  	_ =	swait.ge [sflag:s23], $0x5200  }
0x11e: {  	[sflag:s23] =	ssyncset.done $0x0  }
0x11f: {  	[sflag:s23] =	ssyncadd.s32 $0xFFFFAE00  }
.LBB2_8:
0x120: {  	v2 =	vlaneseq.u32  }
0x121: {  	s28 =	smul.u32 $0xA40, s26;
	v3 =	vmul.u32 $0xA5, v2;
	vm0 =	veq.s32 v2, $0xA3;
	v2 =	vadd.s32 $0x2, v2  }
0x122: {  	v2 =	vsel vm0, $0x1, v2  }
0x123: {  	v4 =	vadd.s32 s28, v3;
	vm15 =	veq.s32 v2, $0xA4;
	v2 =	vadd.s32 $0x1, v2  }
0x124: {  	v3 =	vsel vm0, $0xFFFFFF5D, v1;
	v5 =	vsel vm15, $0xFFFFFF5D, v1;
	v2 =	vsel vm15, $0x1, v2  }
0x125: {  	v6 =	vadd.s32 v4, v3;
	vm0 =	veq.s32 v2, $0xA4;
	v3 =	vadd.s32 $0x1, v2  }
0x126: {  	v2 =	vadd.s32 v6, v5;
	v5 =	vsel vm0, $0xFFFFFF5D, v1;
	v7 =	vsel vm0, $0x1, v3  }
0x127: {  	v3 =	vadd.s32 v2, v5;
	vm0 =	veq.s32 v7, $0xA4;
	v5 =	vadd.s32 $0x1, v7  }
0x128: {  	v7 =	vld.idx.msk [tilespmem:v4+s18+$0x0], $0xffff;
	v8 =	vsel vm0, $0xFFFFFF5D, v1;
	v5 =	vsel vm0, $0x1, v5  }
0x129: {  	v9 =	vld.idx.msk [tilespmem:v4+s17+$0x0], $0xffff;
	v4 =	vadd.s32 v3, v8;
	vm0 =	veq.s32 v5, $0xA4;
	v5 =	vadd.s32 $0x1, v5  }
0x12a: {  	v8 =	vld.idx.msk [tilespmem:v6+s17+$0x0], $0xffff;
	v10 =	vsel vm0, $0xFFFFFF5D, v1;
	v5 =	vsel vm0, $0x1, v5  }
0x12b: {  	v13 =	vld.idx.msk [tilespmem:v6+s18+$0x0], $0xffff;
	v10 =	vadd.s32 v4, v10;
	vm0 =	veq.s32 v5, $0xA4;
	v5 =	vadd.s32 $0x1, v5  }
0x12c: {  	v16 =	vld.idx.msk [tilespmem:v2+s17+$0x0], $0xffff;
	v12 =	vsel vm0, $0xFFFFFF5D, v1;
	v5 =	vsel vm0, $0x1, v5  }
0x12d: {  	v11 =	vld.idx.msk [tilespmem:v3+s17+$0x0], $0xffff;
	v17 =	vadd.s32 v10, v12;
	vm0 =	veq.s32 v5, $0xA4  }
0x12e: {  	v6 =	vld.idx.msk [tilespmem:v4+s17+$0x0], $0xffff;
	v12 =	vsel vm0, $0xFFFFFF5D, v1  }
0x12f: {  	v4 =	vld.idx.msk [tilespmem:v4+s18+$0x0], $0xffff;
	v12 =	vadd.s32 v17, v12  }
0x130: {  	v25 =	vld.idx.msk [tilespmem:v10+s17+$0x0], $0xffff  }
0x131: {  	v9 =	vld.idx.msk [tilespmem:v9+s4+$0x0], $0xffff  }
0x132: {  	v22 =	vld.idx.msk [tilespmem:v17+s17+$0x0], $0xffff  }
0x133: {  	v5 =	vadd.s32 $0x1, v5;
	v19 =	vld.idx.msk [tilespmem:v8+s4+$0x0], $0xffff  }
0x134: {  	v5 =	vsel vm0, $0x1, v5;
	v21 =	vld.idx.msk [tilespmem:v12+s17+$0x0], $0xffff  }
0x135: {  	v20 =	vimm.f32 $0.0e+00;
	vm0 =	veq.s32 v5, $0xA4;
	v11 =	vld.idx.msk [tilespmem:v11+s4+$0x0], $0xffff  }
0x136: {  	v14 =	vimm.f32 $0.0e+00;
	v24 =	vsel vm0, $0x0, v5;
	v8 =	vsel vm0, $0xFFFFFF5D, v1;
	v18 =	vld.idx.msk [tilespmem:v12+s18+$0x0], $0xffff  }
0x137: {  	v5 =	vimm.f32 $0.0e+00;
	v15 =	vadd.s32 v12, v8;
	v23 =	vmul.f32 v9, v7;
	v8 =	vld.idx.msk [tilespmem:v6+s4+$0x0], $0xffff  }
0x138: {  	s28 =	simm.s32 $0x0;
	v9 =	vimm.f32 $0.0e+00;
	v7 =	vimm.f32 $0.0e+00;
	v6 =	vimm.f32 $0.0e+00;
	v12 =	vld.idx.msk [tilespmem:v25+s4+$0x0], $0xffff  }
.LBB2_9:
0x139: {  	vm0 =	veq.s32 v24, $0xA3;
	v24 =	vadd.s32 $0x2, v24;
	s28 =	sadd.s32 $0x8, s28;
	v25 =	vld.idx.msk [tilespmem:v16+s4+$0x0], $0xffff  }
0x13a: {  	v20 =	vadd.f32 v23, v20;
	v16 =	vsel vm0, $0x1, v24;
	p0 =	slt.u32 s28, $0x98;
	v22 =	vld.idx.msk [tilespmem:v22+s4+$0x0], $0xffff  }
0x13b: {  	v13 =	vmul.f32 v19, v13;
	vm15 =	veq.s32 v16, $0xA4;
	v16 =	vadd.s32 $0x1, v16;
	v17 =	vld.idx.msk [tilespmem:v17+s18+$0x0], $0xffff  }
0x13c: {  	v19 =	vsel vm0, $0xFFFFFF5D, v1;
	v23 =	vsel vm15, $0xFFFFFF5D, v1;
	v16 =	vsel vm15, $0x1, v16;
	v21 =	vld.idx.msk [tilespmem:v21+s4+$0x0], $0xffff  }
0x13d: {  	v19 =	vadd.s32 v15, v19;
	vm0 =	veq.s32 v16, $0xA4;
	v16 =	vadd.s32 $0x1, v16;
	v24 =	vld.idx.msk [tilespmem:v3+s18+$0x0], $0xffff  }
0x13e: {  	v23 =	vadd.s32 v19, v23;
	v3 =	vsel vm0, $0xFFFFFF5D, v1;
	v16 =	vsel vm0, $0x1, v16;
	v26 =	vld.idx.msk [tilespmem:v10+s18+$0x0], $0xffff  }
0x13f: {  	v3 =	vadd.s32 v23, v3;
	vm0 =	veq.s32 v16, $0xA4;
	v10 =	vadd.s32 $0x1, v16;
	v27 =	vld.idx.msk [tilespmem:v2+s18+$0x0], $0xffff;
	v2 =	vmovc v23  }
0x140: {  	v29 =	vadd.f32 v13, v14;
	v28 =	vld.idx.msk [tilespmem:v15+s18+$0x0], $0xffff;
	v16 =	vsel vm0, $0xFFFFFF5D, v1;
	v10 =	vsel vm0, $0x1, v10  }
0x141: {  	v15 =	vld.idx.msk [tilespmem:v15+s17+$0x0], $0xffff;
	v14 =	vadd.s32 v3, v16;
	vm0 =	veq.s32 v10, $0xA4;
	v10 =	vadd.s32 $0x1, v10  }
0x142: {  	v18 =	vmul.f32 v21, v18;
	v30 =	vld.idx.msk [tilespmem:v19+s17+$0x0], $0xffff;
	v13 =	vsel vm0, $0xFFFFFF5D, v1;
	v31 =	vsel vm0, $0x1, v10  }
0x143: {  	v16 =	vld.idx.msk [tilespmem:v23+s17+$0x0], $0xffff;
	v10 =	vadd.s32 v14, v13;
	vm0 =	veq.s32 v31, $0xA4;
	v13 =	vadd.s32 $0x1, v31  }
0x144: {  	v22 =	vmul.f32 v22, v17;
	v23 =	vld.idx.msk [tilespmem:v3+s17+$0x0], $0xffff;
	v21 =	vsel vm0, $0xFFFFFF5D, v1;
	v31 =	vsel vm0, $0x1, v13  }
0x145: {  	v13 =	vld.idx.msk [tilespmem:v19+s18+$0x0], $0xffff;
	v17 =	vadd.s32 v10, v21;
	vm0 =	veq.s32 v31, $0xA4;
	v19 =	vadd.s32 $0x1, v31  }
0x146: {  	v11 =	vmul.f32 v11, v24;
	v31 =	vld.idx.msk [tilespmem:v14+s17+$0x0], $0xffff;
	v21 =	vsel vm0, $0xFFFFFF5D, v1;
	v19 =	vsel vm0, $0x1, v19  }
0x147: {  	v34 =	vadd.f32 v22, v20;
	v32 =	vld.idx.msk [tilespmem:v14+s18+$0x0], $0xffff;
	v33 =	vadd.s32 v17, v21;
	vm0 =	veq.s32 v19, $0xA4  }
0x148: {  	v14 =	vadd.f32 v11, v9;
	v35 =	vld.idx.msk [tilespmem:v10+s17+$0x0], $0xffff;
	v24 =	vsel vm0, $0x0, v19;
	v19 =	vsel vm0, $0xFFFFFF5D, v1  }
0x149: {  	v9 =	vmul.f32 v12, v26;
	v11 =	vadd.f32 v18, v29;
	v36 =	vld.idx.msk [tilespmem:v15+s4+$0x0], $0xffff;
	v15 =	vadd.s32 v33, v19  }
0x14a: {  	v8 =	vmul.f32 v8, v4;
	v12 =	vmul.f32 v25, v27;
	v22 =	vld.idx.msk [tilespmem:v17+s17+$0x0], $0xffff  }
0x14b: {  	v9 =	vadd.f32 v9, v6;
	v6 =	vmov v11;
	v19 =	vld.idx.msk [tilespmem:v30+s4+$0x0], $0xffff  }
.Ltmp3:
0x14c: {  	v20 =	vadd.f32 v12, v7;
	v7 =	vadd.f32 v8, v5;
	v5 =	vmov v34;
	v21 =	vld.idx.msk [tilespmem:v33+s17+$0x0], $0xffff;
	(pc) =	sbr.rel @p0 .LBB2_9-.Ltmp3, $4  }
0x14d: {  	v4 =	vmov v32;
	v11 =	vld.idx.msk [tilespmem:v23+s4+$0x0], $0xffff  }
0x14e: {  	v8 =	vld.idx.msk [tilespmem:v31+s4+$0x0], $0xffff  }
0x14f: {  	v23 =	vmul.f32 v36, v28;
	v18 =	vld.idx.msk [tilespmem:v33+s18+$0x0], $0xffff  }
0x150: {  	v12 =	vld.idx.msk [tilespmem:v35+s4+$0x0], $0xffff  }
0x151: {  	_ =	sdelay $0x3  }
0x152: {  	vm0 =	veq.s32 v24, $0xA3;
	v50 =	vadd.s32 $0x2, v24;
	v16 =	vld.idx.msk [tilespmem:v16+s4+$0x0], $0xffff  }
0x153: {  	v22 =	vld.idx.msk [tilespmem:v22+s4+$0x0], $0xffff;
	v24 =	vsel vm0, $0x1, v50  }
0x154: {  	v17 =	vld.idx.msk [tilespmem:v17+s18+$0x0], $0xffff;
	v25 =	vsel vm0, $0xFFFFFF5D, v1;
	vm0 =	veq.s32 v24, $0xA4  }
0x155: {  	v21 =	vld.idx.msk [tilespmem:v21+s4+$0x0], $0xffff;
	v25 =	vadd.s32 v15, v25;
	v26 =	vsel vm0, $0xFFFFFF5D, v1;
	vm0 =	veq.s32 v24, $0xA3  }
0x156: {  	v51 =	vld.idx.msk [tilespmem:v15+s17+$0x0], $0xffff;
	v26 =	vadd.s32 v25, v26;
	v27 =	vsel vm0, $0xFFFFFF5D, v1  }
0x157: {  	v3 =	vld.idx.msk [tilespmem:v3+s18+$0x0], $0xffff;
	v27 =	vadd.s32 v27, v26  }
0x158: {  	v10 =	vld.idx.msk [tilespmem:v10+s18+$0x0], $0xffff  }
0x159: {  	v2 =	vld.idx.msk [tilespmem:v2+s18+$0x0], $0xffff  }
0x15a: {  	v28 =	vld.idx.msk [tilespmem:v25+s17+$0x0], $0xffff  }
0x15b: {  	v29 =	vld.idx.msk [tilespmem:v26+s17+$0x0], $0xffff  }
0x15c: {  	v30 =	vld.idx.msk [tilespmem:v27+s17+$0x0], $0xffff  }
0x15d: {  	v52 =	vld.idx.msk [tilespmem:v15+s18+$0x0], $0xffff  }
0x15e: {  	v25 =	vld.idx.msk [tilespmem:v25+s18+$0x0], $0xffff  }
0x15f: {  	v24 =	vld.idx.msk [tilespmem:v51+s4+$0x0], $0xffff  }
0x160: {  	v26 =	vld.idx.msk [tilespmem:v26+s18+$0x0], $0xffff  }
0x161: {  	v53 =	vld.idx.msk [tilespmem:v27+s18+$0x0], $0xffff  }
0x162: {  	v13 =	vmul.f32 v19, v13;
	v28 =	vld.idx.msk [tilespmem:v28+s4+$0x0], $0xffff  }
0x163: {  	v20 =	vadd.f32 v23, v20;
	v4 =	vmul.f32 v8, v4;
	v29 =	vld.idx.msk [tilespmem:v29+s4+$0x0], $0xffff  }
0x164: {  	v13 =	vadd.f32 v13, v14;
	v17 =	vmul.f32 v22, v17;
	v3 =	vmul.f32 v11, v3;
	v54 =	vld.idx.msk [tilespmem:v30+s4+$0x0], $0xffff  }
0x165: {  	v4 =	vadd.f32 v4, v5;
	v55 =	vmul.f32 v21, v18;
	v2 =	vmul.f32 v16, v2  }
0x166: {  	v10 =	vmul.f32 v12, v10;
	v56 =	vadd.f32 v17, v20;
	v3 =	vadd.f32 v3, v9  }
0x167: {  	v2 =	vadd.f32 v2, v7;
	v58 =	vmul.f32 v24, v52;
	v59 =	vmul.f32 v28, v25  }
0x168: {  	v57 =	vadd.f32 v55, v13;
	v6 =	vadd.f32 v10, v6;
	v60 =	vmul.f32 v29, v26  }
0x169: {  	v2 =	vadd.f32 v58, v2;
	v3 =	vadd.f32 v59, v3;
	v61 =	vmul.f32 v54, v53  }
0x16a: {  	v63 =	vadd.f32 v57, v56;
	v4 =	vadd.f32 v60, v4  }
0x16b: {  	s28 =	sshll.u32 s26, $0x4;
	s26 =	sadd.s32 $0x1, s26;
	v2 =	vadd.f32 v3, v2;
	v62 =	vadd.f32 v61, v6  }
0x16c: {  	p0 =	sne.s32 s26, $0x8  }
.Ltmp4:
0x16d: {  	v2 =	vadd.f32 v2, v63;
	v3 =	vadd.f32 v62, v4;
	(pc) =	sbr.rel @p0 .LBB2_8-.Ltmp4, $4  }
0x16e: {  	_ = 	snop  }
0x16f: {  	v2 =	vadd.f32 v3, v2  }
0x170: {  	s28 =	sand.u32 $0x3FFFFFF0, s28  }
0x171: {  	[tilespmem:s28+$0x18980] =	vst v2  }
0x172: {  	s26 =	simm.s32 $0x0  }
0x173: {  	[tilespmem:s17], [sflag:$0x2] =	stream.linear.gather [hbm4b:s11+s26], $0x5200, $0x38;
	[tilespmem:$0x18B00] =	vst v63  }
0x174: {  	_ = 	snop  }
0x175: {  	[tilespmem:s18], [sflag:$0x2] =	stream.linear.gather [hbm4b:s12+s26], $0x5200, $0x38;
	[tilespmem:$0x18B00] =	vst v63  }
0x176: {  	_ =	swait.ge [sflag:s22], $0x5200  }
0x177: {  	[sflag:s22] =	ssyncset.done $0x0  }
0x178: {  	[sflag:s22] =	ssyncadd.s32 $0xFFFFAE00  }
0x179: {  	_ =	swait.ge [sflag:s22], $0x5200  }
0x17a: {  	[sflag:s22] =	ssyncset.done $0x0  }
0x17b: {  	[sflag:s22] =	ssyncadd.s32 $0xFFFFAE00  }
.LBB2_12:
0x17c: {  	v2 =	vlaneseq.u32  }
0x17d: {  	s28 =	smul.u32 $0xA40, s26;
	v3 =	vmul.u32 $0xA5, v2;
	vm0 =	veq.s32 v2, $0xA3;
	v2 =	vadd.s32 $0x2, v2  }
0x17e: {  	v2 =	vsel vm0, $0x1, v2  }
0x17f: {  	v4 =	vadd.s32 s28, v3;
	vm15 =	veq.s32 v2, $0xA4;
	v2 =	vadd.s32 $0x1, v2  }
0x180: {  	v3 =	vsel vm0, $0xFFFFFF5D, v1;
	v5 =	vsel vm15, $0xFFFFFF5D, v1;
	v2 =	vsel vm15, $0x1, v2  }
0x181: {  	v6 =	vadd.s32 v4, v3;
	vm0 =	veq.s32 v2, $0xA4;
	v3 =	vadd.s32 $0x1, v2  }
0x182: {  	v2 =	vadd.s32 v6, v5;
	v5 =	vsel vm0, $0xFFFFFF5D, v1;
	v7 =	vsel vm0, $0x1, v3  }
0x183: {  	v3 =	vadd.s32 v2, v5;
	vm0 =	veq.s32 v7, $0xA4;
	v5 =	vadd.s32 $0x1, v7  }
0x184: {  	v7 =	vld.idx.msk [tilespmem:v4+s16+$0x0], $0xffff;
	v8 =	vsel vm0, $0xFFFFFF5D, v1;
	v5 =	vsel vm0, $0x1, v5  }
0x185: {  	v9 =	vld.idx.msk [tilespmem:v4+s15+$0x0], $0xffff;
	v4 =	vadd.s32 v3, v8;
	vm0 =	veq.s32 v5, $0xA4;
	v5 =	vadd.s32 $0x1, v5  }
0x186: {  	v8 =	vld.idx.msk [tilespmem:v6+s15+$0x0], $0xffff;
	v10 =	vsel vm0, $0xFFFFFF5D, v1;
	v5 =	vsel vm0, $0x1, v5  }
0x187: {  	v13 =	vld.idx.msk [tilespmem:v6+s16+$0x0], $0xffff;
	v10 =	vadd.s32 v4, v10;
	vm0 =	veq.s32 v5, $0xA4;
	v5 =	vadd.s32 $0x1, v5  }
0x188: {  	v16 =	vld.idx.msk [tilespmem:v2+s15+$0x0], $0xffff;
	v12 =	vsel vm0, $0xFFFFFF5D, v1;
	v5 =	vsel vm0, $0x1, v5  }
0x189: {  	v11 =	vld.idx.msk [tilespmem:v3+s15+$0x0], $0xffff;
	v17 =	vadd.s32 v10, v12;
	vm0 =	veq.s32 v5, $0xA4  }
0x18a: {  	v6 =	vld.idx.msk [tilespmem:v4+s15+$0x0], $0xffff;
	v12 =	vsel vm0, $0xFFFFFF5D, v1  }
0x18b: {  	v4 =	vld.idx.msk [tilespmem:v4+s16+$0x0], $0xffff;
	v12 =	vadd.s32 v17, v12  }
0x18c: {  	v25 =	vld.idx.msk [tilespmem:v10+s15+$0x0], $0xffff  }
0x18d: {  	v9 =	vld.idx.msk [tilespmem:v9+s4+$0x0], $0xffff  }
0x18e: {  	v22 =	vld.idx.msk [tilespmem:v17+s15+$0x0], $0xffff  }
0x18f: {  	v5 =	vadd.s32 $0x1, v5;
	v19 =	vld.idx.msk [tilespmem:v8+s4+$0x0], $0xffff  }
0x190: {  	v5 =	vsel vm0, $0x1, v5;
	v21 =	vld.idx.msk [tilespmem:v12+s15+$0x0], $0xffff  }
0x191: {  	v20 =	vimm.f32 $0.0e+00;
	vm0 =	veq.s32 v5, $0xA4;
	v11 =	vld.idx.msk [tilespmem:v11+s4+$0x0], $0xffff  }
0x192: {  	v14 =	vimm.f32 $0.0e+00;
	v24 =	vsel vm0, $0x0, v5;
	v8 =	vsel vm0, $0xFFFFFF5D, v1;
	v18 =	vld.idx.msk [tilespmem:v12+s16+$0x0], $0xffff  }
0x193: {  	v5 =	vimm.f32 $0.0e+00;
	v15 =	vadd.s32 v12, v8;
	v23 =	vmul.f32 v9, v7;
	v8 =	vld.idx.msk [tilespmem:v6+s4+$0x0], $0xffff  }
0x194: {  	s28 =	simm.s32 $0x0;
	v9 =	vimm.f32 $0.0e+00;
	v7 =	vimm.f32 $0.0e+00;
	v6 =	vimm.f32 $0.0e+00;
	v12 =	vld.idx.msk [tilespmem:v25+s4+$0x0], $0xffff  }
.LBB2_13:
0x195: {  	vm0 =	veq.s32 v24, $0xA3;
	v24 =	vadd.s32 $0x2, v24;
	s28 =	sadd.s32 $0x8, s28;
	v25 =	vld.idx.msk [tilespmem:v16+s4+$0x0], $0xffff  }
0x196: {  	v20 =	vadd.f32 v23, v20;
	v16 =	vsel vm0, $0x1, v24;
	p0 =	slt.u32 s28, $0x98;
	v22 =	vld.idx.msk [tilespmem:v22+s4+$0x0], $0xffff  }
0x197: {  	v13 =	vmul.f32 v19, v13;
	vm15 =	veq.s32 v16, $0xA4;
	v16 =	vadd.s32 $0x1, v16;
	v17 =	vld.idx.msk [tilespmem:v17+s16+$0x0], $0xffff  }
0x198: {  	v19 =	vsel vm0, $0xFFFFFF5D, v1;
	v23 =	vsel vm15, $0xFFFFFF5D, v1;
	v16 =	vsel vm15, $0x1, v16;
	v21 =	vld.idx.msk [tilespmem:v21+s4+$0x0], $0xffff  }
0x199: {  	v19 =	vadd.s32 v15, v19;
	vm0 =	veq.s32 v16, $0xA4;
	v16 =	vadd.s32 $0x1, v16;
	v24 =	vld.idx.msk [tilespmem:v3+s16+$0x0], $0xffff  }
0x19a: {  	v23 =	vadd.s32 v19, v23;
	v3 =	vsel vm0, $0xFFFFFF5D, v1;
	v16 =	vsel vm0, $0x1, v16;
	v26 =	vld.idx.msk [tilespmem:v10+s16+$0x0], $0xffff  }
0x19b: {  	v3 =	vadd.s32 v23, v3;
	vm0 =	veq.s32 v16, $0xA4;
	v10 =	vadd.s32 $0x1, v16;
	v27 =	vld.idx.msk [tilespmem:v2+s16+$0x0], $0xffff;
	v2 =	vmovc v23  }
0x19c: {  	v29 =	vadd.f32 v13, v14;
	v28 =	vld.idx.msk [tilespmem:v15+s16+$0x0], $0xffff;
	v16 =	vsel vm0, $0xFFFFFF5D, v1;
	v10 =	vsel vm0, $0x1, v10  }
0x19d: {  	v15 =	vld.idx.msk [tilespmem:v15+s15+$0x0], $0xffff;
	v14 =	vadd.s32 v3, v16;
	vm0 =	veq.s32 v10, $0xA4;
	v10 =	vadd.s32 $0x1, v10  }
0x19e: {  	v18 =	vmul.f32 v21, v18;
	v30 =	vld.idx.msk [tilespmem:v19+s15+$0x0], $0xffff;
	v13 =	vsel vm0, $0xFFFFFF5D, v1;
	v31 =	vsel vm0, $0x1, v10  }
0x19f: {  	v16 =	vld.idx.msk [tilespmem:v23+s15+$0x0], $0xffff;
	v10 =	vadd.s32 v14, v13;
	vm0 =	veq.s32 v31, $0xA4;
	v13 =	vadd.s32 $0x1, v31  }
0x1a0: {  	v22 =	vmul.f32 v22, v17;
	v23 =	vld.idx.msk [tilespmem:v3+s15+$0x0], $0xffff;
	v21 =	vsel vm0, $0xFFFFFF5D, v1;
	v31 =	vsel vm0, $0x1, v13  }
0x1a1: {  	v13 =	vld.idx.msk [tilespmem:v19+s16+$0x0], $0xffff;
	v17 =	vadd.s32 v10, v21;
	vm0 =	veq.s32 v31, $0xA4;
	v19 =	vadd.s32 $0x1, v31  }
0x1a2: {  	v11 =	vmul.f32 v11, v24;
	v31 =	vld.idx.msk [tilespmem:v14+s15+$0x0], $0xffff;
	v21 =	vsel vm0, $0xFFFFFF5D, v1;
	v19 =	vsel vm0, $0x1, v19  }
0x1a3: {  	v34 =	vadd.f32 v22, v20;
	v32 =	vld.idx.msk [tilespmem:v14+s16+$0x0], $0xffff;
	v33 =	vadd.s32 v17, v21;
	vm0 =	veq.s32 v19, $0xA4  }
0x1a4: {  	v14 =	vadd.f32 v11, v9;
	v35 =	vld.idx.msk [tilespmem:v10+s15+$0x0], $0xffff;
	v24 =	vsel vm0, $0x0, v19;
	v19 =	vsel vm0, $0xFFFFFF5D, v1  }
0x1a5: {  	v9 =	vmul.f32 v12, v26;
	v11 =	vadd.f32 v18, v29;
	v36 =	vld.idx.msk [tilespmem:v15+s4+$0x0], $0xffff;
	v15 =	vadd.s32 v33, v19  }
0x1a6: {  	v8 =	vmul.f32 v8, v4;
	v12 =	vmul.f32 v25, v27;
	v22 =	vld.idx.msk [tilespmem:v17+s15+$0x0], $0xffff  }
0x1a7: {  	v9 =	vadd.f32 v9, v6;
	v6 =	vmov v11;
	v19 =	vld.idx.msk [tilespmem:v30+s4+$0x0], $0xffff  }
.Ltmp5:
0x1a8: {  	v20 =	vadd.f32 v12, v7;
	v7 =	vadd.f32 v8, v5;
	v5 =	vmov v34;
	v21 =	vld.idx.msk [tilespmem:v33+s15+$0x0], $0xffff;
	(pc) =	sbr.rel @p0 .LBB2_13-.Ltmp5, $4  }
0x1a9: {  	v4 =	vmov v32;
	v11 =	vld.idx.msk [tilespmem:v23+s4+$0x0], $0xffff  }
0x1aa: {  	v8 =	vld.idx.msk [tilespmem:v31+s4+$0x0], $0xffff  }
0x1ab: {  	v23 =	vmul.f32 v36, v28;
	v18 =	vld.idx.msk [tilespmem:v33+s16+$0x0], $0xffff  }
0x1ac: {  	v12 =	vld.idx.msk [tilespmem:v35+s4+$0x0], $0xffff  }
0x1ad: {  	_ =	sdelay $0x3  }
0x1ae: {  	vm0 =	veq.s32 v24, $0xA3;
	v50 =	vadd.s32 $0x2, v24;
	v16 =	vld.idx.msk [tilespmem:v16+s4+$0x0], $0xffff  }
0x1af: {  	v22 =	vld.idx.msk [tilespmem:v22+s4+$0x0], $0xffff;
	v24 =	vsel vm0, $0x1, v50  }
0x1b0: {  	v17 =	vld.idx.msk [tilespmem:v17+s16+$0x0], $0xffff;
	v25 =	vsel vm0, $0xFFFFFF5D, v1;
	vm0 =	veq.s32 v24, $0xA4  }
0x1b1: {  	v21 =	vld.idx.msk [tilespmem:v21+s4+$0x0], $0xffff;
	v25 =	vadd.s32 v15, v25;
	v26 =	vsel vm0, $0xFFFFFF5D, v1;
	vm0 =	veq.s32 v24, $0xA3  }
0x1b2: {  	v51 =	vld.idx.msk [tilespmem:v15+s15+$0x0], $0xffff;
	v26 =	vadd.s32 v25, v26;
	v27 =	vsel vm0, $0xFFFFFF5D, v1  }
0x1b3: {  	v3 =	vld.idx.msk [tilespmem:v3+s16+$0x0], $0xffff;
	v27 =	vadd.s32 v27, v26  }
0x1b4: {  	v10 =	vld.idx.msk [tilespmem:v10+s16+$0x0], $0xffff  }
0x1b5: {  	v2 =	vld.idx.msk [tilespmem:v2+s16+$0x0], $0xffff  }
0x1b6: {  	v28 =	vld.idx.msk [tilespmem:v25+s15+$0x0], $0xffff  }
0x1b7: {  	v29 =	vld.idx.msk [tilespmem:v26+s15+$0x0], $0xffff  }
0x1b8: {  	v30 =	vld.idx.msk [tilespmem:v27+s15+$0x0], $0xffff  }
0x1b9: {  	v52 =	vld.idx.msk [tilespmem:v15+s16+$0x0], $0xffff  }
0x1ba: {  	v25 =	vld.idx.msk [tilespmem:v25+s16+$0x0], $0xffff  }
0x1bb: {  	v24 =	vld.idx.msk [tilespmem:v51+s4+$0x0], $0xffff  }
0x1bc: {  	v26 =	vld.idx.msk [tilespmem:v26+s16+$0x0], $0xffff  }
0x1bd: {  	v53 =	vld.idx.msk [tilespmem:v27+s16+$0x0], $0xffff  }
0x1be: {  	v13 =	vmul.f32 v19, v13;
	v28 =	vld.idx.msk [tilespmem:v28+s4+$0x0], $0xffff  }
0x1bf: {  	v20 =	vadd.f32 v23, v20;
	v4 =	vmul.f32 v8, v4;
	v29 =	vld.idx.msk [tilespmem:v29+s4+$0x0], $0xffff  }
0x1c0: {  	v13 =	vadd.f32 v13, v14;
	v17 =	vmul.f32 v22, v17;
	v3 =	vmul.f32 v11, v3;
	v54 =	vld.idx.msk [tilespmem:v30+s4+$0x0], $0xffff  }
0x1c1: {  	v4 =	vadd.f32 v4, v5;
	v55 =	vmul.f32 v21, v18;
	v2 =	vmul.f32 v16, v2  }
0x1c2: {  	v10 =	vmul.f32 v12, v10;
	v56 =	vadd.f32 v17, v20;
	v3 =	vadd.f32 v3, v9  }
0x1c3: {  	v2 =	vadd.f32 v2, v7;
	v58 =	vmul.f32 v24, v52;
	v59 =	vmul.f32 v28, v25  }
0x1c4: {  	v57 =	vadd.f32 v55, v13;
	v6 =	vadd.f32 v10, v6;
	v60 =	vmul.f32 v29, v26  }
0x1c5: {  	v2 =	vadd.f32 v58, v2;
	v3 =	vadd.f32 v59, v3;
	v61 =	vmul.f32 v54, v53  }
0x1c6: {  	v63 =	vadd.f32 v57, v56;
	v4 =	vadd.f32 v60, v4  }
0x1c7: {  	s28 =	sshll.u32 s26, $0x4;
	s26 =	sadd.s32 $0x1, s26;
	v2 =	vadd.f32 v3, v2;
	v62 =	vadd.f32 v61, v6  }
0x1c8: {  	p0 =	sne.s32 s26, $0x8  }
.Ltmp6:
0x1c9: {  	v2 =	vadd.f32 v2, v63;
	v3 =	vadd.f32 v62, v4;
	(pc) =	sbr.rel @p0 .LBB2_12-.Ltmp6, $4  }
0x1ca: {  	_ = 	snop  }
0x1cb: {  	v2 =	vadd.f32 v3, v2  }
0x1cc: {  	s28 =	sand.u32 $0x3FFFFFF0, s28  }
0x1cd: {  	[tilespmem:s28+$0x18A00] =	vst v2  }
0x1ce: {  	_ =	swait.ge [sflag:s23], $0x5200  }
0x1cf: {  	[sflag:s23] =	ssyncset.done $0x0  }
0x1d0: {  	[sflag:s23] =	ssyncadd.s32 $0xFFFFAE00  }
0x1d1: {  	_ =	swait.ge [sflag:s23], $0x5200  }
0x1d2: {  	[sflag:s23] =	ssyncset.done $0x0  }
0x1d3: {  	s26 =	simm.s32 $0x0;
	[sflag:s23] =	ssyncadd.s32 $0xFFFFAE00  }
.LBB2_16:
0x1d4: {  	v2 =	vlaneseq.u32  }
0x1d5: {  	s28 =	smul.u32 $0xA40, s26;
	v3 =	vmul.u32 $0xA5, v2;
	vm0 =	veq.s32 v2, $0xA3;
	v2 =	vadd.s32 $0x2, v2  }
0x1d6: {  	v2 =	vsel vm0, $0x1, v2  }
0x1d7: {  	v4 =	vadd.s32 s28, v3;
	vm15 =	veq.s32 v2, $0xA4;
	v2 =	vadd.s32 $0x1, v2  }
0x1d8: {  	v3 =	vsel vm0, $0xFFFFFF5D, v1;
	v5 =	vsel vm15, $0xFFFFFF5D, v1;
	v2 =	vsel vm15, $0x1, v2  }
0x1d9: {  	v6 =	vadd.s32 v4, v3;
	vm0 =	veq.s32 v2, $0xA4;
	v3 =	vadd.s32 $0x1, v2  }
0x1da: {  	v2 =	vadd.s32 v6, v5;
	v5 =	vsel vm0, $0xFFFFFF5D, v1;
	v7 =	vsel vm0, $0x1, v3  }
0x1db: {  	v3 =	vadd.s32 v2, v5;
	vm0 =	veq.s32 v7, $0xA4;
	v5 =	vadd.s32 $0x1, v7  }
0x1dc: {  	v7 =	vld.idx.msk [tilespmem:v4+s18+$0x0], $0xffff;
	v8 =	vsel vm0, $0xFFFFFF5D, v1;
	v5 =	vsel vm0, $0x1, v5  }
0x1dd: {  	v9 =	vld.idx.msk [tilespmem:v4+s17+$0x0], $0xffff;
	v4 =	vadd.s32 v3, v8;
	vm0 =	veq.s32 v5, $0xA4;
	v5 =	vadd.s32 $0x1, v5  }
0x1de: {  	v8 =	vld.idx.msk [tilespmem:v6+s17+$0x0], $0xffff;
	v10 =	vsel vm0, $0xFFFFFF5D, v1;
	v5 =	vsel vm0, $0x1, v5  }
0x1df: {  	v13 =	vld.idx.msk [tilespmem:v6+s18+$0x0], $0xffff;
	v10 =	vadd.s32 v4, v10;
	vm0 =	veq.s32 v5, $0xA4;
	v5 =	vadd.s32 $0x1, v5  }
0x1e0: {  	v16 =	vld.idx.msk [tilespmem:v2+s17+$0x0], $0xffff;
	v12 =	vsel vm0, $0xFFFFFF5D, v1;
	v5 =	vsel vm0, $0x1, v5  }
0x1e1: {  	v11 =	vld.idx.msk [tilespmem:v3+s17+$0x0], $0xffff;
	v17 =	vadd.s32 v10, v12;
	vm0 =	veq.s32 v5, $0xA4  }
0x1e2: {  	v6 =	vld.idx.msk [tilespmem:v4+s17+$0x0], $0xffff;
	v12 =	vsel vm0, $0xFFFFFF5D, v1  }
0x1e3: {  	v4 =	vld.idx.msk [tilespmem:v4+s18+$0x0], $0xffff;
	v12 =	vadd.s32 v17, v12  }
0x1e4: {  	v25 =	vld.idx.msk [tilespmem:v10+s17+$0x0], $0xffff  }
0x1e5: {  	v9 =	vld.idx.msk [tilespmem:v9+s4+$0x0], $0xffff  }
0x1e6: {  	v22 =	vld.idx.msk [tilespmem:v17+s17+$0x0], $0xffff  }
0x1e7: {  	v5 =	vadd.s32 $0x1, v5;
	v19 =	vld.idx.msk [tilespmem:v8+s4+$0x0], $0xffff  }
0x1e8: {  	v5 =	vsel vm0, $0x1, v5;
	v21 =	vld.idx.msk [tilespmem:v12+s17+$0x0], $0xffff  }
0x1e9: {  	v20 =	vimm.f32 $0.0e+00;
	vm0 =	veq.s32 v5, $0xA4;
	v11 =	vld.idx.msk [tilespmem:v11+s4+$0x0], $0xffff  }
0x1ea: {  	v14 =	vimm.f32 $0.0e+00;
	v24 =	vsel vm0, $0x0, v5;
	v8 =	vsel vm0, $0xFFFFFF5D, v1;
	v18 =	vld.idx.msk [tilespmem:v12+s18+$0x0], $0xffff  }
0x1eb: {  	v5 =	vimm.f32 $0.0e+00;
	v15 =	vadd.s32 v12, v8;
	v23 =	vmul.f32 v9, v7;
	v8 =	vld.idx.msk [tilespmem:v6+s4+$0x0], $0xffff  }
0x1ec: {  	s28 =	simm.s32 $0x0;
	v9 =	vimm.f32 $0.0e+00;
	v7 =	vimm.f32 $0.0e+00;
	v6 =	vimm.f32 $0.0e+00;
	v12 =	vld.idx.msk [tilespmem:v25+s4+$0x0], $0xffff  }
.LBB2_17:
0x1ed: {  	vm0 =	veq.s32 v24, $0xA3;
	v24 =	vadd.s32 $0x2, v24;
	s28 =	sadd.s32 $0x8, s28;
	v25 =	vld.idx.msk [tilespmem:v16+s4+$0x0], $0xffff  }
0x1ee: {  	v20 =	vadd.f32 v23, v20;
	v16 =	vsel vm0, $0x1, v24;
	p0 =	slt.u32 s28, $0x98;
	v22 =	vld.idx.msk [tilespmem:v22+s4+$0x0], $0xffff  }
0x1ef: {  	v13 =	vmul.f32 v19, v13;
	vm15 =	veq.s32 v16, $0xA4;
	v16 =	vadd.s32 $0x1, v16;
	v17 =	vld.idx.msk [tilespmem:v17+s18+$0x0], $0xffff  }
0x1f0: {  	v19 =	vsel vm0, $0xFFFFFF5D, v1;
	v23 =	vsel vm15, $0xFFFFFF5D, v1;
	v16 =	vsel vm15, $0x1, v16;
	v21 =	vld.idx.msk [tilespmem:v21+s4+$0x0], $0xffff  }
0x1f1: {  	v19 =	vadd.s32 v15, v19;
	vm0 =	veq.s32 v16, $0xA4;
	v16 =	vadd.s32 $0x1, v16;
	v24 =	vld.idx.msk [tilespmem:v3+s18+$0x0], $0xffff  }
0x1f2: {  	v23 =	vadd.s32 v19, v23;
	v3 =	vsel vm0, $0xFFFFFF5D, v1;
	v16 =	vsel vm0, $0x1, v16;
	v26 =	vld.idx.msk [tilespmem:v10+s18+$0x0], $0xffff  }
0x1f3: {  	v3 =	vadd.s32 v23, v3;
	vm0 =	veq.s32 v16, $0xA4;
	v10 =	vadd.s32 $0x1, v16;
	v27 =	vld.idx.msk [tilespmem:v2+s18+$0x0], $0xffff;
	v2 =	vmovc v23  }
0x1f4: {  	v29 =	vadd.f32 v13, v14;
	v28 =	vld.idx.msk [tilespmem:v15+s18+$0x0], $0xffff;
	v16 =	vsel vm0, $0xFFFFFF5D, v1;
	v10 =	vsel vm0, $0x1, v10  }
0x1f5: {  	v15 =	vld.idx.msk [tilespmem:v15+s17+$0x0], $0xffff;
	v14 =	vadd.s32 v3, v16;
	vm0 =	veq.s32 v10, $0xA4;
	v10 =	vadd.s32 $0x1, v10  }
0x1f6: {  	v18 =	vmul.f32 v21, v18;
	v30 =	vld.idx.msk [tilespmem:v19+s17+$0x0], $0xffff;
	v13 =	vsel vm0, $0xFFFFFF5D, v1;
	v31 =	vsel vm0, $0x1, v10  }
0x1f7: {  	v16 =	vld.idx.msk [tilespmem:v23+s17+$0x0], $0xffff;
	v10 =	vadd.s32 v14, v13;
	vm0 =	veq.s32 v31, $0xA4;
	v13 =	vadd.s32 $0x1, v31  }
0x1f8: {  	v22 =	vmul.f32 v22, v17;
	v23 =	vld.idx.msk [tilespmem:v3+s17+$0x0], $0xffff;
	v21 =	vsel vm0, $0xFFFFFF5D, v1;
	v31 =	vsel vm0, $0x1, v13  }
0x1f9: {  	v13 =	vld.idx.msk [tilespmem:v19+s18+$0x0], $0xffff;
	v17 =	vadd.s32 v10, v21;
	vm0 =	veq.s32 v31, $0xA4;
	v19 =	vadd.s32 $0x1, v31  }
0x1fa: {  	v11 =	vmul.f32 v11, v24;
	v31 =	vld.idx.msk [tilespmem:v14+s17+$0x0], $0xffff;
	v21 =	vsel vm0, $0xFFFFFF5D, v1;
	v19 =	vsel vm0, $0x1, v19  }
0x1fb: {  	v34 =	vadd.f32 v22, v20;
	v32 =	vld.idx.msk [tilespmem:v14+s18+$0x0], $0xffff;
	v33 =	vadd.s32 v17, v21;
	vm0 =	veq.s32 v19, $0xA4  }
0x1fc: {  	v14 =	vadd.f32 v11, v9;
	v35 =	vld.idx.msk [tilespmem:v10+s17+$0x0], $0xffff;
	v24 =	vsel vm0, $0x0, v19;
	v19 =	vsel vm0, $0xFFFFFF5D, v1  }
0x1fd: {  	v9 =	vmul.f32 v12, v26;
	v11 =	vadd.f32 v18, v29;
	v36 =	vld.idx.msk [tilespmem:v15+s4+$0x0], $0xffff;
	v15 =	vadd.s32 v33, v19  }
0x1fe: {  	v8 =	vmul.f32 v8, v4;
	v12 =	vmul.f32 v25, v27;
	v22 =	vld.idx.msk [tilespmem:v17+s17+$0x0], $0xffff  }
0x1ff: {  	v9 =	vadd.f32 v9, v6;
	v6 =	vmov v11;
	v19 =	vld.idx.msk [tilespmem:v30+s4+$0x0], $0xffff  }
.Ltmp7:
0x200: {  	v20 =	vadd.f32 v12, v7;
	v7 =	vadd.f32 v8, v5;
	v5 =	vmov v34;
	v21 =	vld.idx.msk [tilespmem:v33+s17+$0x0], $0xffff;
	(pc) =	sbr.rel @p0 .LBB2_17-.Ltmp7, $4  }
0x201: {  	v4 =	vmov v32;
	v11 =	vld.idx.msk [tilespmem:v23+s4+$0x0], $0xffff  }
0x202: {  	v8 =	vld.idx.msk [tilespmem:v31+s4+$0x0], $0xffff  }
0x203: {  	v23 =	vmul.f32 v36, v28;
	v18 =	vld.idx.msk [tilespmem:v33+s18+$0x0], $0xffff  }
0x204: {  	v12 =	vld.idx.msk [tilespmem:v35+s4+$0x0], $0xffff  }
0x205: {  	_ =	sdelay $0x3  }
0x206: {  	vm0 =	veq.s32 v24, $0xA3;
	v50 =	vadd.s32 $0x2, v24;
	v16 =	vld.idx.msk [tilespmem:v16+s4+$0x0], $0xffff  }
0x207: {  	v22 =	vld.idx.msk [tilespmem:v22+s4+$0x0], $0xffff;
	v24 =	vsel vm0, $0x1, v50  }
0x208: {  	v17 =	vld.idx.msk [tilespmem:v17+s18+$0x0], $0xffff;
	v25 =	vsel vm0, $0xFFFFFF5D, v1;
	vm0 =	veq.s32 v24, $0xA4  }
0x209: {  	v21 =	vld.idx.msk [tilespmem:v21+s4+$0x0], $0xffff;
	v25 =	vadd.s32 v15, v25;
	v26 =	vsel vm0, $0xFFFFFF5D, v1;
	vm0 =	veq.s32 v24, $0xA3  }
0x20a: {  	v51 =	vld.idx.msk [tilespmem:v15+s17+$0x0], $0xffff;
	v26 =	vadd.s32 v25, v26;
	v27 =	vsel vm0, $0xFFFFFF5D, v1  }
0x20b: {  	v3 =	vld.idx.msk [tilespmem:v3+s18+$0x0], $0xffff;
	v27 =	vadd.s32 v27, v26  }
0x20c: {  	v10 =	vld.idx.msk [tilespmem:v10+s18+$0x0], $0xffff  }
0x20d: {  	v2 =	vld.idx.msk [tilespmem:v2+s18+$0x0], $0xffff  }
0x20e: {  	v28 =	vld.idx.msk [tilespmem:v25+s17+$0x0], $0xffff  }
0x20f: {  	v29 =	vld.idx.msk [tilespmem:v26+s17+$0x0], $0xffff  }
0x210: {  	v30 =	vld.idx.msk [tilespmem:v27+s17+$0x0], $0xffff  }
0x211: {  	v52 =	vld.idx.msk [tilespmem:v15+s18+$0x0], $0xffff  }
0x212: {  	v25 =	vld.idx.msk [tilespmem:v25+s18+$0x0], $0xffff  }
0x213: {  	v24 =	vld.idx.msk [tilespmem:v51+s4+$0x0], $0xffff  }
0x214: {  	v26 =	vld.idx.msk [tilespmem:v26+s18+$0x0], $0xffff  }
0x215: {  	v53 =	vld.idx.msk [tilespmem:v27+s18+$0x0], $0xffff  }
0x216: {  	v13 =	vmul.f32 v19, v13;
	v28 =	vld.idx.msk [tilespmem:v28+s4+$0x0], $0xffff  }
0x217: {  	v20 =	vadd.f32 v23, v20;
	v4 =	vmul.f32 v8, v4;
	v29 =	vld.idx.msk [tilespmem:v29+s4+$0x0], $0xffff  }
0x218: {  	v13 =	vadd.f32 v13, v14;
	v17 =	vmul.f32 v22, v17;
	v3 =	vmul.f32 v11, v3;
	v54 =	vld.idx.msk [tilespmem:v30+s4+$0x0], $0xffff  }
0x219: {  	v4 =	vadd.f32 v4, v5;
	v55 =	vmul.f32 v21, v18;
	v2 =	vmul.f32 v16, v2  }
0x21a: {  	v10 =	vmul.f32 v12, v10;
	v56 =	vadd.f32 v17, v20;
	v3 =	vadd.f32 v3, v9  }
0x21b: {  	v2 =	vadd.f32 v2, v7;
	v58 =	vmul.f32 v24, v52;
	v59 =	vmul.f32 v28, v25  }
0x21c: {  	v57 =	vadd.f32 v55, v13;
	v6 =	vadd.f32 v10, v6;
	v60 =	vmul.f32 v29, v26  }
0x21d: {  	v2 =	vadd.f32 v58, v2;
	v3 =	vadd.f32 v59, v3;
	v61 =	vmul.f32 v54, v53  }
0x21e: {  	v63 =	vadd.f32 v57, v56;
	v4 =	vadd.f32 v60, v4  }
0x21f: {  	s28 =	sshll.u32 s26, $0x4;
	s26 =	sadd.s32 $0x1, s26;
	v2 =	vadd.f32 v3, v2;
	v62 =	vadd.f32 v61, v6  }
0x220: {  	p0 =	sne.s32 s26, $0x8  }
.Ltmp8:
0x221: {  	v2 =	vadd.f32 v2, v63;
	v3 =	vadd.f32 v62, v4;
	(pc) =	sbr.rel @p0 .LBB2_16-.Ltmp8, $4  }
0x222: {  	_ = 	snop  }
0x223: {  	v2 =	vadd.f32 v3, v2  }
0x224: {  	s28 =	sand.u32 $0x3FFFFFF0, s28  }
0x225: {  	[tilespmem:s28+$0x18A80] =	vst v2  }
0x226: {  	s25 =	sadd.s32 $0x1, s25  }
0x227: {  	p0 =	sne.s32 s25, s14  }
.Ltmp9:
0x228: {  	_ = 	snop;
	(pc) =	sbr.rel @p0 .LBB2_1-.Ltmp9, $4  }
0x229: {  	[hbm4b:s13+s4] =	stream.linear.scatter [tilespmem:s24], [sflag:$0x3], $0x200, $0x38;
	[tilespmem:$0x18B00] =	vst v63  }
0x22a: {  	_ =	swait.ge [sflag:s20], $0x200  }
0x22b: {  	[sflag:s20] =	ssyncset.done $0x0  }
0x22c: {  	[sflag:s20] =	ssyncadd.s32 $0xFFFFFE00  }
0x22d: {  	_ =	sfence.sel $0x180000  }
0x22e: {  	[bflag:$0x0] =	sbarrier.arrive $0xFFFF  }
0x22f: {  	p0 =	sne.s32 s1, $0x0;
	_ =	strace $0x90000047  }
0x230: {  	s0 =	sadd.s32 @!p0 $0x100000, s3;
	[bflag:$0x2] =	sbarrier.arrive $0xFFFF  }
0x231: {  	[sflag:s0] =	ssyncadd.tile.s32 @!p0 $0x1;
	_ =	shalt  }
.Lfunc_end2:
_tile_overlayer_lowered:
.L_overlay_start_2:
0x232: {  	(tag) =	ssettag $0x2  }
0x233: {  	s0 =	rddreg [dreg:$0x0];
	s2 =	stileid.u32  }
0x234: {  	s1 =	rddreg [dreg:$0x1];
	p0 =	sne.s32 s2, $0x0  }
0x235: {  	s3 =	rddreg [dreg:$0x2];
	[bflag:$0x3] =	sbarrier.arrive $0xFFFF;
	s2 =	simm.s32 @!p0 $0x1C03  }
0x236: {  	[timem:s3], [sflag:s2] =	dma.local @!p0 [hbm:s0], s1  }
0x237: {  	s0 =	simm.s32 @!p0 $0x3  }
0x238: {  	_ =	swait.ge @!p0 [sflag:s0], s1  }
0x239: {  	s1 =	ssub.s32 @!p0 $0x0, s1;
	[sflag:s0] =	ssyncset.done @!p0 $0x0  }
0x23a: {  	[sflag:s0] =	ssyncadd.s32 @!p0 s1  }
0x23b: {  	[bflag:$0x3] =	sbarrier.arrive $0xFFFF  }
0x23c: {  	_ =	shalt  }

</sc_bundles>
